<compile_context>
chip_gen: v7x
topology: tpu7x:2x2x1
jax: 0.10.2.dev20260603
libtpu: 0.0.44.dev20260713+nightly
codegen_flags: <defaults>
</compile_context>

<pallas_src>
import functools

import jax
import jax.numpy as jnp
from jax import lax
from jax.experimental import pallas as pl
from jax.experimental.pallas import tpu as pltpu
from jax.experimental.pallas import tpu_sc as plsc

L = 16
TOK = 128
NG = TOK // L


def _make_lookup(J, T, D):
    info = plsc.get_sparse_core_info()
    NC, NS = info.num_cores, info.num_subcores
    NW = NC * NS
    assert T % (NW * TOK) == 0 or T == NW * TOK
    mesh = plsc.VectorSubcoreMesh(core_axis_name="c", subcore_axis_name="s")

    @functools.partial(
        pl.kernel,
        mesh=mesh,
        out_type=jax.ShapeDtypeStruct((J, D, T), jnp.float32),
        scratch_types=[
            pltpu.VMEM((J, TOK), jnp.int32),
            pltpu.VMEM((TOK,), jnp.int32),
            pltpu.VMEM((TOK,), jnp.int32),
            pltpu.VMEM((TOK, 2 * D), jnp.float32),
            pltpu.VMEM((TOK, 2 * D), jnp.float32),
            pltpu.VMEM((D, TOK), jnp.float32),
            pltpu.VMEM((D, TOK), jnp.float32),
            pltpu.SemaphoreType.DMA,
            pltpu.SemaphoreType.DMA,
            pltpu.SemaphoreType.DMA,
            pltpu.SemaphoreType.DMA,
        ],
        compiler_params=pltpu.CompilerParams(needs_layout_passes=False),
    )
    def lookup(xt_hbm, tab_hbm, out_hbm, idx_all, i20, i21, buf0, buf1,
               st0, st1, sg0, sg1, sw0, sw1):
        wid = lax.axis_index("s") * NC + lax.axis_index("c")
        col0 = pl.multiple_of(wid * TOK, TOK)
        pltpu.sync_copy(xt_hbm.at[:, pl.ds(col0, TOK)], idx_all)

        idx2 = (i20, i21)
        bufs = (buf0, buf1)
        stag = (st0, st1)
        sg = (sg0, sg1)
        sw = (sw0, sw1)

        def compute_idx2(j, d):
            for g in range(NG):
                v = idx_all[j, pl.ds(L * g, L)]
                idx2[d][pl.ds(L * g, L)] = lax.shift_right_logical(v, 1)

        def fire_gather(d):
            pltpu.async_copy(tab_hbm.at[idx2[d]], bufs[d], sg[d])

        def wait_gather(d):
            pltpu.make_async_copy(tab_hbm.at[pl.ds(0, TOK)], bufs[d], sg[d]).wait()

        def select(j, d):
            iota = jnp.arange(L, dtype=jnp.int32)
            for half in range(2):
                for g in range(NG):
                    v = idx_all[j, pl.ds(L * g, L)]
                    sel = (v & 1) * D
                    trow = iota + (L * g)

                    def diag(k, c):
                        perm = (iota + k) & (L - 1)
                        for fb in (2 * half, 2 * half + 1):
                            frow = perm + (L * fb)
                            val = plsc.load_gather(bufs[d], [trow, sel + frow])
                            plsc.store_scatter(stag[d], [frow, trow], val)
                        return c

                    lax.fori_loop(0, L, diag, 0)
                for fg in range(4 * half, 4 * half + 4):
                    pltpu.async_copy(
                        stag[d].at[pl.ds(8 * fg, 8), :],
                        out_hbm.at[j, pl.ds(8 * fg, 8), pl.ds(col0, TOK)],
                        sw[d],
                    )



        def wait_write(j, d):
            pltpu.make_async_copy(
                stag[d], out_hbm.at[j, :, pl.ds(col0, TOK)], sw[d]
            ).wait()

        compute_idx2(0, 0)
        fire_gather(0)

        def pair(p, carry):
            for b in range(2):
                j = 2 * p + b

                @pl.when(j < J - 1)
                def _():
                    compute_idx2(j + 1, 1 - b)
                    fire_gather(1 - b)

                wait_gather(b)

                @pl.when(j >= 2)
                def _():
                    wait_write(j - 2, b)

                select(j, b)
            return carry

        lax.fori_loop(0, J // 2, pair, 0)
        wait_write(J - 2, 0)
        wait_write(J - 1, 1)

    return lookup


def kernel(x, table):
    T, J = x.shape
    V, D = table.shape
    xt = x.T.astype(jnp.int32)
    tab2 = table.reshape(V // 2, 2 * D)
    out3 = _make_lookup(J, T, D)(xt, tab2)
    return jnp.transpose(out3, (2, 0, 1))

# --- scband reference (transcript-rebuilt; emitter-appended) ---
"""Pipeline reference for scband-token-embedding-84842783965298 (READ-ONLY COPY).

The authoritative reference and input builder live on the scoring server;
editing this copy changes nothing except your own understanding.
"""

import jax, jax.numpy as jnp
import numpy as np

VOCAB = 1000000
EMBED_DIM = 64

def setup_inputs(seed: int = 0) -> dict:
    key = jax.random.key(seed)
    k1, k2 = jax.random.split(key)
    x = jax.random.randint(k1, (4096, 200), 0, VOCAB, dtype=jnp.int64 if jax.config.jax_enable_x64 else jnp.int32)
    table = jax.random.normal(k2, (VOCAB, EMBED_DIM), dtype=jnp.float32)
    return {"x": x, "table": table}

def reference(x, table):
    # Embedding lookup: gather rows of the table by token index.
    return jnp.take(table, x, axis=0)

if __name__ == "__main__":
    import jax
    _d = setup_inputs()
    print(jax.jit(kernel)(*tuple(_d.values())))

</pallas_src>

<mosaic_0001>
#map = affine_map<(d0, d1) -> (0, 0)>
#map1 = affine_map<(d0, d1) -> (0, 0, 0)>
module attributes {stable_mosaic.version = 14 : i64} {
  func.func @lookup(%arg0: i32, %arg1: i32, %arg2: memref<200x4096xi32, #tpu.memory_space<hbm>>, %arg3: memref<500000x128xf32, #tpu.memory_space<hbm>>, %arg4: memref<200x64x4096xf32, #tpu.memory_space<hbm>>, %arg5: memref<200x128xi32, #tpu.memory_space<vmem>>, %arg6: memref<128xi32, #tpu.memory_space<vmem>>, %arg7: memref<128xi32, #tpu.memory_space<vmem>>, %arg8: memref<128x128xf32, #tpu.memory_space<vmem>>, %arg9: memref<128x128xf32, #tpu.memory_space<vmem>>, %arg10: memref<64x128xf32, #tpu.memory_space<vmem>>, %arg11: memref<64x128xf32, #tpu.memory_space<vmem>>, %arg12: memref<!tpu.dma_semaphore, #tpu.memory_space<semaphore_mem>>, %arg13: memref<!tpu.dma_semaphore, #tpu.memory_space<semaphore_mem>>, %arg14: memref<!tpu.dma_semaphore, #tpu.memory_space<semaphore_mem>>, %arg15: memref<!tpu.dma_semaphore, #tpu.memory_space<semaphore_mem>>) attributes {dimension_semantics = [#tpu.dimension_semantics<core_parallel>, #tpu.dimension_semantics<subcore_parallel>], iteration_bounds = array<i64: 2, 16>, scalar_prefetch = 0 : i64, scratch_operands = 11 : i64, tpu.core_type = #tpu.core_type<sc_vector_subcore>, window_params = [{transform_indices = #map}, {transform_indices = #map}, {transform_indices = #map1}]} {
    %mul3A = arith.constant 2 : i32
    %mul3A_0 = arith.muli %arg1, %mul3A : i32
    %add3A = arith.addi %mul3A_0, %arg0 : i32
    %mul3A_1 = arith.constant 128 : i32
    %mul3A_2 = arith.muli %add3A, %mul3A_1 : i32
    %multiple_of3A = tpu.assume_multiple %mul3A_2, 128 : i32
    "tpu.region"() ({
      %run_scoped3A = tpu.sem_alloc : memref<!tpu.dma_semaphore, #tpu.memory_space<semaphore_mem>>
      %dma_start3A_92 = arith.constant 0 : i32
      %dma_start3A_93 = tpu.memref_slice %arg2[%dma_start3A_92, %multiple_of3A] : memref<200x4096xi32, #tpu.memory_space<hbm>> -> memref<200x128xi32, #tpu.memory_space<hbm>>
      %dma_start3A_94 = arith.constant 0 : i32
      %dma_start3A_95 = tpu.memref_slice %arg2[%dma_start3A_94, %multiple_of3A] : memref<200x4096xi32, #tpu.memory_space<hbm>> -> memref<200x128xi32, #tpu.memory_space<hbm>>
      tpu.enqueue_dma source(%dma_start3A_95 : memref<200x128xi32, #tpu.memory_space<hbm>>) target(%arg5 : memref<200x128xi32, #tpu.memory_space<vmem>>) target_semaphore(%run_scoped3A : memref<!tpu.dma_semaphore, #tpu.memory_space<semaphore_mem>>)
      %dma_wait3A_96 = arith.constant 0 : i32
      %dma_wait3A_97 = tpu.memref_slice %arg2[%dma_wait3A_96, %multiple_of3A] : memref<200x4096xi32, #tpu.memory_space<hbm>> -> memref<200x128xi32, #tpu.memory_space<hbm>>
      %dma_wait3A_98 = arith.constant 0 : i32
      %dma_wait3A_99 = tpu.memref_slice %arg2[%dma_wait3A_98, %multiple_of3A] : memref<200x4096xi32, #tpu.memory_space<hbm>> -> memref<200x128xi32, #tpu.memory_space<hbm>>
      tpu.wait_dma2 semaphore(%run_scoped3A : memref<!tpu.dma_semaphore, #tpu.memory_space<semaphore_mem>>) src(%dma_wait3A_99 : memref<200x128xi32, #tpu.memory_space<hbm>>) dst(%arg5 : memref<200x128xi32, #tpu.memory_space<vmem>>)
      tpu.yield
    }) : () -> ()
    %get3A = arith.constant 0 : i32
    %get3A_3 = arith.index_cast %get3A : i32 to index
    %get3A_4 = arith.constant 0 : index
    %get3A_5 = tpu.vector_load %arg5[%get3A_3, %get3A_4] {strides = array<i32>} : memref<200x128xi32, #tpu.memory_space<vmem>>, vector<16xi32>,
    %shift_right_logical3A = arith.constant 1 : i32
    %shift_right_logical3A_6 = vector.broadcast %shift_right_logical3A : i32 to vector<16xi32>
    %shift_right_logical3A_7 = arith.shrui %get3A_5, %shift_right_logical3A_6 : vector<16xi32>
    %swap3A = arith.constant 0 : index
    %swap3A_8 = tpu.vector_load %arg6[%swap3A] {strides = array<i32>} : memref<128xi32, #tpu.memory_space<vmem>>, vector<16xi32>,
    tpu.vector_store %arg6[%swap3A], %shift_right_logical3A_7 {strides = array<i32>} : memref<128xi32, #tpu.memory_space<vmem>>, vector<16xi32>,
    %get3A_9 = arith.constant 0 : i32
    %get3A_10 = arith.index_cast %get3A_9 : i32 to index
    %get3A_11 = arith.constant 16 : index
    %get3A_12 = tpu.vector_load %arg5[%get3A_10, %get3A_11] {strides = array<i32>} : memref<200x128xi32, #tpu.memory_space<vmem>>, vector<16xi32>,
    %shift_right_logical3A_13 = arith.constant 1 : i32
    %shift_right_logical3A_14 = vector.broadcast %shift_right_logical3A_13 : i32 to vector<16xi32>
    %shift_right_logical3A_15 = arith.shrui %get3A_12, %shift_right_logical3A_14 : vector<16xi32>
    %swap3A_16 = arith.constant 16 : index
    %swap3A_17 = tpu.vector_load %arg6[%swap3A_16] {strides = array<i32>} : memref<128xi32, #tpu.memory_space<vmem>>, vector<16xi32>,
    tpu.vector_store %arg6[%swap3A_16], %shift_right_logical3A_15 {strides = array<i32>} : memref<128xi32, #tpu.memory_space<vmem>>, vector<16xi32>,
    %get3A_18 = arith.constant 0 : i32
    %get3A_19 = arith.index_cast %get3A_18 : i32 to index
    %get3A_20 = arith.constant 32 : index
    %get3A_21 = tpu.vector_load %arg5[%get3A_19, %get3A_20] {strides = array<i32>} : memref<200x128xi32, #tpu.memory_space<vmem>>, vector<16xi32>,
    %shift_right_logical3A_22 = arith.constant 1 : i32
    %shift_right_logical3A_23 = vector.broadcast %shift_right_logical3A_22 : i32 to vector<16xi32>
    %shift_right_logical3A_24 = arith.shrui %get3A_21, %shift_right_logical3A_23 : vector<16xi32>
    %swap3A_25 = arith.constant 32 : index
    %swap3A_26 = tpu.vector_load %arg6[%swap3A_25] {strides = array<i32>} : memref<128xi32, #tpu.memory_space<vmem>>, vector<16xi32>,
    tpu.vector_store %arg6[%swap3A_25], %shift_right_logical3A_24 {strides = array<i32>} : memref<128xi32, #tpu.memory_space<vmem>>, vector<16xi32>,
    %get3A_27 = arith.constant 0 : i32
    %get3A_28 = arith.index_cast %get3A_27 : i32 to index
    %get3A_29 = arith.constant 48 : index
    %get3A_30 = tpu.vector_load %arg5[%get3A_28, %get3A_29] {strides = array<i32>} : memref<200x128xi32, #tpu.memory_space<vmem>>, vector<16xi32>,
    %shift_right_logical3A_31 = arith.constant 1 : i32
    %shift_right_logical3A_32 = vector.broadcast %shift_right_logical3A_31 : i32 to vector<16xi32>
    %shift_right_logical3A_33 = arith.shrui %get3A_30, %shift_right_logical3A_32 : vector<16xi32>
    %swap3A_34 = arith.constant 48 : index
    %swap3A_35 = tpu.vector_load %arg6[%swap3A_34] {strides = array<i32>} : memref<128xi32, #tpu.memory_space<vmem>>, vector<16xi32>,
    tpu.vector_store %arg6[%swap3A_34], %shift_right_logical3A_33 {strides = array<i32>} : memref<128xi32, #tpu.memory_space<vmem>>, vector<16xi32>,
    %get3A_36 = arith.constant 0 : i32
    %get3A_37 = arith.index_cast %get3A_36 : i32 to index
    %get3A_38 = arith.constant 64 : index
    %get3A_39 = tpu.vector_load %arg5[%get3A_37, %get3A_38] {strides = array<i32>} : memref<200x128xi32, #tpu.memory_space<vmem>>, vector<16xi32>,
    %shift_right_logical3A_40 = arith.constant 1 : i32
    %shift_right_logical3A_41 = vector.broadcast %shift_right_logical3A_40 : i32 to vector<16xi32>
    %shift_right_logical3A_42 = arith.shrui %get3A_39, %shift_right_logical3A_41 : vector<16xi32>
    %swap3A_43 = arith.constant 64 : index
    %swap3A_44 = tpu.vector_load %arg6[%swap3A_43] {strides = array<i32>} : memref<128xi32, #tpu.memory_space<vmem>>, vector<16xi32>,
    tpu.vector_store %arg6[%swap3A_43], %shift_right_logical3A_42 {strides = array<i32>} : memref<128xi32, #tpu.memory_space<vmem>>, vector<16xi32>,
    %get3A_45 = arith.constant 0 : i32
    %get3A_46 = arith.index_cast %get3A_45 : i32 to index
    %get3A_47 = arith.constant 80 : index
    %get3A_48 = tpu.vector_load %arg5[%get3A_46, %get3A_47] {strides = array<i32>} : memref<200x128xi32, #tpu.memory_space<vmem>>, vector<16xi32>,
    %shift_right_logical3A_49 = arith.constant 1 : i32
    %shift_right_logical3A_50 = vector.broadcast %shift_right_logical3A_49 : i32 to vector<16xi32>
    %shift_right_logical3A_51 = arith.shrui %get3A_48, %shift_right_logical3A_50 : vector<16xi32>
    %swap3A_52 = arith.constant 80 : index
    %swap3A_53 = tpu.vector_load %arg6[%swap3A_52] {strides = array<i32>} : memref<128xi32, #tpu.memory_space<vmem>>, vector<16xi32>,
    tpu.vector_store %arg6[%swap3A_52], %shift_right_logical3A_51 {strides = array<i32>} : memref<128xi32, #tpu.memory_space<vmem>>, vector<16xi32>,
    %get3A_54 = arith.constant 0 : i32
    %get3A_55 = arith.index_cast %get3A_54 : i32 to index
    %get3A_56 = arith.constant 96 : index
    %get3A_57 = tpu.vector_load %arg5[%get3A_55, %get3A_56] {strides = array<i32>} : memref<200x128xi32, #tpu.memory_space<vmem>>, vector<16xi32>,
    %shift_right_logical3A_58 = arith.constant 1 : i32
    %shift_right_logical3A_59 = vector.broadcast %shift_right_logical3A_58 : i32 to vector<16xi32>
    %shift_right_logical3A_60 = arith.shrui %get3A_57, %shift_right_logical3A_59 : vector<16xi32>
    %swap3A_61 = arith.constant 96 : index
    %swap3A_62 = tpu.vector_load %arg6[%swap3A_61] {strides = array<i32>} : memref<128xi32, #tpu.memory_space<vmem>>, vector<16xi32>,
    tpu.vector_store %arg6[%swap3A_61], %shift_right_logical3A_60 {strides = array<i32>} : memref<128xi32, #tpu.memory_space<vmem>>, vector<16xi32>,
    %get3A_63 = arith.constant 0 : i32
    %get3A_64 = arith.index_cast %get3A_63 : i32 to index
    %get3A_65 = arith.constant 112 : index
    %get3A_66 = tpu.vector_load %arg5[%get3A_64, %get3A_65] {strides = array<i32>} : memref<200x128xi32, #tpu.memory_space<vmem>>, vector<16xi32>,
    %shift_right_logical3A_67 = arith.constant 1 : i32
    %shift_right_logical3A_68 = vector.broadcast %shift_right_logical3A_67 : i32 to vector<16xi32>
    %shift_right_logical3A_69 = arith.shrui %get3A_66, %shift_right_logical3A_68 : vector<16xi32>
    %swap3A_70 = arith.constant 112 : index
    %swap3A_71 = tpu.vector_load %arg6[%swap3A_70] {strides = array<i32>} : memref<128xi32, #tpu.memory_space<vmem>>, vector<16xi32>,
    tpu.vector_store %arg6[%swap3A_70], %shift_right_logical3A_69 {strides = array<i32>} : memref<128xi32, #tpu.memory_space<vmem>>, vector<16xi32>,
    %dma_start3A = arith.constant 0 : i32
    %dma_start3A_72 = arith.constant 0 : i32
    %dma_start3A_73 = tpu.memref_slice %arg3[%dma_start3A, %dma_start3A_72] : memref<500000x128xf32, #tpu.memory_space<hbm>> -> memref<500000x128xf32, #tpu.memory_space<hbm>>
    tpu.enqueue_indirect_dma source(%dma_start3A_73 : memref<500000x128xf32, #tpu.memory_space<hbm>>) target(%arg8 : memref<128x128xf32, #tpu.memory_space<vmem>>) offsets(%arg6 : memref<128xi32, #tpu.memory_space<vmem>>) semaphore(%arg12 : memref<!tpu.dma_semaphore, #tpu.memory_space<semaphore_mem>>)
    %scan3A = arith.constant 0 : i32
    %scan3A_74 = arith.constant 0 : i32
    %scan3A_75 = arith.constant 100 : i32
    %scan3A_76 = arith.addi %scan3A_74, %scan3A_75 : i32
    %scan3A_77 = arith.constant 1 : i32
    scf.for %scan3A_92 = %scan3A_74 to %scan3A_76 step %scan3A_77  : i32 {
      %mul3A_93 = arith.constant 2 : i32
      %mul3A_94 = arith.muli %mul3A_93, %scan3A_92 : i32
      %add3A_95 = arith.constant 0 : i32
      %add3A_96 = arith.addi %mul3A_94, %add3A_95 : i32
      %lt3A = arith.constant 199 : i32
      %lt3A_97 = arith.cmpi slt, %add3A_96, %lt3A : i32
      %convert_element_type3A = arith.extui %lt3A_97 : i1 to i32
      %cond3A = arith.constant 0 : i32
      %cond3A_98 = arith.cmpi ne, %convert_element_type3A, %cond3A : i32
      scf.if %cond3A_98 {
        %add3A_897 = arith.constant 1 : i32
        %add3A_898 = arith.addi %add3A_96, %add3A_897 : i32
        %get3A_899 = arith.index_cast %add3A_898 : i32 to index
        %get3A_900 = arith.constant 0 : index
        %get3A_901 = tpu.vector_load %arg5[%get3A_899, %get3A_900] {strides = array<i32>} : memref<200x128xi32, #tpu.memory_space<vmem>>, vector<16xi32>,
        %shift_right_logical3A_902 = arith.constant 1 : i32
        %shift_right_logical3A_903 = vector.broadcast %shift_right_logical3A_902 : i32 to vector<16xi32>
        %shift_right_logical3A_904 = arith.shrui %get3A_901, %shift_right_logical3A_903 : vector<16xi32>
        %swap3A_905 = arith.constant 0 : index
        %swap3A_906 = tpu.vector_load %arg7[%swap3A_905] {strides = array<i32>} : memref<128xi32, #tpu.memory_space<vmem>>, vector<16xi32>,
        tpu.vector_store %arg7[%swap3A_905], %shift_right_logical3A_904 {strides = array<i32>} : memref<128xi32, #tpu.memory_space<vmem>>, vector<16xi32>,
        %get3A_907 = arith.index_cast %add3A_898 : i32 to index
        %get3A_908 = arith.constant 16 : index
        %get3A_909 = tpu.vector_load %arg5[%get3A_907, %get3A_908] {strides = array<i32>} : memref<200x128xi32, #tpu.memory_space<vmem>>, vector<16xi32>,
        %shift_right_logical3A_910 = arith.constant 1 : i32
        %shift_right_logical3A_911 = vector.broadcast %shift_right_logical3A_910 : i32 to vector<16xi32>
        %shift_right_logical3A_912 = arith.shrui %get3A_909, %shift_right_logical3A_911 : vector<16xi32>
        %swap3A_913 = arith.constant 16 : index
        %swap3A_914 = tpu.vector_load %arg7[%swap3A_913] {strides = array<i32>} : memref<128xi32, #tpu.memory_space<vmem>>, vector<16xi32>,
        tpu.vector_store %arg7[%swap3A_913], %shift_right_logical3A_912 {strides = array<i32>} : memref<128xi32, #tpu.memory_space<vmem>>, vector<16xi32>,
        %get3A_915 = arith.index_cast %add3A_898 : i32 to index
        %get3A_916 = arith.constant 32 : index
        %get3A_917 = tpu.vector_load %arg5[%get3A_915, %get3A_916] {strides = array<i32>} : memref<200x128xi32, #tpu.memory_space<vmem>>, vector<16xi32>,
        %shift_right_logical3A_918 = arith.constant 1 : i32
        %shift_right_logical3A_919 = vector.broadcast %shift_right_logical3A_918 : i32 to vector<16xi32>
        %shift_right_logical3A_920 = arith.shrui %get3A_917, %shift_right_logical3A_919 : vector<16xi32>
        %swap3A_921 = arith.constant 32 : index
        %swap3A_922 = tpu.vector_load %arg7[%swap3A_921] {strides = array<i32>} : memref<128xi32, #tpu.memory_space<vmem>>, vector<16xi32>,
        tpu.vector_store %arg7[%swap3A_921], %shift_right_logical3A_920 {strides = array<i32>} : memref<128xi32, #tpu.memory_space<vmem>>, vector<16xi32>,
        %get3A_923 = arith.index_cast %add3A_898 : i32 to index
        %get3A_924 = arith.constant 48 : index
        %get3A_925 = tpu.vector_load %arg5[%get3A_923, %get3A_924] {strides = array<i32>} : memref<200x128xi32, #tpu.memory_space<vmem>>, vector<16xi32>,
        %shift_right_logical3A_926 = arith.constant 1 : i32
        %shift_right_logical3A_927 = vector.broadcast %shift_right_logical3A_926 : i32 to vector<16xi32>
        %shift_right_logical3A_928 = arith.shrui %get3A_925, %shift_right_logical3A_927 : vector<16xi32>
        %swap3A_929 = arith.constant 48 : index
        %swap3A_930 = tpu.vector_load %arg7[%swap3A_929] {strides = array<i32>} : memref<128xi32, #tpu.memory_space<vmem>>, vector<16xi32>,
        tpu.vector_store %arg7[%swap3A_929], %shift_right_logical3A_928 {strides = array<i32>} : memref<128xi32, #tpu.memory_space<vmem>>, vector<16xi32>,
        %get3A_931 = arith.index_cast %add3A_898 : i32 to index
        %get3A_932 = arith.constant 64 : index
        %get3A_933 = tpu.vector_load %arg5[%get3A_931, %get3A_932] {strides = array<i32>} : memref<200x128xi32, #tpu.memory_space<vmem>>, vector<16xi32>,
        %shift_right_logical3A_934 = arith.constant 1 : i32
        %shift_right_logical3A_935 = vector.broadcast %shift_right_logical3A_934 : i32 to vector<16xi32>
        %shift_right_logical3A_936 = arith.shrui %get3A_933, %shift_right_logical3A_935 : vector<16xi32>
        %swap3A_937 = arith.constant 64 : index
        %swap3A_938 = tpu.vector_load %arg7[%swap3A_937] {strides = array<i32>} : memref<128xi32, #tpu.memory_space<vmem>>, vector<16xi32>,
        tpu.vector_store %arg7[%swap3A_937], %shift_right_logical3A_936 {strides = array<i32>} : memref<128xi32, #tpu.memory_space<vmem>>, vector<16xi32>,
        %get3A_939 = arith.index_cast %add3A_898 : i32 to index
        %get3A_940 = arith.constant 80 : index
        %get3A_941 = tpu.vector_load %arg5[%get3A_939, %get3A_940] {strides = array<i32>} : memref<200x128xi32, #tpu.memory_space<vmem>>, vector<16xi32>,
        %shift_right_logical3A_942 = arith.constant 1 : i32
        %shift_right_logical3A_943 = vector.broadcast %shift_right_logical3A_942 : i32 to vector<16xi32>
        %shift_right_logical3A_944 = arith.shrui %get3A_941, %shift_right_logical3A_943 : vector<16xi32>
        %swap3A_945 = arith.constant 80 : index
        %swap3A_946 = tpu.vector_load %arg7[%swap3A_945] {strides = array<i32>} : memref<128xi32, #tpu.memory_space<vmem>>, vector<16xi32>,
        tpu.vector_store %arg7[%swap3A_945], %shift_right_logical3A_944 {strides = array<i32>} : memref<128xi32, #tpu.memory_space<vmem>>, vector<16xi32>,
        %get3A_947 = arith.index_cast %add3A_898 : i32 to index
        %get3A_948 = arith.constant 96 : index
        %get3A_949 = tpu.vector_load %arg5[%get3A_947, %get3A_948] {strides = array<i32>} : memref<200x128xi32, #tpu.memory_space<vmem>>, vector<16xi32>,
        %shift_right_logical3A_950 = arith.constant 1 : i32
        %shift_right_logical3A_951 = vector.broadcast %shift_right_logical3A_950 : i32 to vector<16xi32>
        %shift_right_logical3A_952 = arith.shrui %get3A_949, %shift_right_logical3A_951 : vector<16xi32>
        %swap3A_953 = arith.constant 96 : index
        %swap3A_954 = tpu.vector_load %arg7[%swap3A_953] {strides = array<i32>} : memref<128xi32, #tpu.memory_space<vmem>>, vector<16xi32>,
        tpu.vector_store %arg7[%swap3A_953], %shift_right_logical3A_952 {strides = array<i32>} : memref<128xi32, #tpu.memory_space<vmem>>, vector<16xi32>,
        %get3A_955 = arith.index_cast %add3A_898 : i32 to index
        %get3A_956 = arith.constant 112 : index
        %get3A_957 = tpu.vector_load %arg5[%get3A_955, %get3A_956] {strides = array<i32>} : memref<200x128xi32, #tpu.memory_space<vmem>>, vector<16xi32>,
        %shift_right_logical3A_958 = arith.constant 1 : i32
        %shift_right_logical3A_959 = vector.broadcast %shift_right_logical3A_958 : i32 to vector<16xi32>
        %shift_right_logical3A_960 = arith.shrui %get3A_957, %shift_right_logical3A_959 : vector<16xi32>
        %swap3A_961 = arith.constant 112 : index
        %swap3A_962 = tpu.vector_load %arg7[%swap3A_961] {strides = array<i32>} : memref<128xi32, #tpu.memory_space<vmem>>, vector<16xi32>,
        tpu.vector_store %arg7[%swap3A_961], %shift_right_logical3A_960 {strides = array<i32>} : memref<128xi32, #tpu.memory_space<vmem>>, vector<16xi32>,
        %dma_start3A_963 = arith.constant 0 : i32
        %dma_start3A_964 = arith.constant 0 : i32
        %dma_start3A_965 = tpu.memref_slice %arg3[%dma_start3A_963, %dma_start3A_964] : memref<500000x128xf32, #tpu.memory_space<hbm>> -> memref<500000x128xf32, #tpu.memory_space<hbm>>
        tpu.enqueue_indirect_dma source(%dma_start3A_965 : memref<500000x128xf32, #tpu.memory_space<hbm>>) target(%arg9 : memref<128x128xf32, #tpu.memory_space<vmem>>) offsets(%arg7 : memref<128xi32, #tpu.memory_space<vmem>>) semaphore(%arg13 : memref<!tpu.dma_semaphore, #tpu.memory_space<semaphore_mem>>)
      } else {
      }
      %dma_wait3A_99 = arith.constant 0 : i32
      %dma_wait3A_100 = arith.constant 0 : i32
      %dma_wait3A_101 = tpu.memref_slice %arg3[%dma_wait3A_99, %dma_wait3A_100] : memref<500000x128xf32, #tpu.memory_space<hbm>> -> memref<128x128xf32, #tpu.memory_space<hbm>>
      %dma_wait3A_102 = arith.constant 0 : i32
      %dma_wait3A_103 = arith.constant 0 : i32
      %dma_wait3A_104 = tpu.memref_slice %arg3[%dma_wait3A_102, %dma_wait3A_103] : memref<500000x128xf32, #tpu.memory_space<hbm>> -> memref<128x128xf32, #tpu.memory_space<hbm>>
      tpu.wait_dma2 semaphore(%arg12 : memref<!tpu.dma_semaphore, #tpu.memory_space<semaphore_mem>>) src(%dma_wait3A_104 : memref<128x128xf32, #tpu.memory_space<hbm>>) dst(%arg8 : memref<128x128xf32, #tpu.memory_space<vmem>>)
      %ge3A = arith.constant 2 : i32
      %ge3A_105 = arith.cmpi sge, %add3A_96, %ge3A : i32
      %convert_element_type3A_106 = arith.extui %ge3A_105 : i1 to i32
      %cond3A_107 = arith.constant 0 : i32
      %cond3A_108 = arith.cmpi ne, %convert_element_type3A_106, %cond3A_107 : i32
      scf.if %cond3A_108 {
        %sub3A = arith.constant 2 : i32
        %sub3A_897 = arith.subi %add3A_96, %sub3A : i32
        %dma_wait3A_898 = arith.constant 0 : i32
        %dma_wait3A_899 = tpu.memref_slice %arg4[%sub3A_897, %dma_wait3A_898, %multiple_of3A] : memref<200x64x4096xf32, #tpu.memory_space<hbm>> -> memref<1x64x128xf32, #tpu.memory_space<hbm>>
        %dma_wait3A_900 = tpu.memref_squeeze %dma_wait3A_899 : memref<1x64x128xf32, #tpu.memory_space<hbm>> -> memref<64x128xf32, #tpu.memory_space<hbm>>
        %dma_wait3A_901 = arith.constant 0 : i32
        %dma_wait3A_902 = tpu.memref_slice %arg4[%sub3A_897, %dma_wait3A_901, %multiple_of3A] : memref<200x64x4096xf32, #tpu.memory_space<hbm>> -> memref<1x64x128xf32, #tpu.memory_space<hbm>>
        %dma_wait3A_903 = tpu.memref_squeeze %dma_wait3A_902 : memref<1x64x128xf32, #tpu.memory_space<hbm>> -> memref<64x128xf32, #tpu.memory_space<hbm>>
        tpu.wait_dma2 semaphore(%arg14 : memref<!tpu.dma_semaphore, #tpu.memory_space<semaphore_mem>>) src(%arg10 : memref<64x128xf32, #tpu.memory_space<vmem>>) dst(%dma_wait3A_903 : memref<64x128xf32, #tpu.memory_space<hbm>>)
      } else {
      }
      %iota3A = tpu.iota {dimensions = array<i32: 0>} : vector<16xi32>
      %get3A_109 = arith.index_cast %add3A_96 : i32 to index
      %get3A_110 = arith.constant 0 : index
      %get3A_111 = tpu.vector_load %arg5[%get3A_109, %get3A_110] {strides = array<i32>} : memref<200x128xi32, #tpu.memory_space<vmem>>, vector<16xi32>,
      %and3A = arith.constant 1 : i32
      %and3A_112 = vector.broadcast %and3A : i32 to vector<16xi32>
      %and3A_113 = arith.andi %get3A_111, %and3A_112 : vector<16xi32>
      %mul3A_114 = arith.constant 64 : i32
      %mul3A_115 = vector.broadcast %mul3A_114 : i32 to vector<16xi32>
      %mul3A_116 = arith.muli %and3A_113, %mul3A_115 : vector<16xi32>
      %add3A_117 = arith.constant 0 : i32
      %add3A_118 = vector.broadcast %add3A_117 : i32 to vector<16xi32>
      %add3A_119 = arith.addi %iota3A, %add3A_118 : vector<16xi32>
      %scan3A_120 = arith.constant 0 : i32
      %scan3A_121 = arith.constant 0 : i32
      %scan3A_122 = arith.constant 16 : i32
      %scan3A_123 = arith.addi %scan3A_121, %scan3A_122 : i32
      %scan3A_124 = arith.constant 1 : i32
      scf.for %scan3A_897 = %scan3A_121 to %scan3A_123 step %scan3A_124  : i32 {
        %add3A_898 = vector.broadcast %scan3A_897 : i32 to vector<16xi32>
        %add3A_899 = arith.addi %iota3A, %add3A_898 : vector<16xi32>
        %and3A_900 = arith.constant 15 : i32
        %and3A_901 = vector.broadcast %and3A_900 : i32 to vector<16xi32>
        %and3A_902 = arith.andi %add3A_899, %and3A_901 : vector<16xi32>
        %add3A_903 = arith.constant 0 : i32
        %add3A_904 = vector.broadcast %add3A_903 : i32 to vector<16xi32>
        %add3A_905 = arith.addi %and3A_902, %add3A_904 : vector<16xi32>
        %add3A_906 = arith.addi %mul3A_116, %add3A_905 : vector<16xi32>
        %gather3A = tpu.vector_load_idx %arg8[%add3A_119, %add3A_906] : memref<128x128xf32, #tpu.memory_space<vmem>>[vector<16xi32>, vector<16xi32>], vector<16xf32>,
        tpu.vector_store_idx %arg10[%add3A_905, %add3A_119], %gather3A : memref<64x128xf32, #tpu.memory_space<vmem>>[vector<16xi32>, vector<16xi32>], vector<16xf32>,
        %add3A_907 = arith.constant 16 : i32
        %add3A_908 = vector.broadcast %add3A_907 : i32 to vector<16xi32>
        %add3A_909 = arith.addi %and3A_902, %add3A_908 : vector<16xi32>
        %add3A_910 = arith.addi %mul3A_116, %add3A_909 : vector<16xi32>
        %gather3A_911 = tpu.vector_load_idx %arg8[%add3A_119, %add3A_910] : memref<128x128xf32, #tpu.memory_space<vmem>>[vector<16xi32>, vector<16xi32>], vector<16xf32>,
        tpu.vector_store_idx %arg10[%add3A_909, %add3A_119], %gather3A_911 : memref<64x128xf32, #tpu.memory_space<vmem>>[vector<16xi32>, vector<16xi32>], vector<16xf32>,
      }
      %scan3A_125 = arith.constant 16 : i32
      %get3A_126 = arith.index_cast %add3A_96 : i32 to index
      %get3A_127 = arith.constant 16 : index
      %get3A_128 = tpu.vector_load %arg5[%get3A_126, %get3A_127] {strides = array<i32>} : memref<200x128xi32, #tpu.memory_space<vmem>>, vector<16xi32>,
      %and3A_129 = arith.constant 1 : i32
      %and3A_130 = vector.broadcast %and3A_129 : i32 to vector<16xi32>
      %and3A_131 = arith.andi %get3A_128, %and3A_130 : vector<16xi32>
      %mul3A_132 = arith.constant 64 : i32
      %mul3A_133 = vector.broadcast %mul3A_132 : i32 to vector<16xi32>
      %mul3A_134 = arith.muli %and3A_131, %mul3A_133 : vector<16xi32>
      %add3A_135 = arith.constant 16 : i32
      %add3A_136 = vector.broadcast %add3A_135 : i32 to vector<16xi32>
      %add3A_137 = arith.addi %iota3A, %add3A_136 : vector<16xi32>
      %scan3A_138 = arith.constant 0 : i32
      %scan3A_139 = arith.constant 0 : i32
      %scan3A_140 = arith.constant 16 : i32
      %scan3A_141 = arith.addi %scan3A_139, %scan3A_140 : i32
      %scan3A_142 = arith.constant 1 : i32
      scf.for %scan3A_897 = %scan3A_139 to %scan3A_141 step %scan3A_142  : i32 {
        %add3A_898 = vector.broadcast %scan3A_897 : i32 to vector<16xi32>
        %add3A_899 = arith.addi %iota3A, %add3A_898 : vector<16xi32>
        %and3A_900 = arith.constant 15 : i32
        %and3A_901 = vector.broadcast %and3A_900 : i32 to vector<16xi32>
        %and3A_902 = arith.andi %add3A_899, %and3A_901 : vector<16xi32>
        %add3A_903 = arith.constant 0 : i32
        %add3A_904 = vector.broadcast %add3A_903 : i32 to vector<16xi32>
        %add3A_905 = arith.addi %and3A_902, %add3A_904 : vector<16xi32>
        %add3A_906 = arith.addi %mul3A_134, %add3A_905 : vector<16xi32>
        %gather3A = tpu.vector_load_idx %arg8[%add3A_137, %add3A_906] : memref<128x128xf32, #tpu.memory_space<vmem>>[vector<16xi32>, vector<16xi32>], vector<16xf32>,
        tpu.vector_store_idx %arg10[%add3A_905, %add3A_137], %gather3A : memref<64x128xf32, #tpu.memory_space<vmem>>[vector<16xi32>, vector<16xi32>], vector<16xf32>,
        %add3A_907 = arith.constant 16 : i32
        %add3A_908 = vector.broadcast %add3A_907 : i32 to vector<16xi32>
        %add3A_909 = arith.addi %and3A_902, %add3A_908 : vector<16xi32>
        %add3A_910 = arith.addi %mul3A_134, %add3A_909 : vector<16xi32>
        %gather3A_911 = tpu.vector_load_idx %arg8[%add3A_137, %add3A_910] : memref<128x128xf32, #tpu.memory_space<vmem>>[vector<16xi32>, vector<16xi32>], vector<16xf32>,
        tpu.vector_store_idx %arg10[%add3A_909, %add3A_137], %gather3A_911 : memref<64x128xf32, #tpu.memory_space<vmem>>[vector<16xi32>, vector<16xi32>], vector<16xf32>,
      }
      %scan3A_143 = arith.constant 16 : i32
      %get3A_144 = arith.index_cast %add3A_96 : i32 to index
      %get3A_145 = arith.constant 32 : index
      %get3A_146 = tpu.vector_load %arg5[%get3A_144, %get3A_145] {strides = array<i32>} : memref<200x128xi32, #tpu.memory_space<vmem>>, vector<16xi32>,
      %and3A_147 = arith.constant 1 : i32
      %and3A_148 = vector.broadcast %and3A_147 : i32 to vector<16xi32>
      %and3A_149 = arith.andi %get3A_146, %and3A_148 : vector<16xi32>
      %mul3A_150 = arith.constant 64 : i32
      %mul3A_151 = vector.broadcast %mul3A_150 : i32 to vector<16xi32>
      %mul3A_152 = arith.muli %and3A_149, %mul3A_151 : vector<16xi32>
      %add3A_153 = arith.constant 32 : i32
      %add3A_154 = vector.broadcast %add3A_153 : i32 to vector<16xi32>
      %add3A_155 = arith.addi %iota3A, %add3A_154 : vector<16xi32>
      %scan3A_156 = arith.constant 0 : i32
      %scan3A_157 = arith.constant 0 : i32
      %scan3A_158 = arith.constant 16 : i32
      %scan3A_159 = arith.addi %scan3A_157, %scan3A_158 : i32
      %scan3A_160 = arith.constant 1 : i32
      scf.for %scan3A_897 = %scan3A_157 to %scan3A_159 step %scan3A_160  : i32 {
        %add3A_898 = vector.broadcast %scan3A_897 : i32 to vector<16xi32>
        %add3A_899 = arith.addi %iota3A, %add3A_898 : vector<16xi32>
        %and3A_900 = arith.constant 15 : i32
        %and3A_901 = vector.broadcast %and3A_900 : i32 to vector<16xi32>
        %and3A_902 = arith.andi %add3A_899, %and3A_901 : vector<16xi32>
        %add3A_903 = arith.constant 0 : i32
        %add3A_904 = vector.broadcast %add3A_903 : i32 to vector<16xi32>
        %add3A_905 = arith.addi %and3A_902, %add3A_904 : vector<16xi32>
        %add3A_906 = arith.addi %mul3A_152, %add3A_905 : vector<16xi32>
        %gather3A = tpu.vector_load_idx %arg8[%add3A_155, %add3A_906] : memref<128x128xf32, #tpu.memory_space<vmem>>[vector<16xi32>, vector<16xi32>], vector<16xf32>,
        tpu.vector_store_idx %arg10[%add3A_905, %add3A_155], %gather3A : memref<64x128xf32, #tpu.memory_space<vmem>>[vector<16xi32>, vector<16xi32>], vector<16xf32>,
        %add3A_907 = arith.constant 16 : i32
        %add3A_908 = vector.broadcast %add3A_907 : i32 to vector<16xi32>
        %add3A_909 = arith.addi %and3A_902, %add3A_908 : vector<16xi32>
        %add3A_910 = arith.addi %mul3A_152, %add3A_909 : vector<16xi32>
        %gather3A_911 = tpu.vector_load_idx %arg8[%add3A_155, %add3A_910] : memref<128x128xf32, #tpu.memory_space<vmem>>[vector<16xi32>, vector<16xi32>], vector<16xf32>,
        tpu.vector_store_idx %arg10[%add3A_909, %add3A_155], %gather3A_911 : memref<64x128xf32, #tpu.memory_space<vmem>>[vector<16xi32>, vector<16xi32>], vector<16xf32>,
      }
      %scan3A_161 = arith.constant 16 : i32
      %get3A_162 = arith.index_cast %add3A_96 : i32 to index
      %get3A_163 = arith.constant 48 : index
      %get3A_164 = tpu.vector_load %arg5[%get3A_162, %get3A_163] {strides = array<i32>} : memref<200x128xi32, #tpu.memory_space<vmem>>, vector<16xi32>,
      %and3A_165 = arith.constant 1 : i32
      %and3A_166 = vector.broadcast %and3A_165 : i32 to vector<16xi32>
      %and3A_167 = arith.andi %get3A_164, %and3A_166 : vector<16xi32>
      %mul3A_168 = arith.constant 64 : i32
      %mul3A_169 = vector.broadcast %mul3A_168 : i32 to vector<16xi32>
      %mul3A_170 = arith.muli %and3A_167, %mul3A_169 : vector<16xi32>
      %add3A_171 = arith.constant 48 : i32
      %add3A_172 = vector.broadcast %add3A_171 : i32 to vector<16xi32>
      %add3A_173 = arith.addi %iota3A, %add3A_172 : vector<16xi32>
      %scan3A_174 = arith.constant 0 : i32
      %scan3A_175 = arith.constant 0 : i32
      %scan3A_176 = arith.constant 16 : i32
      %scan3A_177 = arith.addi %scan3A_175, %scan3A_176 : i32
      %scan3A_178 = arith.constant 1 : i32
      scf.for %scan3A_897 = %scan3A_175 to %scan3A_177 step %scan3A_178  : i32 {
        %add3A_898 = vector.broadcast %scan3A_897 : i32 to vector<16xi32>
        %add3A_899 = arith.addi %iota3A, %add3A_898 : vector<16xi32>
        %and3A_900 = arith.constant 15 : i32
        %and3A_901 = vector.broadcast %and3A_900 : i32 to vector<16xi32>
        %and3A_902 = arith.andi %add3A_899, %and3A_901 : vector<16xi32>
        %add3A_903 = arith.constant 0 : i32
        %add3A_904 = vector.broadcast %add3A_903 : i32 to vector<16xi32>
        %add3A_905 = arith.addi %and3A_902, %add3A_904 : vector<16xi32>
        %add3A_906 = arith.addi %mul3A_170, %add3A_905 : vector<16xi32>
        %gather3A = tpu.vector_load_idx %arg8[%add3A_173, %add3A_906] : memref<128x128xf32, #tpu.memory_space<vmem>>[vector<16xi32>, vector<16xi32>], vector<16xf32>,
        tpu.vector_store_idx %arg10[%add3A_905, %add3A_173], %gather3A : memref<64x128xf32, #tpu.memory_space<vmem>>[vector<16xi32>, vector<16xi32>], vector<16xf32>,
        %add3A_907 = arith.constant 16 : i32
        %add3A_908 = vector.broadcast %add3A_907 : i32 to vector<16xi32>
        %add3A_909 = arith.addi %and3A_902, %add3A_908 : vector<16xi32>
        %add3A_910 = arith.addi %mul3A_170, %add3A_909 : vector<16xi32>
        %gather3A_911 = tpu.vector_load_idx %arg8[%add3A_173, %add3A_910] : memref<128x128xf32, #tpu.memory_space<vmem>>[vector<16xi32>, vector<16xi32>], vector<16xf32>,
        tpu.vector_store_idx %arg10[%add3A_909, %add3A_173], %gather3A_911 : memref<64x128xf32, #tpu.memory_space<vmem>>[vector<16xi32>, vector<16xi32>], vector<16xf32>,
      }
      %scan3A_179 = arith.constant 16 : i32
      %get3A_180 = arith.index_cast %add3A_96 : i32 to index
      %get3A_181 = arith.constant 64 : index
      %get3A_182 = tpu.vector_load %arg5[%get3A_180, %get3A_181] {strides = array<i32>} : memref<200x128xi32, #tpu.memory_space<vmem>>, vector<16xi32>,
      %and3A_183 = arith.constant 1 : i32
      %and3A_184 = vector.broadcast %and3A_183 : i32 to vector<16xi32>
      %and3A_185 = arith.andi %get3A_182, %and3A_184 : vector<16xi32>
      %mul3A_186 = arith.constant 64 : i32
      %mul3A_187 = vector.broadcast %mul3A_186 : i32 to vector<16xi32>
      %mul3A_188 = arith.muli %and3A_185, %mul3A_187 : vector<16xi32>
      %add3A_189 = arith.constant 64 : i32
      %add3A_190 = vector.broadcast %add3A_189 : i32 to vector<16xi32>
      %add3A_191 = arith.addi %iota3A, %add3A_190 : vector<16xi32>
      %scan3A_192 = arith.constant 0 : i32
      %scan3A_193 = arith.constant 0 : i32
      %scan3A_194 = arith.constant 16 : i32
      %scan3A_195 = arith.addi %scan3A_193, %scan3A_194 : i32
      %scan3A_196 = arith.constant 1 : i32
      scf.for %scan3A_897 = %scan3A_193 to %scan3A_195 step %scan3A_196  : i32 {
        %add3A_898 = vector.broadcast %scan3A_897 : i32 to vector<16xi32>
        %add3A_899 = arith.addi %iota3A, %add3A_898 : vector<16xi32>
        %and3A_900 = arith.constant 15 : i32
        %and3A_901 = vector.broadcast %and3A_900 : i32 to vector<16xi32>
        %and3A_902 = arith.andi %add3A_899, %and3A_901 : vector<16xi32>
        %add3A_903 = arith.constant 0 : i32
        %add3A_904 = vector.broadcast %add3A_903 : i32 to vector<16xi32>
        %add3A_905 = arith.addi %and3A_902, %add3A_904 : vector<16xi32>
        %add3A_906 = arith.addi %mul3A_188, %add3A_905 : vector<16xi32>
        %gather3A = tpu.vector_load_idx %arg8[%add3A_191, %add3A_906] : memref<128x128xf32, #tpu.memory_space<vmem>>[vector<16xi32>, vector<16xi32>], vector<16xf32>,
        tpu.vector_store_idx %arg10[%add3A_905, %add3A_191], %gather3A : memref<64x128xf32, #tpu.memory_space<vmem>>[vector<16xi32>, vector<16xi32>], vector<16xf32>,
        %add3A_907 = arith.constant 16 : i32
        %add3A_908 = vector.broadcast %add3A_907 : i32 to vector<16xi32>
        %add3A_909 = arith.addi %and3A_902, %add3A_908 : vector<16xi32>
        %add3A_910 = arith.addi %mul3A_188, %add3A_909 : vector<16xi32>
        %gather3A_911 = tpu.vector_load_idx %arg8[%add3A_191, %add3A_910] : memref<128x128xf32, #tpu.memory_space<vmem>>[vector<16xi32>, vector<16xi32>], vector<16xf32>,
        tpu.vector_store_idx %arg10[%add3A_909, %add3A_191], %gather3A_911 : memref<64x128xf32, #tpu.memory_space<vmem>>[vector<16xi32>, vector<16xi32>], vector<16xf32>,
      }
      %scan3A_197 = arith.constant 16 : i32
      %get3A_198 = arith.index_cast %add3A_96 : i32 to index
      %get3A_199 = arith.constant 80 : index
      %get3A_200 = tpu.vector_load %arg5[%get3A_198, %get3A_199] {strides = array<i32>} : memref<200x128xi32, #tpu.memory_space<vmem>>, vector<16xi32>,
      %and3A_201 = arith.constant 1 : i32
      %and3A_202 = vector.broadcast %and3A_201 : i32 to vector<16xi32>
      %and3A_203 = arith.andi %get3A_200, %and3A_202 : vector<16xi32>
      %mul3A_204 = arith.constant 64 : i32
      %mul3A_205 = vector.broadcast %mul3A_204 : i32 to vector<16xi32>
      %mul3A_206 = arith.muli %and3A_203, %mul3A_205 : vector<16xi32>
      %add3A_207 = arith.constant 80 : i32
      %add3A_208 = vector.broadcast %add3A_207 : i32 to vector<16xi32>
      %add3A_209 = arith.addi %iota3A, %add3A_208 : vector<16xi32>
      %scan3A_210 = arith.constant 0 : i32
      %scan3A_211 = arith.constant 0 : i32
      %scan3A_212 = arith.constant 16 : i32
      %scan3A_213 = arith.addi %scan3A_211, %scan3A_212 : i32
      %scan3A_214 = arith.constant 1 : i32
      scf.for %scan3A_897 = %scan3A_211 to %scan3A_213 step %scan3A_214  : i32 {
        %add3A_898 = vector.broadcast %scan3A_897 : i32 to vector<16xi32>
        %add3A_899 = arith.addi %iota3A, %add3A_898 : vector<16xi32>
        %and3A_900 = arith.constant 15 : i32
        %and3A_901 = vector.broadcast %and3A_900 : i32 to vector<16xi32>
        %and3A_902 = arith.andi %add3A_899, %and3A_901 : vector<16xi32>
        %add3A_903 = arith.constant 0 : i32
        %add3A_904 = vector.broadcast %add3A_903 : i32 to vector<16xi32>
        %add3A_905 = arith.addi %and3A_902, %add3A_904 : vector<16xi32>
        %add3A_906 = arith.addi %mul3A_206, %add3A_905 : vector<16xi32>
        %gather3A = tpu.vector_load_idx %arg8[%add3A_209, %add3A_906] : memref<128x128xf32, #tpu.memory_space<vmem>>[vector<16xi32>, vector<16xi32>], vector<16xf32>,
        tpu.vector_store_idx %arg10[%add3A_905, %add3A_209], %gather3A : memref<64x128xf32, #tpu.memory_space<vmem>>[vector<16xi32>, vector<16xi32>], vector<16xf32>,
        %add3A_907 = arith.constant 16 : i32
        %add3A_908 = vector.broadcast %add3A_907 : i32 to vector<16xi32>
        %add3A_909 = arith.addi %and3A_902, %add3A_908 : vector<16xi32>
        %add3A_910 = arith.addi %mul3A_206, %add3A_909 : vector<16xi32>
        %gather3A_911 = tpu.vector_load_idx %arg8[%add3A_209, %add3A_910] : memref<128x128xf32, #tpu.memory_space<vmem>>[vector<16xi32>, vector<16xi32>], vector<16xf32>,
        tpu.vector_store_idx %arg10[%add3A_909, %add3A_209], %gather3A_911 : memref<64x128xf32, #tpu.memory_space<vmem>>[vector<16xi32>, vector<16xi32>], vector<16xf32>,
      }
      %scan3A_215 = arith.constant 16 : i32
      %get3A_216 = arith.index_cast %add3A_96 : i32 to index
      %get3A_217 = arith.constant 96 : index
      %get3A_218 = tpu.vector_load %arg5[%get3A_216, %get3A_217] {strides = array<i32>} : memref<200x128xi32, #tpu.memory_space<vmem>>, vector<16xi32>,
      %and3A_219 = arith.constant 1 : i32
      %and3A_220 = vector.broadcast %and3A_219 : i32 to vector<16xi32>
      %and3A_221 = arith.andi %get3A_218, %and3A_220 : vector<16xi32>
      %mul3A_222 = arith.constant 64 : i32
      %mul3A_223 = vector.broadcast %mul3A_222 : i32 to vector<16xi32>
      %mul3A_224 = arith.muli %and3A_221, %mul3A_223 : vector<16xi32>
      %add3A_225 = arith.constant 96 : i32
      %add3A_226 = vector.broadcast %add3A_225 : i32 to vector<16xi32>
      %add3A_227 = arith.addi %iota3A, %add3A_226 : vector<16xi32>
      %scan3A_228 = arith.constant 0 : i32
      %scan3A_229 = arith.constant 0 : i32
      %scan3A_230 = arith.constant 16 : i32
      %scan3A_231 = arith.addi %scan3A_229, %scan3A_230 : i32
      %scan3A_232 = arith.constant 1 : i32
      scf.for %scan3A_897 = %scan3A_229 to %scan3A_231 step %scan3A_232  : i32 {
        %add3A_898 = vector.broadcast %scan3A_897 : i32 to vector<16xi32>
        %add3A_899 = arith.addi %iota3A, %add3A_898 : vector<16xi32>
        %and3A_900 = arith.constant 15 : i32
        %and3A_901 = vector.broadcast %and3A_900 : i32 to vector<16xi32>
        %and3A_902 = arith.andi %add3A_899, %and3A_901 : vector<16xi32>
        %add3A_903 = arith.constant 0 : i32
        %add3A_904 = vector.broadcast %add3A_903 : i32 to vector<16xi32>
        %add3A_905 = arith.addi %and3A_902, %add3A_904 : vector<16xi32>
        %add3A_906 = arith.addi %mul3A_224, %add3A_905 : vector<16xi32>
        %gather3A = tpu.vector_load_idx %arg8[%add3A_227, %add3A_906] : memref<128x128xf32, #tpu.memory_space<vmem>>[vector<16xi32>, vector<16xi32>], vector<16xf32>,
        tpu.vector_store_idx %arg10[%add3A_905, %add3A_227], %gather3A : memref<64x128xf32, #tpu.memory_space<vmem>>[vector<16xi32>, vector<16xi32>], vector<16xf32>,
        %add3A_907 = arith.constant 16 : i32
        %add3A_908 = vector.broadcast %add3A_907 : i32 to vector<16xi32>
        %add3A_909 = arith.addi %and3A_902, %add3A_908 : vector<16xi32>
        %add3A_910 = arith.addi %mul3A_224, %add3A_909 : vector<16xi32>
        %gather3A_911 = tpu.vector_load_idx %arg8[%add3A_227, %add3A_910] : memref<128x128xf32, #tpu.memory_space<vmem>>[vector<16xi32>, vector<16xi32>], vector<16xf32>,
        tpu.vector_store_idx %arg10[%add3A_909, %add3A_227], %gather3A_911 : memref<64x128xf32, #tpu.memory_space<vmem>>[vector<16xi32>, vector<16xi32>], vector<16xf32>,
      }
      %scan3A_233 = arith.constant 16 : i32
      %get3A_234 = arith.index_cast %add3A_96 : i32 to index
      %get3A_235 = arith.constant 112 : index
      %get3A_236 = tpu.vector_load %arg5[%get3A_234, %get3A_235] {strides = array<i32>} : memref<200x128xi32, #tpu.memory_space<vmem>>, vector<16xi32>,
      %and3A_237 = arith.constant 1 : i32
      %and3A_238 = vector.broadcast %and3A_237 : i32 to vector<16xi32>
      %and3A_239 = arith.andi %get3A_236, %and3A_238 : vector<16xi32>
      %mul3A_240 = arith.constant 64 : i32
      %mul3A_241 = vector.broadcast %mul3A_240 : i32 to vector<16xi32>
      %mul3A_242 = arith.muli %and3A_239, %mul3A_241 : vector<16xi32>
      %add3A_243 = arith.constant 112 : i32
      %add3A_244 = vector.broadcast %add3A_243 : i32 to vector<16xi32>
      %add3A_245 = arith.addi %iota3A, %add3A_244 : vector<16xi32>
      %scan3A_246 = arith.constant 0 : i32
      %scan3A_247 = arith.constant 0 : i32
      %scan3A_248 = arith.constant 16 : i32
      %scan3A_249 = arith.addi %scan3A_247, %scan3A_248 : i32
      %scan3A_250 = arith.constant 1 : i32
      scf.for %scan3A_897 = %scan3A_247 to %scan3A_249 step %scan3A_250  : i32 {
        %add3A_898 = vector.broadcast %scan3A_897 : i32 to vector<16xi32>
        %add3A_899 = arith.addi %iota3A, %add3A_898 : vector<16xi32>
        %and3A_900 = arith.constant 15 : i32
        %and3A_901 = vector.broadcast %and3A_900 : i32 to vector<16xi32>
        %and3A_902 = arith.andi %add3A_899, %and3A_901 : vector<16xi32>
        %add3A_903 = arith.constant 0 : i32
        %add3A_904 = vector.broadcast %add3A_903 : i32 to vector<16xi32>
        %add3A_905 = arith.addi %and3A_902, %add3A_904 : vector<16xi32>
        %add3A_906 = arith.addi %mul3A_242, %add3A_905 : vector<16xi32>
        %gather3A = tpu.vector_load_idx %arg8[%add3A_245, %add3A_906] : memref<128x128xf32, #tpu.memory_space<vmem>>[vector<16xi32>, vector<16xi32>], vector<16xf32>,
        tpu.vector_store_idx %arg10[%add3A_905, %add3A_245], %gather3A : memref<64x128xf32, #tpu.memory_space<vmem>>[vector<16xi32>, vector<16xi32>], vector<16xf32>,
        %add3A_907 = arith.constant 16 : i32
        %add3A_908 = vector.broadcast %add3A_907 : i32 to vector<16xi32>
        %add3A_909 = arith.addi %and3A_902, %add3A_908 : vector<16xi32>
        %add3A_910 = arith.addi %mul3A_242, %add3A_909 : vector<16xi32>
        %gather3A_911 = tpu.vector_load_idx %arg8[%add3A_245, %add3A_910] : memref<128x128xf32, #tpu.memory_space<vmem>>[vector<16xi32>, vector<16xi32>], vector<16xf32>,
        tpu.vector_store_idx %arg10[%add3A_909, %add3A_245], %gather3A_911 : memref<64x128xf32, #tpu.memory_space<vmem>>[vector<16xi32>, vector<16xi32>], vector<16xf32>,
      }
      %scan3A_251 = arith.constant 16 : i32
      %dma_start3A_252 = arith.constant 0 : i32
      %dma_start3A_253 = arith.constant 0 : i32
      %dma_start3A_254 = tpu.memref_slice %arg10[%dma_start3A_252, %dma_start3A_253] : memref<64x128xf32, #tpu.memory_space<vmem>> -> memref<8x128xf32, #tpu.memory_space<vmem>>
      %dma_start3A_255 = arith.constant 0 : i32
      %dma_start3A_256 = tpu.memref_slice %arg4[%add3A_96, %dma_start3A_255, %multiple_of3A] : memref<200x64x4096xf32, #tpu.memory_space<hbm>> -> memref<1x8x128xf32, #tpu.memory_space<hbm>>
      %dma_start3A_257 = tpu.memref_squeeze %dma_start3A_256 : memref<1x8x128xf32, #tpu.memory_space<hbm>> -> memref<8x128xf32, #tpu.memory_space<hbm>>
      %dma_start3A_258 = arith.constant 0 : i32
      %dma_start3A_259 = tpu.memref_slice %arg4[%add3A_96, %dma_start3A_258, %multiple_of3A] : memref<200x64x4096xf32, #tpu.memory_space<hbm>> -> memref<1x8x128xf32, #tpu.memory_space<hbm>>
      %dma_start3A_260 = tpu.memref_squeeze %dma_start3A_259 : memref<1x8x128xf32, #tpu.memory_space<hbm>> -> memref<8x128xf32, #tpu.memory_space<hbm>>
      %dma_start3A_261 = arith.constant 0 : i32
      %dma_start3A_262 = arith.constant 0 : i32
      %dma_start3A_263 = tpu.memref_slice %arg10[%dma_start3A_261, %dma_start3A_262] : memref<64x128xf32, #tpu.memory_space<vmem>> -> memref<8x128xf32, #tpu.memory_space<vmem>>
      tpu.enqueue_dma source(%dma_start3A_263 : memref<8x128xf32, #tpu.memory_space<vmem>>) target(%dma_start3A_260 : memref<8x128xf32, #tpu.memory_space<hbm>>) target_semaphore(%arg14 : memref<!tpu.dma_semaphore, #tpu.memory_space<semaphore_mem>>)
      %dma_start3A_264 = arith.constant 8 : i32
      %dma_start3A_265 = arith.constant 0 : i32
      %dma_start3A_266 = tpu.memref_slice %arg10[%dma_start3A_264, %dma_start3A_265] : memref<64x128xf32, #tpu.memory_space<vmem>> -> memref<8x128xf32, #tpu.memory_space<vmem>>
      %dma_start3A_267 = arith.constant 8 : i32
      %dma_start3A_268 = tpu.memref_slice %arg4[%add3A_96, %dma_start3A_267, %multiple_of3A] : memref<200x64x4096xf32, #tpu.memory_space<hbm>> -> memref<1x8x128xf32, #tpu.memory_space<hbm>>
      %dma_start3A_269 = tpu.memref_squeeze %dma_start3A_268 : memref<1x8x128xf32, #tpu.memory_space<hbm>> -> memref<8x128xf32, #tpu.memory_space<hbm>>
      %dma_start3A_270 = arith.constant 8 : i32
      %dma_start3A_271 = tpu.memref_slice %arg4[%add3A_96, %dma_start3A_270, %multiple_of3A] : memref<200x64x4096xf32, #tpu.memory_space<hbm>> -> memref<1x8x128xf32, #tpu.memory_space<hbm>>
      %dma_start3A_272 = tpu.memref_squeeze %dma_start3A_271 : memref<1x8x128xf32, #tpu.memory_space<hbm>> -> memref<8x128xf32, #tpu.memory_space<hbm>>
      %dma_start3A_273 = arith.constant 8 : i32
      %dma_start3A_274 = arith.constant 0 : i32
      %dma_start3A_275 = tpu.memref_slice %arg10[%dma_start3A_273, %dma_start3A_274] : memref<64x128xf32, #tpu.memory_space<vmem>> -> memref<8x128xf32, #tpu.memory_space<vmem>>
      tpu.enqueue_dma source(%dma_start3A_275 : memref<8x128xf32, #tpu.memory_space<vmem>>) target(%dma_start3A_272 : memref<8x128xf32, #tpu.memory_space<hbm>>) target_semaphore(%arg14 : memref<!tpu.dma_semaphore, #tpu.memory_space<semaphore_mem>>)
      %dma_start3A_276 = arith.constant 16 : i32
      %dma_start3A_277 = arith.constant 0 : i32
      %dma_start3A_278 = tpu.memref_slice %arg10[%dma_start3A_276, %dma_start3A_277] : memref<64x128xf32, #tpu.memory_space<vmem>> -> memref<8x128xf32, #tpu.memory_space<vmem>>
      %dma_start3A_279 = arith.constant 16 : i32
      %dma_start3A_280 = tpu.memref_slice %arg4[%add3A_96, %dma_start3A_279, %multiple_of3A] : memref<200x64x4096xf32, #tpu.memory_space<hbm>> -> memref<1x8x128xf32, #tpu.memory_space<hbm>>
      %dma_start3A_281 = tpu.memref_squeeze %dma_start3A_280 : memref<1x8x128xf32, #tpu.memory_space<hbm>> -> memref<8x128xf32, #tpu.memory_space<hbm>>
      %dma_start3A_282 = arith.constant 16 : i32
      %dma_start3A_283 = tpu.memref_slice %arg4[%add3A_96, %dma_start3A_282, %multiple_of3A] : memref<200x64x4096xf32, #tpu.memory_space<hbm>> -> memref<1x8x128xf32, #tpu.memory_space<hbm>>
      %dma_start3A_284 = tpu.memref_squeeze %dma_start3A_283 : memref<1x8x128xf32, #tpu.memory_space<hbm>> -> memref<8x128xf32, #tpu.memory_space<hbm>>
      %dma_start3A_285 = arith.constant 16 : i32
      %dma_start3A_286 = arith.constant 0 : i32
      %dma_start3A_287 = tpu.memref_slice %arg10[%dma_start3A_285, %dma_start3A_286] : memref<64x128xf32, #tpu.memory_space<vmem>> -> memref<8x128xf32, #tpu.memory_space<vmem>>
      tpu.enqueue_dma source(%dma_start3A_287 : memref<8x128xf32, #tpu.memory_space<vmem>>) target(%dma_start3A_284 : memref<8x128xf32, #tpu.memory_space<hbm>>) target_semaphore(%arg14 : memref<!tpu.dma_semaphore, #tpu.memory_space<semaphore_mem>>)
      %dma_start3A_288 = arith.constant 24 : i32
      %dma_start3A_289 = arith.constant 0 : i32
      %dma_start3A_290 = tpu.memref_slice %arg10[%dma_start3A_288, %dma_start3A_289] : memref<64x128xf32, #tpu.memory_space<vmem>> -> memref<8x128xf32, #tpu.memory_space<vmem>>
      %dma_start3A_291 = arith.constant 24 : i32
      %dma_start3A_292 = tpu.memref_slice %arg4[%add3A_96, %dma_start3A_291, %multiple_of3A] : memref<200x64x4096xf32, #tpu.memory_space<hbm>> -> memref<1x8x128xf32, #tpu.memory_space<hbm>>
      %dma_start3A_293 = tpu.memref_squeeze %dma_start3A_292 : memref<1x8x128xf32, #tpu.memory_space<hbm>> -> memref<8x128xf32, #tpu.memory_space<hbm>>
      %dma_start3A_294 = arith.constant 24 : i32
      %dma_start3A_295 = tpu.memref_slice %arg4[%add3A_96, %dma_start3A_294, %multiple_of3A] : memref<200x64x4096xf32, #tpu.memory_space<hbm>> -> memref<1x8x128xf32, #tpu.memory_space<hbm>>
      %dma_start3A_296 = tpu.memref_squeeze %dma_start3A_295 : memref<1x8x128xf32, #tpu.memory_space<hbm>> -> memref<8x128xf32, #tpu.memory_space<hbm>>
      %dma_start3A_297 = arith.constant 24 : i32
      %dma_start3A_298 = arith.constant 0 : i32
      %dma_start3A_299 = tpu.memref_slice %arg10[%dma_start3A_297, %dma_start3A_298] : memref<64x128xf32, #tpu.memory_space<vmem>> -> memref<8x128xf32, #tpu.memory_space<vmem>>
      tpu.enqueue_dma source(%dma_start3A_299 : memref<8x128xf32, #tpu.memory_space<vmem>>) target(%dma_start3A_296 : memref<8x128xf32, #tpu.memory_space<hbm>>) target_semaphore(%arg14 : memref<!tpu.dma_semaphore, #tpu.memory_space<semaphore_mem>>)
      %get3A_300 = arith.index_cast %add3A_96 : i32 to index
      %get3A_301 = arith.constant 0 : index
      %get3A_302 = tpu.vector_load %arg5[%get3A_300, %get3A_301] {strides = array<i32>} : memref<200x128xi32, #tpu.memory_space<vmem>>, vector<16xi32>,
      %and3A_303 = arith.constant 1 : i32
      %and3A_304 = vector.broadcast %and3A_303 : i32 to vector<16xi32>
      %and3A_305 = arith.andi %get3A_302, %and3A_304 : vector<16xi32>
      %mul3A_306 = arith.constant 64 : i32
      %mul3A_307 = vector.broadcast %mul3A_306 : i32 to vector<16xi32>
      %mul3A_308 = arith.muli %and3A_305, %mul3A_307 : vector<16xi32>
      %add3A_309 = arith.constant 0 : i32
      %add3A_310 = vector.broadcast %add3A_309 : i32 to vector<16xi32>
      %add3A_311 = arith.addi %iota3A, %add3A_310 : vector<16xi32>
      %scan3A_312 = arith.constant 0 : i32
      %scan3A_313 = arith.constant 0 : i32
      %scan3A_314 = arith.constant 16 : i32
      %scan3A_315 = arith.addi %scan3A_313, %scan3A_314 : i32
      %scan3A_316 = arith.constant 1 : i32
      scf.for %scan3A_897 = %scan3A_313 to %scan3A_315 step %scan3A_316  : i32 {
        %add3A_898 = vector.broadcast %scan3A_897 : i32 to vector<16xi32>
        %add3A_899 = arith.addi %iota3A, %add3A_898 : vector<16xi32>
        %and3A_900 = arith.constant 15 : i32
        %and3A_901 = vector.broadcast %and3A_900 : i32 to vector<16xi32>
        %and3A_902 = arith.andi %add3A_899, %and3A_901 : vector<16xi32>
        %add3A_903 = arith.constant 32 : i32
        %add3A_904 = vector.broadcast %add3A_903 : i32 to vector<16xi32>
        %add3A_905 = arith.addi %and3A_902, %add3A_904 : vector<16xi32>
        %add3A_906 = arith.addi %mul3A_308, %add3A_905 : vector<16xi32>
        %gather3A = tpu.vector_load_idx %arg8[%add3A_311, %add3A_906] : memref<128x128xf32, #tpu.memory_space<vmem>>[vector<16xi32>, vector<16xi32>], vector<16xf32>,
        tpu.vector_store_idx %arg10[%add3A_905, %add3A_311], %gather3A : memref<64x128xf32, #tpu.memory_space<vmem>>[vector<16xi32>, vector<16xi32>], vector<16xf32>,
        %add3A_907 = arith.constant 48 : i32
        %add3A_908 = vector.broadcast %add3A_907 : i32 to vector<16xi32>
        %add3A_909 = arith.addi %and3A_902, %add3A_908 : vector<16xi32>
        %add3A_910 = arith.addi %mul3A_308, %add3A_909 : vector<16xi32>
        %gather3A_911 = tpu.vector_load_idx %arg8[%add3A_311, %add3A_910] : memref<128x128xf32, #tpu.memory_space<vmem>>[vector<16xi32>, vector<16xi32>], vector<16xf32>,
        tpu.vector_store_idx %arg10[%add3A_909, %add3A_311], %gather3A_911 : memref<64x128xf32, #tpu.memory_space<vmem>>[vector<16xi32>, vector<16xi32>], vector<16xf32>,
      }
      %scan3A_317 = arith.constant 16 : i32
      %get3A_318 = arith.index_cast %add3A_96 : i32 to index
      %get3A_319 = arith.constant 16 : index
      %get3A_320 = tpu.vector_load %arg5[%get3A_318, %get3A_319] {strides = array<i32>} : memref<200x128xi32, #tpu.memory_space<vmem>>, vector<16xi32>,
      %and3A_321 = arith.constant 1 : i32
      %and3A_322 = vector.broadcast %and3A_321 : i32 to vector<16xi32>
      %and3A_323 = arith.andi %get3A_320, %and3A_322 : vector<16xi32>
      %mul3A_324 = arith.constant 64 : i32
      %mul3A_325 = vector.broadcast %mul3A_324 : i32 to vector<16xi32>
      %mul3A_326 = arith.muli %and3A_323, %mul3A_325 : vector<16xi32>
      %add3A_327 = arith.constant 16 : i32
      %add3A_328 = vector.broadcast %add3A_327 : i32 to vector<16xi32>
      %add3A_329 = arith.addi %iota3A, %add3A_328 : vector<16xi32>
      %scan3A_330 = arith.constant 0 : i32
      %scan3A_331 = arith.constant 0 : i32
      %scan3A_332 = arith.constant 16 : i32
      %scan3A_333 = arith.addi %scan3A_331, %scan3A_332 : i32
      %scan3A_334 = arith.constant 1 : i32
      scf.for %scan3A_897 = %scan3A_331 to %scan3A_333 step %scan3A_334  : i32 {
        %add3A_898 = vector.broadcast %scan3A_897 : i32 to vector<16xi32>
        %add3A_899 = arith.addi %iota3A, %add3A_898 : vector<16xi32>
        %and3A_900 = arith.constant 15 : i32
        %and3A_901 = vector.broadcast %and3A_900 : i32 to vector<16xi32>
        %and3A_902 = arith.andi %add3A_899, %and3A_901 : vector<16xi32>
        %add3A_903 = arith.constant 32 : i32
        %add3A_904 = vector.broadcast %add3A_903 : i32 to vector<16xi32>
        %add3A_905 = arith.addi %and3A_902, %add3A_904 : vector<16xi32>
        %add3A_906 = arith.addi %mul3A_326, %add3A_905 : vector<16xi32>
        %gather3A = tpu.vector_load_idx %arg8[%add3A_329, %add3A_906] : memref<128x128xf32, #tpu.memory_space<vmem>>[vector<16xi32>, vector<16xi32>], vector<16xf32>,
        tpu.vector_store_idx %arg10[%add3A_905, %add3A_329], %gather3A : memref<64x128xf32, #tpu.memory_space<vmem>>[vector<16xi32>, vector<16xi32>], vector<16xf32>,
        %add3A_907 = arith.constant 48 : i32
        %add3A_908 = vector.broadcast %add3A_907 : i32 to vector<16xi32>
        %add3A_909 = arith.addi %and3A_902, %add3A_908 : vector<16xi32>
        %add3A_910 = arith.addi %mul3A_326, %add3A_909 : vector<16xi32>
        %gather3A_911 = tpu.vector_load_idx %arg8[%add3A_329, %add3A_910] : memref<128x128xf32, #tpu.memory_space<vmem>>[vector<16xi32>, vector<16xi32>], vector<16xf32>,
        tpu.vector_store_idx %arg10[%add3A_909, %add3A_329], %gather3A_911 : memref<64x128xf32, #tpu.memory_space<vmem>>[vector<16xi32>, vector<16xi32>], vector<16xf32>,
      }
      %scan3A_335 = arith.constant 16 : i32
      %get3A_336 = arith.index_cast %add3A_96 : i32 to index
      %get3A_337 = arith.constant 32 : index
      %get3A_338 = tpu.vector_load %arg5[%get3A_336, %get3A_337] {strides = array<i32>} : memref<200x128xi32, #tpu.memory_space<vmem>>, vector<16xi32>,
      %and3A_339 = arith.constant 1 : i32
      %and3A_340 = vector.broadcast %and3A_339 : i32 to vector<16xi32>
      %and3A_341 = arith.andi %get3A_338, %and3A_340 : vector<16xi32>
      %mul3A_342 = arith.constant 64 : i32
      %mul3A_343 = vector.broadcast %mul3A_342 : i32 to vector<16xi32>
      %mul3A_344 = arith.muli %and3A_341, %mul3A_343 : vector<16xi32>
      %add3A_345 = arith.constant 32 : i32
      %add3A_346 = vector.broadcast %add3A_345 : i32 to vector<16xi32>
      %add3A_347 = arith.addi %iota3A, %add3A_346 : vector<16xi32>
      %scan3A_348 = arith.constant 0 : i32
      %scan3A_349 = arith.constant 0 : i32
      %scan3A_350 = arith.constant 16 : i32
      %scan3A_351 = arith.addi %scan3A_349, %scan3A_350 : i32
      %scan3A_352 = arith.constant 1 : i32
      scf.for %scan3A_897 = %scan3A_349 to %scan3A_351 step %scan3A_352  : i32 {
        %add3A_898 = vector.broadcast %scan3A_897 : i32 to vector<16xi32>
        %add3A_899 = arith.addi %iota3A, %add3A_898 : vector<16xi32>
        %and3A_900 = arith.constant 15 : i32
        %and3A_901 = vector.broadcast %and3A_900 : i32 to vector<16xi32>
        %and3A_902 = arith.andi %add3A_899, %and3A_901 : vector<16xi32>
        %add3A_903 = arith.constant 32 : i32
        %add3A_904 = vector.broadcast %add3A_903 : i32 to vector<16xi32>
        %add3A_905 = arith.addi %and3A_902, %add3A_904 : vector<16xi32>
        %add3A_906 = arith.addi %mul3A_344, %add3A_905 : vector<16xi32>
        %gather3A = tpu.vector_load_idx %arg8[%add3A_347, %add3A_906] : memref<128x128xf32, #tpu.memory_space<vmem>>[vector<16xi32>, vector<16xi32>], vector<16xf32>,
        tpu.vector_store_idx %arg10[%add3A_905, %add3A_347], %gather3A : memref<64x128xf32, #tpu.memory_space<vmem>>[vector<16xi32>, vector<16xi32>], vector<16xf32>,
        %add3A_907 = arith.constant 48 : i32
        %add3A_908 = vector.broadcast %add3A_907 : i32 to vector<16xi32>
        %add3A_909 = arith.addi %and3A_902, %add3A_908 : vector<16xi32>
        %add3A_910 = arith.addi %mul3A_344, %add3A_909 : vector<16xi32>
        %gather3A_911 = tpu.vector_load_idx %arg8[%add3A_347, %add3A_910] : memref<128x128xf32, #tpu.memory_space<vmem>>[vector<16xi32>, vector<16xi32>], vector<16xf32>,
        tpu.vector_store_idx %arg10[%add3A_909, %add3A_347], %gather3A_911 : memref<64x128xf32, #tpu.memory_space<vmem>>[vector<16xi32>, vector<16xi32>], vector<16xf32>,
      }
      %scan3A_353 = arith.constant 16 : i32
      %get3A_354 = arith.index_cast %add3A_96 : i32 to index
      %get3A_355 = arith.constant 48 : index
      %get3A_356 = tpu.vector_load %arg5[%get3A_354, %get3A_355] {strides = array<i32>} : memref<200x128xi32, #tpu.memory_space<vmem>>, vector<16xi32>,
      %and3A_357 = arith.constant 1 : i32
      %and3A_358 = vector.broadcast %and3A_357 : i32 to vector<16xi32>
      %and3A_359 = arith.andi %get3A_356, %and3A_358 : vector<16xi32>
      %mul3A_360 = arith.constant 64 : i32
      %mul3A_361 = vector.broadcast %mul3A_360 : i32 to vector<16xi32>
      %mul3A_362 = arith.muli %and3A_359, %mul3A_361 : vector<16xi32>
      %add3A_363 = arith.constant 48 : i32
      %add3A_364 = vector.broadcast %add3A_363 : i32 to vector<16xi32>
      %add3A_365 = arith.addi %iota3A, %add3A_364 : vector<16xi32>
      %scan3A_366 = arith.constant 0 : i32
      %scan3A_367 = arith.constant 0 : i32
      %scan3A_368 = arith.constant 16 : i32
      %scan3A_369 = arith.addi %scan3A_367, %scan3A_368 : i32
      %scan3A_370 = arith.constant 1 : i32
      scf.for %scan3A_897 = %scan3A_367 to %scan3A_369 step %scan3A_370  : i32 {
        %add3A_898 = vector.broadcast %scan3A_897 : i32 to vector<16xi32>
        %add3A_899 = arith.addi %iota3A, %add3A_898 : vector<16xi32>
        %and3A_900 = arith.constant 15 : i32
        %and3A_901 = vector.broadcast %and3A_900 : i32 to vector<16xi32>
        %and3A_902 = arith.andi %add3A_899, %and3A_901 : vector<16xi32>
        %add3A_903 = arith.constant 32 : i32
        %add3A_904 = vector.broadcast %add3A_903 : i32 to vector<16xi32>
        %add3A_905 = arith.addi %and3A_902, %add3A_904 : vector<16xi32>
        %add3A_906 = arith.addi %mul3A_362, %add3A_905 : vector<16xi32>
        %gather3A = tpu.vector_load_idx %arg8[%add3A_365, %add3A_906] : memref<128x128xf32, #tpu.memory_space<vmem>>[vector<16xi32>, vector<16xi32>], vector<16xf32>,
        tpu.vector_store_idx %arg10[%add3A_905, %add3A_365], %gather3A : memref<64x128xf32, #tpu.memory_space<vmem>>[vector<16xi32>, vector<16xi32>], vector<16xf32>,
        %add3A_907 = arith.constant 48 : i32
        %add3A_908 = vector.broadcast %add3A_907 : i32 to vector<16xi32>
        %add3A_909 = arith.addi %and3A_902, %add3A_908 : vector<16xi32>
        %add3A_910 = arith.addi %mul3A_362, %add3A_909 : vector<16xi32>
        %gather3A_911 = tpu.vector_load_idx %arg8[%add3A_365, %add3A_910] : memref<128x128xf32, #tpu.memory_space<vmem>>[vector<16xi32>, vector<16xi32>], vector<16xf32>,
        tpu.vector_store_idx %arg10[%add3A_909, %add3A_365], %gather3A_911 : memref<64x128xf32, #tpu.memory_space<vmem>>[vector<16xi32>, vector<16xi32>], vector<16xf32>,
      }
      %scan3A_371 = arith.constant 16 : i32
      %get3A_372 = arith.index_cast %add3A_96 : i32 to index
      %get3A_373 = arith.constant 64 : index
      %get3A_374 = tpu.vector_load %arg5[%get3A_372, %get3A_373] {strides = array<i32>} : memref<200x128xi32, #tpu.memory_space<vmem>>, vector<16xi32>,
      %and3A_375 = arith.constant 1 : i32
      %and3A_376 = vector.broadcast %and3A_375 : i32 to vector<16xi32>
      %and3A_377 = arith.andi %get3A_374, %and3A_376 : vector<16xi32>
      %mul3A_378 = arith.constant 64 : i32
      %mul3A_379 = vector.broadcast %mul3A_378 : i32 to vector<16xi32>
      %mul3A_380 = arith.muli %and3A_377, %mul3A_379 : vector<16xi32>
      %add3A_381 = arith.constant 64 : i32
      %add3A_382 = vector.broadcast %add3A_381 : i32 to vector<16xi32>
      %add3A_383 = arith.addi %iota3A, %add3A_382 : vector<16xi32>
      %scan3A_384 = arith.constant 0 : i32
      %scan3A_385 = arith.constant 0 : i32
      %scan3A_386 = arith.constant 16 : i32
      %scan3A_387 = arith.addi %scan3A_385, %scan3A_386 : i32
      %scan3A_388 = arith.constant 1 : i32
      scf.for %scan3A_897 = %scan3A_385 to %scan3A_387 step %scan3A_388  : i32 {
        %add3A_898 = vector.broadcast %scan3A_897 : i32 to vector<16xi32>
        %add3A_899 = arith.addi %iota3A, %add3A_898 : vector<16xi32>
        %and3A_900 = arith.constant 15 : i32
        %and3A_901 = vector.broadcast %and3A_900 : i32 to vector<16xi32>
        %and3A_902 = arith.andi %add3A_899, %and3A_901 : vector<16xi32>
        %add3A_903 = arith.constant 32 : i32
        %add3A_904 = vector.broadcast %add3A_903 : i32 to vector<16xi32>
        %add3A_905 = arith.addi %and3A_902, %add3A_904 : vector<16xi32>
        %add3A_906 = arith.addi %mul3A_380, %add3A_905 : vector<16xi32>
        %gather3A = tpu.vector_load_idx %arg8[%add3A_383, %add3A_906] : memref<128x128xf32, #tpu.memory_space<vmem>>[vector<16xi32>, vector<16xi32>], vector<16xf32>,
        tpu.vector_store_idx %arg10[%add3A_905, %add3A_383], %gather3A : memref<64x128xf32, #tpu.memory_space<vmem>>[vector<16xi32>, vector<16xi32>], vector<16xf32>,
        %add3A_907 = arith.constant 48 : i32
        %add3A_908 = vector.broadcast %add3A_907 : i32 to vector<16xi32>
        %add3A_909 = arith.addi %and3A_902, %add3A_908 : vector<16xi32>
        %add3A_910 = arith.addi %mul3A_380, %add3A_909 : vector<16xi32>
        %gather3A_911 = tpu.vector_load_idx %arg8[%add3A_383, %add3A_910] : memref<128x128xf32, #tpu.memory_space<vmem>>[vector<16xi32>, vector<16xi32>], vector<16xf32>,
        tpu.vector_store_idx %arg10[%add3A_909, %add3A_383], %gather3A_911 : memref<64x128xf32, #tpu.memory_space<vmem>>[vector<16xi32>, vector<16xi32>], vector<16xf32>,
      }
      %scan3A_389 = arith.constant 16 : i32
      %get3A_390 = arith.index_cast %add3A_96 : i32 to index
      %get3A_391 = arith.constant 80 : index
      %get3A_392 = tpu.vector_load %arg5[%get3A_390, %get3A_391] {strides = array<i32>} : memref<200x128xi32, #tpu.memory_space<vmem>>, vector<16xi32>,
      %and3A_393 = arith.constant 1 : i32
      %and3A_394 = vector.broadcast %and3A_393 : i32 to vector<16xi32>
      %and3A_395 = arith.andi %get3A_392, %and3A_394 : vector<16xi32>
      %mul3A_396 = arith.constant 64 : i32
      %mul3A_397 = vector.broadcast %mul3A_396 : i32 to vector<16xi32>
      %mul3A_398 = arith.muli %and3A_395, %mul3A_397 : vector<16xi32>
      %add3A_399 = arith.constant 80 : i32
      %add3A_400 = vector.broadcast %add3A_399 : i32 to vector<16xi32>
      %add3A_401 = arith.addi %iota3A, %add3A_400 : vector<16xi32>
      %scan3A_402 = arith.constant 0 : i32
      %scan3A_403 = arith.constant 0 : i32
      %scan3A_404 = arith.constant 16 : i32
      %scan3A_405 = arith.addi %scan3A_403, %scan3A_404 : i32
      %scan3A_406 = arith.constant 1 : i32
      scf.for %scan3A_897 = %scan3A_403 to %scan3A_405 step %scan3A_406  : i32 {
        %add3A_898 = vector.broadcast %scan3A_897 : i32 to vector<16xi32>
        %add3A_899 = arith.addi %iota3A, %add3A_898 : vector<16xi32>
        %and3A_900 = arith.constant 15 : i32
        %and3A_901 = vector.broadcast %and3A_900 : i32 to vector<16xi32>
        %and3A_902 = arith.andi %add3A_899, %and3A_901 : vector<16xi32>
        %add3A_903 = arith.constant 32 : i32
        %add3A_904 = vector.broadcast %add3A_903 : i32 to vector<16xi32>
        %add3A_905 = arith.addi %and3A_902, %add3A_904 : vector<16xi32>
        %add3A_906 = arith.addi %mul3A_398, %add3A_905 : vector<16xi32>
        %gather3A = tpu.vector_load_idx %arg8[%add3A_401, %add3A_906] : memref<128x128xf32, #tpu.memory_space<vmem>>[vector<16xi32>, vector<16xi32>], vector<16xf32>,
        tpu.vector_store_idx %arg10[%add3A_905, %add3A_401], %gather3A : memref<64x128xf32, #tpu.memory_space<vmem>>[vector<16xi32>, vector<16xi32>], vector<16xf32>,
        %add3A_907 = arith.constant 48 : i32
        %add3A_908 = vector.broadcast %add3A_907 : i32 to vector<16xi32>
        %add3A_909 = arith.addi %and3A_902, %add3A_908 : vector<16xi32>
        %add3A_910 = arith.addi %mul3A_398, %add3A_909 : vector<16xi32>
        %gather3A_911 = tpu.vector_load_idx %arg8[%add3A_401, %add3A_910] : memref<128x128xf32, #tpu.memory_space<vmem>>[vector<16xi32>, vector<16xi32>], vector<16xf32>,
        tpu.vector_store_idx %arg10[%add3A_909, %add3A_401], %gather3A_911 : memref<64x128xf32, #tpu.memory_space<vmem>>[vector<16xi32>, vector<16xi32>], vector<16xf32>,
      }
      %scan3A_407 = arith.constant 16 : i32
      %get3A_408 = arith.index_cast %add3A_96 : i32 to index
      %get3A_409 = arith.constant 96 : index
      %get3A_410 = tpu.vector_load %arg5[%get3A_408, %get3A_409] {strides = array<i32>} : memref<200x128xi32, #tpu.memory_space<vmem>>, vector<16xi32>,
      %and3A_411 = arith.constant 1 : i32
      %and3A_412 = vector.broadcast %and3A_411 : i32 to vector<16xi32>
      %and3A_413 = arith.andi %get3A_410, %and3A_412 : vector<16xi32>
      %mul3A_414 = arith.constant 64 : i32
      %mul3A_415 = vector.broadcast %mul3A_414 : i32 to vector<16xi32>
      %mul3A_416 = arith.muli %and3A_413, %mul3A_415 : vector<16xi32>
      %add3A_417 = arith.constant 96 : i32
      %add3A_418 = vector.broadcast %add3A_417 : i32 to vector<16xi32>
      %add3A_419 = arith.addi %iota3A, %add3A_418 : vector<16xi32>
      %scan3A_420 = arith.constant 0 : i32
      %scan3A_421 = arith.constant 0 : i32
      %scan3A_422 = arith.constant 16 : i32
      %scan3A_423 = arith.addi %scan3A_421, %scan3A_422 : i32
      %scan3A_424 = arith.constant 1 : i32
      scf.for %scan3A_897 = %scan3A_421 to %scan3A_423 step %scan3A_424  : i32 {
        %add3A_898 = vector.broadcast %scan3A_897 : i32 to vector<16xi32>
        %add3A_899 = arith.addi %iota3A, %add3A_898 : vector<16xi32>
        %and3A_900 = arith.constant 15 : i32
        %and3A_901 = vector.broadcast %and3A_900 : i32 to vector<16xi32>
        %and3A_902 = arith.andi %add3A_899, %and3A_901 : vector<16xi32>
        %add3A_903 = arith.constant 32 : i32
        %add3A_904 = vector.broadcast %add3A_903 : i32 to vector<16xi32>
        %add3A_905 = arith.addi %and3A_902, %add3A_904 : vector<16xi32>
        %add3A_906 = arith.addi %mul3A_416, %add3A_905 : vector<16xi32>
        %gather3A = tpu.vector_load_idx %arg8[%add3A_419, %add3A_906] : memref<128x128xf32, #tpu.memory_space<vmem>>[vector<16xi32>, vector<16xi32>], vector<16xf32>,
        tpu.vector_store_idx %arg10[%add3A_905, %add3A_419], %gather3A : memref<64x128xf32, #tpu.memory_space<vmem>>[vector<16xi32>, vector<16xi32>], vector<16xf32>,
        %add3A_907 = arith.constant 48 : i32
        %add3A_908 = vector.broadcast %add3A_907 : i32 to vector<16xi32>
        %add3A_909 = arith.addi %and3A_902, %add3A_908 : vector<16xi32>
        %add3A_910 = arith.addi %mul3A_416, %add3A_909 : vector<16xi32>
        %gather3A_911 = tpu.vector_load_idx %arg8[%add3A_419, %add3A_910] : memref<128x128xf32, #tpu.memory_space<vmem>>[vector<16xi32>, vector<16xi32>], vector<16xf32>,
        tpu.vector_store_idx %arg10[%add3A_909, %add3A_419], %gather3A_911 : memref<64x128xf32, #tpu.memory_space<vmem>>[vector<16xi32>, vector<16xi32>], vector<16xf32>,
      }
      %scan3A_425 = arith.constant 16 : i32
      %get3A_426 = arith.index_cast %add3A_96 : i32 to index
      %get3A_427 = arith.constant 112 : index
      %get3A_428 = tpu.vector_load %arg5[%get3A_426, %get3A_427] {strides = array<i32>} : memref<200x128xi32, #tpu.memory_space<vmem>>, vector<16xi32>,
      %and3A_429 = arith.constant 1 : i32
      %and3A_430 = vector.broadcast %and3A_429 : i32 to vector<16xi32>
      %and3A_431 = arith.andi %get3A_428, %and3A_430 : vector<16xi32>
      %mul3A_432 = arith.constant 64 : i32
      %mul3A_433 = vector.broadcast %mul3A_432 : i32 to vector<16xi32>
      %mul3A_434 = arith.muli %and3A_431, %mul3A_433 : vector<16xi32>
      %add3A_435 = arith.constant 112 : i32
      %add3A_436 = vector.broadcast %add3A_435 : i32 to vector<16xi32>
      %add3A_437 = arith.addi %iota3A, %add3A_436 : vector<16xi32>
      %scan3A_438 = arith.constant 0 : i32
      %scan3A_439 = arith.constant 0 : i32
      %scan3A_440 = arith.constant 16 : i32
      %scan3A_441 = arith.addi %scan3A_439, %scan3A_440 : i32
      %scan3A_442 = arith.constant 1 : i32
      scf.for %scan3A_897 = %scan3A_439 to %scan3A_441 step %scan3A_442  : i32 {
        %add3A_898 = vector.broadcast %scan3A_897 : i32 to vector<16xi32>
        %add3A_899 = arith.addi %iota3A, %add3A_898 : vector<16xi32>
        %and3A_900 = arith.constant 15 : i32
        %and3A_901 = vector.broadcast %and3A_900 : i32 to vector<16xi32>
        %and3A_902 = arith.andi %add3A_899, %and3A_901 : vector<16xi32>
        %add3A_903 = arith.constant 32 : i32
        %add3A_904 = vector.broadcast %add3A_903 : i32 to vector<16xi32>
        %add3A_905 = arith.addi %and3A_902, %add3A_904 : vector<16xi32>
        %add3A_906 = arith.addi %mul3A_434, %add3A_905 : vector<16xi32>
        %gather3A = tpu.vector_load_idx %arg8[%add3A_437, %add3A_906] : memref<128x128xf32, #tpu.memory_space<vmem>>[vector<16xi32>, vector<16xi32>], vector<16xf32>,
        tpu.vector_store_idx %arg10[%add3A_905, %add3A_437], %gather3A : memref<64x128xf32, #tpu.memory_space<vmem>>[vector<16xi32>, vector<16xi32>], vector<16xf32>,
        %add3A_907 = arith.constant 48 : i32
        %add3A_908 = vector.broadcast %add3A_907 : i32 to vector<16xi32>
        %add3A_909 = arith.addi %and3A_902, %add3A_908 : vector<16xi32>
        %add3A_910 = arith.addi %mul3A_434, %add3A_909 : vector<16xi32>
        %gather3A_911 = tpu.vector_load_idx %arg8[%add3A_437, %add3A_910] : memref<128x128xf32, #tpu.memory_space<vmem>>[vector<16xi32>, vector<16xi32>], vector<16xf32>,
        tpu.vector_store_idx %arg10[%add3A_909, %add3A_437], %gather3A_911 : memref<64x128xf32, #tpu.memory_space<vmem>>[vector<16xi32>, vector<16xi32>], vector<16xf32>,
      }
      %scan3A_443 = arith.constant 16 : i32
      %dma_start3A_444 = arith.constant 32 : i32
      %dma_start3A_445 = arith.constant 0 : i32
      %dma_start3A_446 = tpu.memref_slice %arg10[%dma_start3A_444, %dma_start3A_445] : memref<64x128xf32, #tpu.memory_space<vmem>> -> memref<8x128xf32, #tpu.memory_space<vmem>>
      %dma_start3A_447 = arith.constant 32 : i32
      %dma_start3A_448 = tpu.memref_slice %arg4[%add3A_96, %dma_start3A_447, %multiple_of3A] : memref<200x64x4096xf32, #tpu.memory_space<hbm>> -> memref<1x8x128xf32, #tpu.memory_space<hbm>>
      %dma_start3A_449 = tpu.memref_squeeze %dma_start3A_448 : memref<1x8x128xf32, #tpu.memory_space<hbm>> -> memref<8x128xf32, #tpu.memory_space<hbm>>
      %dma_start3A_450 = arith.constant 32 : i32
      %dma_start3A_451 = tpu.memref_slice %arg4[%add3A_96, %dma_start3A_450, %multiple_of3A] : memref<200x64x4096xf32, #tpu.memory_space<hbm>> -> memref<1x8x128xf32, #tpu.memory_space<hbm>>
      %dma_start3A_452 = tpu.memref_squeeze %dma_start3A_451 : memref<1x8x128xf32, #tpu.memory_space<hbm>> -> memref<8x128xf32, #tpu.memory_space<hbm>>
      %dma_start3A_453 = arith.constant 32 : i32
      %dma_start3A_454 = arith.constant 0 : i32
      %dma_start3A_455 = tpu.memref_slice %arg10[%dma_start3A_453, %dma_start3A_454] : memref<64x128xf32, #tpu.memory_space<vmem>> -> memref<8x128xf32, #tpu.memory_space<vmem>>
      tpu.enqueue_dma source(%dma_start3A_455 : memref<8x128xf32, #tpu.memory_space<vmem>>) target(%dma_start3A_452 : memref<8x128xf32, #tpu.memory_space<hbm>>) target_semaphore(%arg14 : memref<!tpu.dma_semaphore, #tpu.memory_space<semaphore_mem>>)
      %dma_start3A_456 = arith.constant 40 : i32
      %dma_start3A_457 = arith.constant 0 : i32
      %dma_start3A_458 = tpu.memref_slice %arg10[%dma_start3A_456, %dma_start3A_457] : memref<64x128xf32, #tpu.memory_space<vmem>> -> memref<8x128xf32, #tpu.memory_space<vmem>>
      %dma_start3A_459 = arith.constant 40 : i32
      %dma_start3A_460 = tpu.memref_slice %arg4[%add3A_96, %dma_start3A_459, %multiple_of3A] : memref<200x64x4096xf32, #tpu.memory_space<hbm>> -> memref<1x8x128xf32, #tpu.memory_space<hbm>>
      %dma_start3A_461 = tpu.memref_squeeze %dma_start3A_460 : memref<1x8x128xf32, #tpu.memory_space<hbm>> -> memref<8x128xf32, #tpu.memory_space<hbm>>
      %dma_start3A_462 = arith.constant 40 : i32
      %dma_start3A_463 = tpu.memref_slice %arg4[%add3A_96, %dma_start3A_462, %multiple_of3A] : memref<200x64x4096xf32, #tpu.memory_space<hbm>> -> memref<1x8x128xf32, #tpu.memory_space<hbm>>
      %dma_start3A_464 = tpu.memref_squeeze %dma_start3A_463 : memref<1x8x128xf32, #tpu.memory_space<hbm>> -> memref<8x128xf32, #tpu.memory_space<hbm>>
      %dma_start3A_465 = arith.constant 40 : i32
      %dma_start3A_466 = arith.constant 0 : i32
      %dma_start3A_467 = tpu.memref_slice %arg10[%dma_start3A_465, %dma_start3A_466] : memref<64x128xf32, #tpu.memory_space<vmem>> -> memref<8x128xf32, #tpu.memory_space<vmem>>
      tpu.enqueue_dma source(%dma_start3A_467 : memref<8x128xf32, #tpu.memory_space<vmem>>) target(%dma_start3A_464 : memref<8x128xf32, #tpu.memory_space<hbm>>) target_semaphore(%arg14 : memref<!tpu.dma_semaphore, #tpu.memory_space<semaphore_mem>>)
      %dma_start3A_468 = arith.constant 48 : i32
      %dma_start3A_469 = arith.constant 0 : i32
      %dma_start3A_470 = tpu.memref_slice %arg10[%dma_start3A_468, %dma_start3A_469] : memref<64x128xf32, #tpu.memory_space<vmem>> -> memref<8x128xf32, #tpu.memory_space<vmem>>
      %dma_start3A_471 = arith.constant 48 : i32
      %dma_start3A_472 = tpu.memref_slice %arg4[%add3A_96, %dma_start3A_471, %multiple_of3A] : memref<200x64x4096xf32, #tpu.memory_space<hbm>> -> memref<1x8x128xf32, #tpu.memory_space<hbm>>
      %dma_start3A_473 = tpu.memref_squeeze %dma_start3A_472 : memref<1x8x128xf32, #tpu.memory_space<hbm>> -> memref<8x128xf32, #tpu.memory_space<hbm>>
      %dma_start3A_474 = arith.constant 48 : i32
      %dma_start3A_475 = tpu.memref_slice %arg4[%add3A_96, %dma_start3A_474, %multiple_of3A] : memref<200x64x4096xf32, #tpu.memory_space<hbm>> -> memref<1x8x128xf32, #tpu.memory_space<hbm>>
      %dma_start3A_476 = tpu.memref_squeeze %dma_start3A_475 : memref<1x8x128xf32, #tpu.memory_space<hbm>> -> memref<8x128xf32, #tpu.memory_space<hbm>>
      %dma_start3A_477 = arith.constant 48 : i32
      %dma_start3A_478 = arith.constant 0 : i32
      %dma_start3A_479 = tpu.memref_slice %arg10[%dma_start3A_477, %dma_start3A_478] : memref<64x128xf32, #tpu.memory_space<vmem>> -> memref<8x128xf32, #tpu.memory_space<vmem>>
      tpu.enqueue_dma source(%dma_start3A_479 : memref<8x128xf32, #tpu.memory_space<vmem>>) target(%dma_start3A_476 : memref<8x128xf32, #tpu.memory_space<hbm>>) target_semaphore(%arg14 : memref<!tpu.dma_semaphore, #tpu.memory_space<semaphore_mem>>)
      %dma_start3A_480 = arith.constant 56 : i32
      %dma_start3A_481 = arith.constant 0 : i32
      %dma_start3A_482 = tpu.memref_slice %arg10[%dma_start3A_480, %dma_start3A_481] : memref<64x128xf32, #tpu.memory_space<vmem>> -> memref<8x128xf32, #tpu.memory_space<vmem>>
      %dma_start3A_483 = arith.constant 56 : i32
      %dma_start3A_484 = tpu.memref_slice %arg4[%add3A_96, %dma_start3A_483, %multiple_of3A] : memref<200x64x4096xf32, #tpu.memory_space<hbm>> -> memref<1x8x128xf32, #tpu.memory_space<hbm>>
      %dma_start3A_485 = tpu.memref_squeeze %dma_start3A_484 : memref<1x8x128xf32, #tpu.memory_space<hbm>> -> memref<8x128xf32, #tpu.memory_space<hbm>>
      %dma_start3A_486 = arith.constant 56 : i32
      %dma_start3A_487 = tpu.memref_slice %arg4[%add3A_96, %dma_start3A_486, %multiple_of3A] : memref<200x64x4096xf32, #tpu.memory_space<hbm>> -> memref<1x8x128xf32, #tpu.memory_space<hbm>>
      %dma_start3A_488 = tpu.memref_squeeze %dma_start3A_487 : memref<1x8x128xf32, #tpu.memory_space<hbm>> -> memref<8x128xf32, #tpu.memory_space<hbm>>
      %dma_start3A_489 = arith.constant 56 : i32
      %dma_start3A_490 = arith.constant 0 : i32
      %dma_start3A_491 = tpu.memref_slice %arg10[%dma_start3A_489, %dma_start3A_490] : memref<64x128xf32, #tpu.memory_space<vmem>> -> memref<8x128xf32, #tpu.memory_space<vmem>>
      tpu.enqueue_dma source(%dma_start3A_491 : memref<8x128xf32, #tpu.memory_space<vmem>>) target(%dma_start3A_488 : memref<8x128xf32, #tpu.memory_space<hbm>>) target_semaphore(%arg14 : memref<!tpu.dma_semaphore, #tpu.memory_space<semaphore_mem>>)
      %mul3A_492 = arith.constant 2 : i32
      %mul3A_493 = arith.muli %mul3A_492, %scan3A_92 : i32
      %add3A_494 = arith.constant 1 : i32
      %add3A_495 = arith.addi %mul3A_493, %add3A_494 : i32
      %lt3A_496 = arith.constant 199 : i32
      %lt3A_497 = arith.cmpi slt, %add3A_495, %lt3A_496 : i32
      %convert_element_type3A_498 = arith.extui %lt3A_497 : i1 to i32
      %cond3A_499 = arith.constant 0 : i32
      %cond3A_500 = arith.cmpi ne, %convert_element_type3A_498, %cond3A_499 : i32
      scf.if %cond3A_500 {
        %add3A_897 = arith.constant 1 : i32
        %add3A_898 = arith.addi %add3A_495, %add3A_897 : i32
        %get3A_899 = arith.index_cast %add3A_898 : i32 to index
        %get3A_900 = arith.constant 0 : index
        %get3A_901 = tpu.vector_load %arg5[%get3A_899, %get3A_900] {strides = array<i32>} : memref<200x128xi32, #tpu.memory_space<vmem>>, vector<16xi32>,
        %shift_right_logical3A_902 = arith.constant 1 : i32
        %shift_right_logical3A_903 = vector.broadcast %shift_right_logical3A_902 : i32 to vector<16xi32>
        %shift_right_logical3A_904 = arith.shrui %get3A_901, %shift_right_logical3A_903 : vector<16xi32>
        %swap3A_905 = arith.constant 0 : index
        %swap3A_906 = tpu.vector_load %arg6[%swap3A_905] {strides = array<i32>} : memref<128xi32, #tpu.memory_space<vmem>>, vector<16xi32>,
        tpu.vector_store %arg6[%swap3A_905], %shift_right_logical3A_904 {strides = array<i32>} : memref<128xi32, #tpu.memory_space<vmem>>, vector<16xi32>,
        %get3A_907 = arith.index_cast %add3A_898 : i32 to index
        %get3A_908 = arith.constant 16 : index
        %get3A_909 = tpu.vector_load %arg5[%get3A_907, %get3A_908] {strides = array<i32>} : memref<200x128xi32, #tpu.memory_space<vmem>>, vector<16xi32>,
        %shift_right_logical3A_910 = arith.constant 1 : i32
        %shift_right_logical3A_911 = vector.broadcast %shift_right_logical3A_910 : i32 to vector<16xi32>
        %shift_right_logical3A_912 = arith.shrui %get3A_909, %shift_right_logical3A_911 : vector<16xi32>
        %swap3A_913 = arith.constant 16 : index
        %swap3A_914 = tpu.vector_load %arg6[%swap3A_913] {strides = array<i32>} : memref<128xi32, #tpu.memory_space<vmem>>, vector<16xi32>,
        tpu.vector_store %arg6[%swap3A_913], %shift_right_logical3A_912 {strides = array<i32>} : memref<128xi32, #tpu.memory_space<vmem>>, vector<16xi32>,
        %get3A_915 = arith.index_cast %add3A_898 : i32 to index
        %get3A_916 = arith.constant 32 : index
        %get3A_917 = tpu.vector_load %arg5[%get3A_915, %get3A_916] {strides = array<i32>} : memref<200x128xi32, #tpu.memory_space<vmem>>, vector<16xi32>,
        %shift_right_logical3A_918 = arith.constant 1 : i32
        %shift_right_logical3A_919 = vector.broadcast %shift_right_logical3A_918 : i32 to vector<16xi32>
        %shift_right_logical3A_920 = arith.shrui %get3A_917, %shift_right_logical3A_919 : vector<16xi32>
        %swap3A_921 = arith.constant 32 : index
        %swap3A_922 = tpu.vector_load %arg6[%swap3A_921] {strides = array<i32>} : memref<128xi32, #tpu.memory_space<vmem>>, vector<16xi32>,
        tpu.vector_store %arg6[%swap3A_921], %shift_right_logical3A_920 {strides = array<i32>} : memref<128xi32, #tpu.memory_space<vmem>>, vector<16xi32>,
        %get3A_923 = arith.index_cast %add3A_898 : i32 to index
        %get3A_924 = arith.constant 48 : index
        %get3A_925 = tpu.vector_load %arg5[%get3A_923, %get3A_924] {strides = array<i32>} : memref<200x128xi32, #tpu.memory_space<vmem>>, vector<16xi32>,
        %shift_right_logical3A_926 = arith.constant 1 : i32
        %shift_right_logical3A_927 = vector.broadcast %shift_right_logical3A_926 : i32 to vector<16xi32>
        %shift_right_logical3A_928 = arith.shrui %get3A_925, %shift_right_logical3A_927 : vector<16xi32>
        %swap3A_929 = arith.constant 48 : index
        %swap3A_930 = tpu.vector_load %arg6[%swap3A_929] {strides = array<i32>} : memref<128xi32, #tpu.memory_space<vmem>>, vector<16xi32>,
        tpu.vector_store %arg6[%swap3A_929], %shift_right_logical3A_928 {strides = array<i32>} : memref<128xi32, #tpu.memory_space<vmem>>, vector<16xi32>,
        %get3A_931 = arith.index_cast %add3A_898 : i32 to index
        %get3A_932 = arith.constant 64 : index
        %get3A_933 = tpu.vector_load %arg5[%get3A_931, %get3A_932] {strides = array<i32>} : memref<200x128xi32, #tpu.memory_space<vmem>>, vector<16xi32>,
        %shift_right_logical3A_934 = arith.constant 1 : i32
        %shift_right_logical3A_935 = vector.broadcast %shift_right_logical3A_934 : i32 to vector<16xi32>
        %shift_right_logical3A_936 = arith.shrui %get3A_933, %shift_right_logical3A_935 : vector<16xi32>
        %swap3A_937 = arith.constant 64 : index
        %swap3A_938 = tpu.vector_load %arg6[%swap3A_937] {strides = array<i32>} : memref<128xi32, #tpu.memory_space<vmem>>, vector<16xi32>,
        tpu.vector_store %arg6[%swap3A_937], %shift_right_logical3A_936 {strides = array<i32>} : memref<128xi32, #tpu.memory_space<vmem>>, vector<16xi32>,
        %get3A_939 = arith.index_cast %add3A_898 : i32 to index
        %get3A_940 = arith.constant 80 : index
        %get3A_941 = tpu.vector_load %arg5[%get3A_939, %get3A_940] {strides = array<i32>} : memref<200x128xi32, #tpu.memory_space<vmem>>, vector<16xi32>,
        %shift_right_logical3A_942 = arith.constant 1 : i32
        %shift_right_logical3A_943 = vector.broadcast %shift_right_logical3A_942 : i32 to vector<16xi32>
        %shift_right_logical3A_944 = arith.shrui %get3A_941, %shift_right_logical3A_943 : vector<16xi32>
        %swap3A_945 = arith.constant 80 : index
        %swap3A_946 = tpu.vector_load %arg6[%swap3A_945] {strides = array<i32>} : memref<128xi32, #tpu.memory_space<vmem>>, vector<16xi32>,
        tpu.vector_store %arg6[%swap3A_945], %shift_right_logical3A_944 {strides = array<i32>} : memref<128xi32, #tpu.memory_space<vmem>>, vector<16xi32>,
        %get3A_947 = arith.index_cast %add3A_898 : i32 to index
        %get3A_948 = arith.constant 96 : index
        %get3A_949 = tpu.vector_load %arg5[%get3A_947, %get3A_948] {strides = array<i32>} : memref<200x128xi32, #tpu.memory_space<vmem>>, vector<16xi32>,
        %shift_right_logical3A_950 = arith.constant 1 : i32
        %shift_right_logical3A_951 = vector.broadcast %shift_right_logical3A_950 : i32 to vector<16xi32>
        %shift_right_logical3A_952 = arith.shrui %get3A_949, %shift_right_logical3A_951 : vector<16xi32>
        %swap3A_953 = arith.constant 96 : index
        %swap3A_954 = tpu.vector_load %arg6[%swap3A_953] {strides = array<i32>} : memref<128xi32, #tpu.memory_space<vmem>>, vector<16xi32>,
        tpu.vector_store %arg6[%swap3A_953], %shift_right_logical3A_952 {strides = array<i32>} : memref<128xi32, #tpu.memory_space<vmem>>, vector<16xi32>,
        %get3A_955 = arith.index_cast %add3A_898 : i32 to index
        %get3A_956 = arith.constant 112 : index
        %get3A_957 = tpu.vector_load %arg5[%get3A_955, %get3A_956] {strides = array<i32>} : memref<200x128xi32, #tpu.memory_space<vmem>>, vector<16xi32>,
        %shift_right_logical3A_958 = arith.constant 1 : i32
        %shift_right_logical3A_959 = vector.broadcast %shift_right_logical3A_958 : i32 to vector<16xi32>
        %shift_right_logical3A_960 = arith.shrui %get3A_957, %shift_right_logical3A_959 : vector<16xi32>
        %swap3A_961 = arith.constant 112 : index
        %swap3A_962 = tpu.vector_load %arg6[%swap3A_961] {strides = array<i32>} : memref<128xi32, #tpu.memory_space<vmem>>, vector<16xi32>,
        tpu.vector_store %arg6[%swap3A_961], %shift_right_logical3A_960 {strides = array<i32>} : memref<128xi32, #tpu.memory_space<vmem>>, vector<16xi32>,
        %dma_start3A_963 = arith.constant 0 : i32
        %dma_start3A_964 = arith.constant 0 : i32
        %dma_start3A_965 = tpu.memref_slice %arg3[%dma_start3A_963, %dma_start3A_964] : memref<500000x128xf32, #tpu.memory_space<hbm>> -> memref<500000x128xf32, #tpu.memory_space<hbm>>
        tpu.enqueue_indirect_dma source(%dma_start3A_965 : memref<500000x128xf32, #tpu.memory_space<hbm>>) target(%arg8 : memref<128x128xf32, #tpu.memory_space<vmem>>) offsets(%arg6 : memref<128xi32, #tpu.memory_space<vmem>>) semaphore(%arg12 : memref<!tpu.dma_semaphore, #tpu.memory_space<semaphore_mem>>)
      } else {
      }
      %dma_wait3A_501 = arith.constant 0 : i32
      %dma_wait3A_502 = arith.constant 0 : i32
      %dma_wait3A_503 = tpu.memref_slice %arg3[%dma_wait3A_501, %dma_wait3A_502] : memref<500000x128xf32, #tpu.memory_space<hbm>> -> memref<128x128xf32, #tpu.memory_space<hbm>>
      %dma_wait3A_504 = arith.constant 0 : i32
      %dma_wait3A_505 = arith.constant 0 : i32
      %dma_wait3A_506 = tpu.memref_slice %arg3[%dma_wait3A_504, %dma_wait3A_505] : memref<500000x128xf32, #tpu.memory_space<hbm>> -> memref<128x128xf32, #tpu.memory_space<hbm>>
      tpu.wait_dma2 semaphore(%arg13 : memref<!tpu.dma_semaphore, #tpu.memory_space<semaphore_mem>>) src(%dma_wait3A_506 : memref<128x128xf32, #tpu.memory_space<hbm>>) dst(%arg9 : memref<128x128xf32, #tpu.memory_space<vmem>>)
      %ge3A_507 = arith.constant 2 : i32
      %ge3A_508 = arith.cmpi sge, %add3A_495, %ge3A_507 : i32
      %convert_element_type3A_509 = arith.extui %ge3A_508 : i1 to i32
      %cond3A_510 = arith.constant 0 : i32
      %cond3A_511 = arith.cmpi ne, %convert_element_type3A_509, %cond3A_510 : i32
      scf.if %cond3A_511 {
        %sub3A = arith.constant 2 : i32
        %sub3A_897 = arith.subi %add3A_495, %sub3A : i32
        %dma_wait3A_898 = arith.constant 0 : i32
        %dma_wait3A_899 = tpu.memref_slice %arg4[%sub3A_897, %dma_wait3A_898, %multiple_of3A] : memref<200x64x4096xf32, #tpu.memory_space<hbm>> -> memref<1x64x128xf32, #tpu.memory_space<hbm>>
        %dma_wait3A_900 = tpu.memref_squeeze %dma_wait3A_899 : memref<1x64x128xf32, #tpu.memory_space<hbm>> -> memref<64x128xf32, #tpu.memory_space<hbm>>
        %dma_wait3A_901 = arith.constant 0 : i32
        %dma_wait3A_902 = tpu.memref_slice %arg4[%sub3A_897, %dma_wait3A_901, %multiple_of3A] : memref<200x64x4096xf32, #tpu.memory_space<hbm>> -> memref<1x64x128xf32, #tpu.memory_space<hbm>>
        %dma_wait3A_903 = tpu.memref_squeeze %dma_wait3A_902 : memref<1x64x128xf32, #tpu.memory_space<hbm>> -> memref<64x128xf32, #tpu.memory_space<hbm>>
        tpu.wait_dma2 semaphore(%arg15 : memref<!tpu.dma_semaphore, #tpu.memory_space<semaphore_mem>>) src(%arg11 : memref<64x128xf32, #tpu.memory_space<vmem>>) dst(%dma_wait3A_903 : memref<64x128xf32, #tpu.memory_space<hbm>>)
      } else {
      }
      %iota3A_512 = tpu.iota {dimensions = array<i32: 0>} : vector<16xi32>
      %get3A_513 = arith.index_cast %add3A_495 : i32 to index
      %get3A_514 = arith.constant 0 : index
      %get3A_515 = tpu.vector_load %arg5[%get3A_513, %get3A_514] {strides = array<i32>} : memref<200x128xi32, #tpu.memory_space<vmem>>, vector<16xi32>,
      %and3A_516 = arith.constant 1 : i32
      %and3A_517 = vector.broadcast %and3A_516 : i32 to vector<16xi32>
      %and3A_518 = arith.andi %get3A_515, %and3A_517 : vector<16xi32>
      %mul3A_519 = arith.constant 64 : i32
      %mul3A_520 = vector.broadcast %mul3A_519 : i32 to vector<16xi32>
      %mul3A_521 = arith.muli %and3A_518, %mul3A_520 : vector<16xi32>
      %add3A_522 = arith.constant 0 : i32
      %add3A_523 = vector.broadcast %add3A_522 : i32 to vector<16xi32>
      %add3A_524 = arith.addi %iota3A_512, %add3A_523 : vector<16xi32>
      %scan3A_525 = arith.constant 0 : i32
      %scan3A_526 = arith.constant 0 : i32
      %scan3A_527 = arith.constant 16 : i32
      %scan3A_528 = arith.addi %scan3A_526, %scan3A_527 : i32
      %scan3A_529 = arith.constant 1 : i32
      scf.for %scan3A_897 = %scan3A_526 to %scan3A_528 step %scan3A_529  : i32 {
        %add3A_898 = vector.broadcast %scan3A_897 : i32 to vector<16xi32>
        %add3A_899 = arith.addi %iota3A_512, %add3A_898 : vector<16xi32>
        %and3A_900 = arith.constant 15 : i32
        %and3A_901 = vector.broadcast %and3A_900 : i32 to vector<16xi32>
        %and3A_902 = arith.andi %add3A_899, %and3A_901 : vector<16xi32>
        %add3A_903 = arith.constant 0 : i32
        %add3A_904 = vector.broadcast %add3A_903 : i32 to vector<16xi32>
        %add3A_905 = arith.addi %and3A_902, %add3A_904 : vector<16xi32>
        %add3A_906 = arith.addi %mul3A_521, %add3A_905 : vector<16xi32>
        %gather3A = tpu.vector_load_idx %arg9[%add3A_524, %add3A_906] : memref<128x128xf32, #tpu.memory_space<vmem>>[vector<16xi32>, vector<16xi32>], vector<16xf32>,
        tpu.vector_store_idx %arg11[%add3A_905, %add3A_524], %gather3A : memref<64x128xf32, #tpu.memory_space<vmem>>[vector<16xi32>, vector<16xi32>], vector<16xf32>,
        %add3A_907 = arith.constant 16 : i32
        %add3A_908 = vector.broadcast %add3A_907 : i32 to vector<16xi32>
        %add3A_909 = arith.addi %and3A_902, %add3A_908 : vector<16xi32>
        %add3A_910 = arith.addi %mul3A_521, %add3A_909 : vector<16xi32>
        %gather3A_911 = tpu.vector_load_idx %arg9[%add3A_524, %add3A_910] : memref<128x128xf32, #tpu.memory_space<vmem>>[vector<16xi32>, vector<16xi32>], vector<16xf32>,
        tpu.vector_store_idx %arg11[%add3A_909, %add3A_524], %gather3A_911 : memref<64x128xf32, #tpu.memory_space<vmem>>[vector<16xi32>, vector<16xi32>], vector<16xf32>,
      }
      %scan3A_530 = arith.constant 16 : i32
      %get3A_531 = arith.index_cast %add3A_495 : i32 to index
      %get3A_532 = arith.constant 16 : index
      %get3A_533 = tpu.vector_load %arg5[%get3A_531, %get3A_532] {strides = array<i32>} : memref<200x128xi32, #tpu.memory_space<vmem>>, vector<16xi32>,
      %and3A_534 = arith.constant 1 : i32
      %and3A_535 = vector.broadcast %and3A_534 : i32 to vector<16xi32>
      %and3A_536 = arith.andi %get3A_533, %and3A_535 : vector<16xi32>
      %mul3A_537 = arith.constant 64 : i32
      %mul3A_538 = vector.broadcast %mul3A_537 : i32 to vector<16xi32>
      %mul3A_539 = arith.muli %and3A_536, %mul3A_538 : vector<16xi32>
      %add3A_540 = arith.constant 16 : i32
      %add3A_541 = vector.broadcast %add3A_540 : i32 to vector<16xi32>
      %add3A_542 = arith.addi %iota3A_512, %add3A_541 : vector<16xi32>
      %scan3A_543 = arith.constant 0 : i32
      %scan3A_544 = arith.constant 0 : i32
      %scan3A_545 = arith.constant 16 : i32
      %scan3A_546 = arith.addi %scan3A_544, %scan3A_545 : i32
      %scan3A_547 = arith.constant 1 : i32
      scf.for %scan3A_897 = %scan3A_544 to %scan3A_546 step %scan3A_547  : i32 {
        %add3A_898 = vector.broadcast %scan3A_897 : i32 to vector<16xi32>
        %add3A_899 = arith.addi %iota3A_512, %add3A_898 : vector<16xi32>
        %and3A_900 = arith.constant 15 : i32
        %and3A_901 = vector.broadcast %and3A_900 : i32 to vector<16xi32>
        %and3A_902 = arith.andi %add3A_899, %and3A_901 : vector<16xi32>
        %add3A_903 = arith.constant 0 : i32
        %add3A_904 = vector.broadcast %add3A_903 : i32 to vector<16xi32>
        %add3A_905 = arith.addi %and3A_902, %add3A_904 : vector<16xi32>
        %add3A_906 = arith.addi %mul3A_539, %add3A_905 : vector<16xi32>
        %gather3A = tpu.vector_load_idx %arg9[%add3A_542, %add3A_906] : memref<128x128xf32, #tpu.memory_space<vmem>>[vector<16xi32>, vector<16xi32>], vector<16xf32>,
        tpu.vector_store_idx %arg11[%add3A_905, %add3A_542], %gather3A : memref<64x128xf32, #tpu.memory_space<vmem>>[vector<16xi32>, vector<16xi32>], vector<16xf32>,
        %add3A_907 = arith.constant 16 : i32
        %add3A_908 = vector.broadcast %add3A_907 : i32 to vector<16xi32>
        %add3A_909 = arith.addi %and3A_902, %add3A_908 : vector<16xi32>
        %add3A_910 = arith.addi %mul3A_539, %add3A_909 : vector<16xi32>
        %gather3A_911 = tpu.vector_load_idx %arg9[%add3A_542, %add3A_910] : memref<128x128xf32, #tpu.memory_space<vmem>>[vector<16xi32>, vector<16xi32>], vector<16xf32>,
        tpu.vector_store_idx %arg11[%add3A_909, %add3A_542], %gather3A_911 : memref<64x128xf32, #tpu.memory_space<vmem>>[vector<16xi32>, vector<16xi32>], vector<16xf32>,
      }
      %scan3A_548 = arith.constant 16 : i32
      %get3A_549 = arith.index_cast %add3A_495 : i32 to index
      %get3A_550 = arith.constant 32 : index
      %get3A_551 = tpu.vector_load %arg5[%get3A_549, %get3A_550] {strides = array<i32>} : memref<200x128xi32, #tpu.memory_space<vmem>>, vector<16xi32>,
      %and3A_552 = arith.constant 1 : i32
      %and3A_553 = vector.broadcast %and3A_552 : i32 to vector<16xi32>
      %and3A_554 = arith.andi %get3A_551, %and3A_553 : vector<16xi32>
      %mul3A_555 = arith.constant 64 : i32
      %mul3A_556 = vector.broadcast %mul3A_555 : i32 to vector<16xi32>
      %mul3A_557 = arith.muli %and3A_554, %mul3A_556 : vector<16xi32>
      %add3A_558 = arith.constant 32 : i32
      %add3A_559 = vector.broadcast %add3A_558 : i32 to vector<16xi32>
      %add3A_560 = arith.addi %iota3A_512, %add3A_559 : vector<16xi32>
      %scan3A_561 = arith.constant 0 : i32
      %scan3A_562 = arith.constant 0 : i32
      %scan3A_563 = arith.constant 16 : i32
      %scan3A_564 = arith.addi %scan3A_562, %scan3A_563 : i32
      %scan3A_565 = arith.constant 1 : i32
      scf.for %scan3A_897 = %scan3A_562 to %scan3A_564 step %scan3A_565  : i32 {
        %add3A_898 = vector.broadcast %scan3A_897 : i32 to vector<16xi32>
        %add3A_899 = arith.addi %iota3A_512, %add3A_898 : vector<16xi32>
        %and3A_900 = arith.constant 15 : i32
        %and3A_901 = vector.broadcast %and3A_900 : i32 to vector<16xi32>
        %and3A_902 = arith.andi %add3A_899, %and3A_901 : vector<16xi32>
        %add3A_903 = arith.constant 0 : i32
        %add3A_904 = vector.broadcast %add3A_903 : i32 to vector<16xi32>
        %add3A_905 = arith.addi %and3A_902, %add3A_904 : vector<16xi32>
        %add3A_906 = arith.addi %mul3A_557, %add3A_905 : vector<16xi32>
        %gather3A = tpu.vector_load_idx %arg9[%add3A_560, %add3A_906] : memref<128x128xf32, #tpu.memory_space<vmem>>[vector<16xi32>, vector<16xi32>], vector<16xf32>,
        tpu.vector_store_idx %arg11[%add3A_905, %add3A_560], %gather3A : memref<64x128xf32, #tpu.memory_space<vmem>>[vector<16xi32>, vector<16xi32>], vector<16xf32>,
        %add3A_907 = arith.constant 16 : i32
        %add3A_908 = vector.broadcast %add3A_907 : i32 to vector<16xi32>
        %add3A_909 = arith.addi %and3A_902, %add3A_908 : vector<16xi32>
        %add3A_910 = arith.addi %mul3A_557, %add3A_909 : vector<16xi32>
        %gather3A_911 = tpu.vector_load_idx %arg9[%add3A_560, %add3A_910] : memref<128x128xf32, #tpu.memory_space<vmem>>[vector<16xi32>, vector<16xi32>], vector<16xf32>,
        tpu.vector_store_idx %arg11[%add3A_909, %add3A_560], %gather3A_911 : memref<64x128xf32, #tpu.memory_space<vmem>>[vector<16xi32>, vector<16xi32>], vector<16xf32>,
      }
      %scan3A_566 = arith.constant 16 : i32
      %get3A_567 = arith.index_cast %add3A_495 : i32 to index
      %get3A_568 = arith.constant 48 : index
      %get3A_569 = tpu.vector_load %arg5[%get3A_567, %get3A_568] {strides = array<i32>} : memref<200x128xi32, #tpu.memory_space<vmem>>, vector<16xi32>,
      %and3A_570 = arith.constant 1 : i32
      %and3A_571 = vector.broadcast %and3A_570 : i32 to vector<16xi32>
      %and3A_572 = arith.andi %get3A_569, %and3A_571 : vector<16xi32>
      %mul3A_573 = arith.constant 64 : i32
      %mul3A_574 = vector.broadcast %mul3A_573 : i32 to vector<16xi32>
      %mul3A_575 = arith.muli %and3A_572, %mul3A_574 : vector<16xi32>
      %add3A_576 = arith.constant 48 : i32
      %add3A_577 = vector.broadcast %add3A_576 : i32 to vector<16xi32>
      %add3A_578 = arith.addi %iota3A_512, %add3A_577 : vector<16xi32>
      %scan3A_579 = arith.constant 0 : i32
      %scan3A_580 = arith.constant 0 : i32
      %scan3A_581 = arith.constant 16 : i32
      %scan3A_582 = arith.addi %scan3A_580, %scan3A_581 : i32
      %scan3A_583 = arith.constant 1 : i32
      scf.for %scan3A_897 = %scan3A_580 to %scan3A_582 step %scan3A_583  : i32 {
        %add3A_898 = vector.broadcast %scan3A_897 : i32 to vector<16xi32>
        %add3A_899 = arith.addi %iota3A_512, %add3A_898 : vector<16xi32>
        %and3A_900 = arith.constant 15 : i32
        %and3A_901 = vector.broadcast %and3A_900 : i32 to vector<16xi32>
        %and3A_902 = arith.andi %add3A_899, %and3A_901 : vector<16xi32>
        %add3A_903 = arith.constant 0 : i32
        %add3A_904 = vector.broadcast %add3A_903 : i32 to vector<16xi32>
        %add3A_905 = arith.addi %and3A_902, %add3A_904 : vector<16xi32>
        %add3A_906 = arith.addi %mul3A_575, %add3A_905 : vector<16xi32>
        %gather3A = tpu.vector_load_idx %arg9[%add3A_578, %add3A_906] : memref<128x128xf32, #tpu.memory_space<vmem>>[vector<16xi32>, vector<16xi32>], vector<16xf32>,
        tpu.vector_store_idx %arg11[%add3A_905, %add3A_578], %gather3A : memref<64x128xf32, #tpu.memory_space<vmem>>[vector<16xi32>, vector<16xi32>], vector<16xf32>,
        %add3A_907 = arith.constant 16 : i32
        %add3A_908 = vector.broadcast %add3A_907 : i32 to vector<16xi32>
        %add3A_909 = arith.addi %and3A_902, %add3A_908 : vector<16xi32>
        %add3A_910 = arith.addi %mul3A_575, %add3A_909 : vector<16xi32>
        %gather3A_911 = tpu.vector_load_idx %arg9[%add3A_578, %add3A_910] : memref<128x128xf32, #tpu.memory_space<vmem>>[vector<16xi32>, vector<16xi32>], vector<16xf32>,
        tpu.vector_store_idx %arg11[%add3A_909, %add3A_578], %gather3A_911 : memref<64x128xf32, #tpu.memory_space<vmem>>[vector<16xi32>, vector<16xi32>], vector<16xf32>,
      }
      %scan3A_584 = arith.constant 16 : i32
      %get3A_585 = arith.index_cast %add3A_495 : i32 to index
      %get3A_586 = arith.constant 64 : index
      %get3A_587 = tpu.vector_load %arg5[%get3A_585, %get3A_586] {strides = array<i32>} : memref<200x128xi32, #tpu.memory_space<vmem>>, vector<16xi32>,
      %and3A_588 = arith.constant 1 : i32
      %and3A_589 = vector.broadcast %and3A_588 : i32 to vector<16xi32>
      %and3A_590 = arith.andi %get3A_587, %and3A_589 : vector<16xi32>
      %mul3A_591 = arith.constant 64 : i32
      %mul3A_592 = vector.broadcast %mul3A_591 : i32 to vector<16xi32>
      %mul3A_593 = arith.muli %and3A_590, %mul3A_592 : vector<16xi32>
      %add3A_594 = arith.constant 64 : i32
      %add3A_595 = vector.broadcast %add3A_594 : i32 to vector<16xi32>
      %add3A_596 = arith.addi %iota3A_512, %add3A_595 : vector<16xi32>
      %scan3A_597 = arith.constant 0 : i32
      %scan3A_598 = arith.constant 0 : i32
      %scan3A_599 = arith.constant 16 : i32
      %scan3A_600 = arith.addi %scan3A_598, %scan3A_599 : i32
      %scan3A_601 = arith.constant 1 : i32
      scf.for %scan3A_897 = %scan3A_598 to %scan3A_600 step %scan3A_601  : i32 {
        %add3A_898 = vector.broadcast %scan3A_897 : i32 to vector<16xi32>
        %add3A_899 = arith.addi %iota3A_512, %add3A_898 : vector<16xi32>
        %and3A_900 = arith.constant 15 : i32
        %and3A_901 = vector.broadcast %and3A_900 : i32 to vector<16xi32>
        %and3A_902 = arith.andi %add3A_899, %and3A_901 : vector<16xi32>
        %add3A_903 = arith.constant 0 : i32
        %add3A_904 = vector.broadcast %add3A_903 : i32 to vector<16xi32>
        %add3A_905 = arith.addi %and3A_902, %add3A_904 : vector<16xi32>
        %add3A_906 = arith.addi %mul3A_593, %add3A_905 : vector<16xi32>
        %gather3A = tpu.vector_load_idx %arg9[%add3A_596, %add3A_906] : memref<128x128xf32, #tpu.memory_space<vmem>>[vector<16xi32>, vector<16xi32>], vector<16xf32>,
        tpu.vector_store_idx %arg11[%add3A_905, %add3A_596], %gather3A : memref<64x128xf32, #tpu.memory_space<vmem>>[vector<16xi32>, vector<16xi32>], vector<16xf32>,
        %add3A_907 = arith.constant 16 : i32
        %add3A_908 = vector.broadcast %add3A_907 : i32 to vector<16xi32>
        %add3A_909 = arith.addi %and3A_902, %add3A_908 : vector<16xi32>
        %add3A_910 = arith.addi %mul3A_593, %add3A_909 : vector<16xi32>
        %gather3A_911 = tpu.vector_load_idx %arg9[%add3A_596, %add3A_910] : memref<128x128xf32, #tpu.memory_space<vmem>>[vector<16xi32>, vector<16xi32>], vector<16xf32>,
        tpu.vector_store_idx %arg11[%add3A_909, %add3A_596], %gather3A_911 : memref<64x128xf32, #tpu.memory_space<vmem>>[vector<16xi32>, vector<16xi32>], vector<16xf32>,
      }
      %scan3A_602 = arith.constant 16 : i32
      %get3A_603 = arith.index_cast %add3A_495 : i32 to index
      %get3A_604 = arith.constant 80 : index
      %get3A_605 = tpu.vector_load %arg5[%get3A_603, %get3A_604] {strides = array<i32>} : memref<200x128xi32, #tpu.memory_space<vmem>>, vector<16xi32>,
      %and3A_606 = arith.constant 1 : i32
      %and3A_607 = vector.broadcast %and3A_606 : i32 to vector<16xi32>
      %and3A_608 = arith.andi %get3A_605, %and3A_607 : vector<16xi32>
      %mul3A_609 = arith.constant 64 : i32
      %mul3A_610 = vector.broadcast %mul3A_609 : i32 to vector<16xi32>
      %mul3A_611 = arith.muli %and3A_608, %mul3A_610 : vector<16xi32>
      %add3A_612 = arith.constant 80 : i32
      %add3A_613 = vector.broadcast %add3A_612 : i32 to vector<16xi32>
      %add3A_614 = arith.addi %iota3A_512, %add3A_613 : vector<16xi32>
      %scan3A_615 = arith.constant 0 : i32
      %scan3A_616 = arith.constant 0 : i32
      %scan3A_617 = arith.constant 16 : i32
      %scan3A_618 = arith.addi %scan3A_616, %scan3A_617 : i32
      %scan3A_619 = arith.constant 1 : i32
      scf.for %scan3A_897 = %scan3A_616 to %scan3A_618 step %scan3A_619  : i32 {
        %add3A_898 = vector.broadcast %scan3A_897 : i32 to vector<16xi32>
        %add3A_899 = arith.addi %iota3A_512, %add3A_898 : vector<16xi32>
        %and3A_900 = arith.constant 15 : i32
        %and3A_901 = vector.broadcast %and3A_900 : i32 to vector<16xi32>
        %and3A_902 = arith.andi %add3A_899, %and3A_901 : vector<16xi32>
        %add3A_903 = arith.constant 0 : i32
        %add3A_904 = vector.broadcast %add3A_903 : i32 to vector<16xi32>
        %add3A_905 = arith.addi %and3A_902, %add3A_904 : vector<16xi32>
        %add3A_906 = arith.addi %mul3A_611, %add3A_905 : vector<16xi32>
        %gather3A = tpu.vector_load_idx %arg9[%add3A_614, %add3A_906] : memref<128x128xf32, #tpu.memory_space<vmem>>[vector<16xi32>, vector<16xi32>], vector<16xf32>,
        tpu.vector_store_idx %arg11[%add3A_905, %add3A_614], %gather3A : memref<64x128xf32, #tpu.memory_space<vmem>>[vector<16xi32>, vector<16xi32>], vector<16xf32>,
        %add3A_907 = arith.constant 16 : i32
        %add3A_908 = vector.broadcast %add3A_907 : i32 to vector<16xi32>
        %add3A_909 = arith.addi %and3A_902, %add3A_908 : vector<16xi32>
        %add3A_910 = arith.addi %mul3A_611, %add3A_909 : vector<16xi32>
        %gather3A_911 = tpu.vector_load_idx %arg9[%add3A_614, %add3A_910] : memref<128x128xf32, #tpu.memory_space<vmem>>[vector<16xi32>, vector<16xi32>], vector<16xf32>,
        tpu.vector_store_idx %arg11[%add3A_909, %add3A_614], %gather3A_911 : memref<64x128xf32, #tpu.memory_space<vmem>>[vector<16xi32>, vector<16xi32>], vector<16xf32>,
      }
      %scan3A_620 = arith.constant 16 : i32
      %get3A_621 = arith.index_cast %add3A_495 : i32 to index
      %get3A_622 = arith.constant 96 : index
      %get3A_623 = tpu.vector_load %arg5[%get3A_621, %get3A_622] {strides = array<i32>} : memref<200x128xi32, #tpu.memory_space<vmem>>, vector<16xi32>,
      %and3A_624 = arith.constant 1 : i32
      %and3A_625 = vector.broadcast %and3A_624 : i32 to vector<16xi32>
      %and3A_626 = arith.andi %get3A_623, %and3A_625 : vector<16xi32>
      %mul3A_627 = arith.constant 64 : i32
      %mul3A_628 = vector.broadcast %mul3A_627 : i32 to vector<16xi32>
      %mul3A_629 = arith.muli %and3A_626, %mul3A_628 : vector<16xi32>
      %add3A_630 = arith.constant 96 : i32
      %add3A_631 = vector.broadcast %add3A_630 : i32 to vector<16xi32>
      %add3A_632 = arith.addi %iota3A_512, %add3A_631 : vector<16xi32>
      %scan3A_633 = arith.constant 0 : i32
      %scan3A_634 = arith.constant 0 : i32
      %scan3A_635 = arith.constant 16 : i32
      %scan3A_636 = arith.addi %scan3A_634, %scan3A_635 : i32
      %scan3A_637 = arith.constant 1 : i32
      scf.for %scan3A_897 = %scan3A_634 to %scan3A_636 step %scan3A_637  : i32 {
        %add3A_898 = vector.broadcast %scan3A_897 : i32 to vector<16xi32>
        %add3A_899 = arith.addi %iota3A_512, %add3A_898 : vector<16xi32>
        %and3A_900 = arith.constant 15 : i32
        %and3A_901 = vector.broadcast %and3A_900 : i32 to vector<16xi32>
        %and3A_902 = arith.andi %add3A_899, %and3A_901 : vector<16xi32>
        %add3A_903 = arith.constant 0 : i32
        %add3A_904 = vector.broadcast %add3A_903 : i32 to vector<16xi32>
        %add3A_905 = arith.addi %and3A_902, %add3A_904 : vector<16xi32>
        %add3A_906 = arith.addi %mul3A_629, %add3A_905 : vector<16xi32>
        %gather3A = tpu.vector_load_idx %arg9[%add3A_632, %add3A_906] : memref<128x128xf32, #tpu.memory_space<vmem>>[vector<16xi32>, vector<16xi32>], vector<16xf32>,
        tpu.vector_store_idx %arg11[%add3A_905, %add3A_632], %gather3A : memref<64x128xf32, #tpu.memory_space<vmem>>[vector<16xi32>, vector<16xi32>], vector<16xf32>,
        %add3A_907 = arith.constant 16 : i32
        %add3A_908 = vector.broadcast %add3A_907 : i32 to vector<16xi32>
        %add3A_909 = arith.addi %and3A_902, %add3A_908 : vector<16xi32>
        %add3A_910 = arith.addi %mul3A_629, %add3A_909 : vector<16xi32>
        %gather3A_911 = tpu.vector_load_idx %arg9[%add3A_632, %add3A_910] : memref<128x128xf32, #tpu.memory_space<vmem>>[vector<16xi32>, vector<16xi32>], vector<16xf32>,
        tpu.vector_store_idx %arg11[%add3A_909, %add3A_632], %gather3A_911 : memref<64x128xf32, #tpu.memory_space<vmem>>[vector<16xi32>, vector<16xi32>], vector<16xf32>,
      }
      %scan3A_638 = arith.constant 16 : i32
      %get3A_639 = arith.index_cast %add3A_495 : i32 to index
      %get3A_640 = arith.constant 112 : index
      %get3A_641 = tpu.vector_load %arg5[%get3A_639, %get3A_640] {strides = array<i32>} : memref<200x128xi32, #tpu.memory_space<vmem>>, vector<16xi32>,
      %and3A_642 = arith.constant 1 : i32
      %and3A_643 = vector.broadcast %and3A_642 : i32 to vector<16xi32>
      %and3A_644 = arith.andi %get3A_641, %and3A_643 : vector<16xi32>
      %mul3A_645 = arith.constant 64 : i32
      %mul3A_646 = vector.broadcast %mul3A_645 : i32 to vector<16xi32>
      %mul3A_647 = arith.muli %and3A_644, %mul3A_646 : vector<16xi32>
      %add3A_648 = arith.constant 112 : i32
      %add3A_649 = vector.broadcast %add3A_648 : i32 to vector<16xi32>
      %add3A_650 = arith.addi %iota3A_512, %add3A_649 : vector<16xi32>
      %scan3A_651 = arith.constant 0 : i32
      %scan3A_652 = arith.constant 0 : i32
      %scan3A_653 = arith.constant 16 : i32
      %scan3A_654 = arith.addi %scan3A_652, %scan3A_653 : i32
      %scan3A_655 = arith.constant 1 : i32
      scf.for %scan3A_897 = %scan3A_652 to %scan3A_654 step %scan3A_655  : i32 {
        %add3A_898 = vector.broadcast %scan3A_897 : i32 to vector<16xi32>
        %add3A_899 = arith.addi %iota3A_512, %add3A_898 : vector<16xi32>
        %and3A_900 = arith.constant 15 : i32
        %and3A_901 = vector.broadcast %and3A_900 : i32 to vector<16xi32>
        %and3A_902 = arith.andi %add3A_899, %and3A_901 : vector<16xi32>
        %add3A_903 = arith.constant 0 : i32
        %add3A_904 = vector.broadcast %add3A_903 : i32 to vector<16xi32>
        %add3A_905 = arith.addi %and3A_902, %add3A_904 : vector<16xi32>
        %add3A_906 = arith.addi %mul3A_647, %add3A_905 : vector<16xi32>
        %gather3A = tpu.vector_load_idx %arg9[%add3A_650, %add3A_906] : memref<128x128xf32, #tpu.memory_space<vmem>>[vector<16xi32>, vector<16xi32>], vector<16xf32>,
        tpu.vector_store_idx %arg11[%add3A_905, %add3A_650], %gather3A : memref<64x128xf32, #tpu.memory_space<vmem>>[vector<16xi32>, vector<16xi32>], vector<16xf32>,
        %add3A_907 = arith.constant 16 : i32
        %add3A_908 = vector.broadcast %add3A_907 : i32 to vector<16xi32>
        %add3A_909 = arith.addi %and3A_902, %add3A_908 : vector<16xi32>
        %add3A_910 = arith.addi %mul3A_647, %add3A_909 : vector<16xi32>
        %gather3A_911 = tpu.vector_load_idx %arg9[%add3A_650, %add3A_910] : memref<128x128xf32, #tpu.memory_space<vmem>>[vector<16xi32>, vector<16xi32>], vector<16xf32>,
        tpu.vector_store_idx %arg11[%add3A_909, %add3A_650], %gather3A_911 : memref<64x128xf32, #tpu.memory_space<vmem>>[vector<16xi32>, vector<16xi32>], vector<16xf32>,
      }
      %scan3A_656 = arith.constant 16 : i32
      %dma_start3A_657 = arith.constant 0 : i32
      %dma_start3A_658 = arith.constant 0 : i32
      %dma_start3A_659 = tpu.memref_slice %arg11[%dma_start3A_657, %dma_start3A_658] : memref<64x128xf32, #tpu.memory_space<vmem>> -> memref<8x128xf32, #tpu.memory_space<vmem>>
      %dma_start3A_660 = arith.constant 0 : i32
      %dma_start3A_661 = tpu.memref_slice %arg4[%add3A_495, %dma_start3A_660, %multiple_of3A] : memref<200x64x4096xf32, #tpu.memory_space<hbm>> -> memref<1x8x128xf32, #tpu.memory_space<hbm>>
      %dma_start3A_662 = tpu.memref_squeeze %dma_start3A_661 : memref<1x8x128xf32, #tpu.memory_space<hbm>> -> memref<8x128xf32, #tpu.memory_space<hbm>>
      %dma_start3A_663 = arith.constant 0 : i32
      %dma_start3A_664 = tpu.memref_slice %arg4[%add3A_495, %dma_start3A_663, %multiple_of3A] : memref<200x64x4096xf32, #tpu.memory_space<hbm>> -> memref<1x8x128xf32, #tpu.memory_space<hbm>>
      %dma_start3A_665 = tpu.memref_squeeze %dma_start3A_664 : memref<1x8x128xf32, #tpu.memory_space<hbm>> -> memref<8x128xf32, #tpu.memory_space<hbm>>
      %dma_start3A_666 = arith.constant 0 : i32
      %dma_start3A_667 = arith.constant 0 : i32
      %dma_start3A_668 = tpu.memref_slice %arg11[%dma_start3A_666, %dma_start3A_667] : memref<64x128xf32, #tpu.memory_space<vmem>> -> memref<8x128xf32, #tpu.memory_space<vmem>>
      tpu.enqueue_dma source(%dma_start3A_668 : memref<8x128xf32, #tpu.memory_space<vmem>>) target(%dma_start3A_665 : memref<8x128xf32, #tpu.memory_space<hbm>>) target_semaphore(%arg15 : memref<!tpu.dma_semaphore, #tpu.memory_space<semaphore_mem>>)
      %dma_start3A_669 = arith.constant 8 : i32
      %dma_start3A_670 = arith.constant 0 : i32
      %dma_start3A_671 = tpu.memref_slice %arg11[%dma_start3A_669, %dma_start3A_670] : memref<64x128xf32, #tpu.memory_space<vmem>> -> memref<8x128xf32, #tpu.memory_space<vmem>>
      %dma_start3A_672 = arith.constant 8 : i32
      %dma_start3A_673 = tpu.memref_slice %arg4[%add3A_495, %dma_start3A_672, %multiple_of3A] : memref<200x64x4096xf32, #tpu.memory_space<hbm>> -> memref<1x8x128xf32, #tpu.memory_space<hbm>>
      %dma_start3A_674 = tpu.memref_squeeze %dma_start3A_673 : memref<1x8x128xf32, #tpu.memory_space<hbm>> -> memref<8x128xf32, #tpu.memory_space<hbm>>
      %dma_start3A_675 = arith.constant 8 : i32
      %dma_start3A_676 = tpu.memref_slice %arg4[%add3A_495, %dma_start3A_675, %multiple_of3A] : memref<200x64x4096xf32, #tpu.memory_space<hbm>> -> memref<1x8x128xf32, #tpu.memory_space<hbm>>
      %dma_start3A_677 = tpu.memref_squeeze %dma_start3A_676 : memref<1x8x128xf32, #tpu.memory_space<hbm>> -> memref<8x128xf32, #tpu.memory_space<hbm>>
      %dma_start3A_678 = arith.constant 8 : i32
      %dma_start3A_679 = arith.constant 0 : i32
      %dma_start3A_680 = tpu.memref_slice %arg11[%dma_start3A_678, %dma_start3A_679] : memref<64x128xf32, #tpu.memory_space<vmem>> -> memref<8x128xf32, #tpu.memory_space<vmem>>
      tpu.enqueue_dma source(%dma_start3A_680 : memref<8x128xf32, #tpu.memory_space<vmem>>) target(%dma_start3A_677 : memref<8x128xf32, #tpu.memory_space<hbm>>) target_semaphore(%arg15 : memref<!tpu.dma_semaphore, #tpu.memory_space<semaphore_mem>>)
      %dma_start3A_681 = arith.constant 16 : i32
      %dma_start3A_682 = arith.constant 0 : i32
      %dma_start3A_683 = tpu.memref_slice %arg11[%dma_start3A_681, %dma_start3A_682] : memref<64x128xf32, #tpu.memory_space<vmem>> -> memref<8x128xf32, #tpu.memory_space<vmem>>
      %dma_start3A_684 = arith.constant 16 : i32
      %dma_start3A_685 = tpu.memref_slice %arg4[%add3A_495, %dma_start3A_684, %multiple_of3A] : memref<200x64x4096xf32, #tpu.memory_space<hbm>> -> memref<1x8x128xf32, #tpu.memory_space<hbm>>
      %dma_start3A_686 = tpu.memref_squeeze %dma_start3A_685 : memref<1x8x128xf32, #tpu.memory_space<hbm>> -> memref<8x128xf32, #tpu.memory_space<hbm>>
      %dma_start3A_687 = arith.constant 16 : i32
      %dma_start3A_688 = tpu.memref_slice %arg4[%add3A_495, %dma_start3A_687, %multiple_of3A] : memref<200x64x4096xf32, #tpu.memory_space<hbm>> -> memref<1x8x128xf32, #tpu.memory_space<hbm>>
      %dma_start3A_689 = tpu.memref_squeeze %dma_start3A_688 : memref<1x8x128xf32, #tpu.memory_space<hbm>> -> memref<8x128xf32, #tpu.memory_space<hbm>>
      %dma_start3A_690 = arith.constant 16 : i32
      %dma_start3A_691 = arith.constant 0 : i32
      %dma_start3A_692 = tpu.memref_slice %arg11[%dma_start3A_690, %dma_start3A_691] : memref<64x128xf32, #tpu.memory_space<vmem>> -> memref<8x128xf32, #tpu.memory_space<vmem>>
      tpu.enqueue_dma source(%dma_start3A_692 : memref<8x128xf32, #tpu.memory_space<vmem>>) target(%dma_start3A_689 : memref<8x128xf32, #tpu.memory_space<hbm>>) target_semaphore(%arg15 : memref<!tpu.dma_semaphore, #tpu.memory_space<semaphore_mem>>)
      %dma_start3A_693 = arith.constant 24 : i32
      %dma_start3A_694 = arith.constant 0 : i32
      %dma_start3A_695 = tpu.memref_slice %arg11[%dma_start3A_693, %dma_start3A_694] : memref<64x128xf32, #tpu.memory_space<vmem>> -> memref<8x128xf32, #tpu.memory_space<vmem>>
      %dma_start3A_696 = arith.constant 24 : i32
      %dma_start3A_697 = tpu.memref_slice %arg4[%add3A_495, %dma_start3A_696, %multiple_of3A] : memref<200x64x4096xf32, #tpu.memory_space<hbm>> -> memref<1x8x128xf32, #tpu.memory_space<hbm>>
      %dma_start3A_698 = tpu.memref_squeeze %dma_start3A_697 : memref<1x8x128xf32, #tpu.memory_space<hbm>> -> memref<8x128xf32, #tpu.memory_space<hbm>>
      %dma_start3A_699 = arith.constant 24 : i32
      %dma_start3A_700 = tpu.memref_slice %arg4[%add3A_495, %dma_start3A_699, %multiple_of3A] : memref<200x64x4096xf32, #tpu.memory_space<hbm>> -> memref<1x8x128xf32, #tpu.memory_space<hbm>>
      %dma_start3A_701 = tpu.memref_squeeze %dma_start3A_700 : memref<1x8x128xf32, #tpu.memory_space<hbm>> -> memref<8x128xf32, #tpu.memory_space<hbm>>
      %dma_start3A_702 = arith.constant 24 : i32
      %dma_start3A_703 = arith.constant 0 : i32
      %dma_start3A_704 = tpu.memref_slice %arg11[%dma_start3A_702, %dma_start3A_703] : memref<64x128xf32, #tpu.memory_space<vmem>> -> memref<8x128xf32, #tpu.memory_space<vmem>>
      tpu.enqueue_dma source(%dma_start3A_704 : memref<8x128xf32, #tpu.memory_space<vmem>>) target(%dma_start3A_701 : memref<8x128xf32, #tpu.memory_space<hbm>>) target_semaphore(%arg15 : memref<!tpu.dma_semaphore, #tpu.memory_space<semaphore_mem>>)
      %get3A_705 = arith.index_cast %add3A_495 : i32 to index
      %get3A_706 = arith.constant 0 : index
      %get3A_707 = tpu.vector_load %arg5[%get3A_705, %get3A_706] {strides = array<i32>} : memref<200x128xi32, #tpu.memory_space<vmem>>, vector<16xi32>,
      %and3A_708 = arith.constant 1 : i32
      %and3A_709 = vector.broadcast %and3A_708 : i32 to vector<16xi32>
      %and3A_710 = arith.andi %get3A_707, %and3A_709 : vector<16xi32>
      %mul3A_711 = arith.constant 64 : i32
      %mul3A_712 = vector.broadcast %mul3A_711 : i32 to vector<16xi32>
      %mul3A_713 = arith.muli %and3A_710, %mul3A_712 : vector<16xi32>
      %add3A_714 = arith.constant 0 : i32
      %add3A_715 = vector.broadcast %add3A_714 : i32 to vector<16xi32>
      %add3A_716 = arith.addi %iota3A_512, %add3A_715 : vector<16xi32>
      %scan3A_717 = arith.constant 0 : i32
      %scan3A_718 = arith.constant 0 : i32
      %scan3A_719 = arith.constant 16 : i32
      %scan3A_720 = arith.addi %scan3A_718, %scan3A_719 : i32
      %scan3A_721 = arith.constant 1 : i32
      scf.for %scan3A_897 = %scan3A_718 to %scan3A_720 step %scan3A_721  : i32 {
        %add3A_898 = vector.broadcast %scan3A_897 : i32 to vector<16xi32>
        %add3A_899 = arith.addi %iota3A_512, %add3A_898 : vector<16xi32>
        %and3A_900 = arith.constant 15 : i32
        %and3A_901 = vector.broadcast %and3A_900 : i32 to vector<16xi32>
        %and3A_902 = arith.andi %add3A_899, %and3A_901 : vector<16xi32>
        %add3A_903 = arith.constant 32 : i32
        %add3A_904 = vector.broadcast %add3A_903 : i32 to vector<16xi32>
        %add3A_905 = arith.addi %and3A_902, %add3A_904 : vector<16xi32>
        %add3A_906 = arith.addi %mul3A_713, %add3A_905 : vector<16xi32>
        %gather3A = tpu.vector_load_idx %arg9[%add3A_716, %add3A_906] : memref<128x128xf32, #tpu.memory_space<vmem>>[vector<16xi32>, vector<16xi32>], vector<16xf32>,
        tpu.vector_store_idx %arg11[%add3A_905, %add3A_716], %gather3A : memref<64x128xf32, #tpu.memory_space<vmem>>[vector<16xi32>, vector<16xi32>], vector<16xf32>,
        %add3A_907 = arith.constant 48 : i32
        %add3A_908 = vector.broadcast %add3A_907 : i32 to vector<16xi32>
        %add3A_909 = arith.addi %and3A_902, %add3A_908 : vector<16xi32>
        %add3A_910 = arith.addi %mul3A_713, %add3A_909 : vector<16xi32>
        %gather3A_911 = tpu.vector_load_idx %arg9[%add3A_716, %add3A_910] : memref<128x128xf32, #tpu.memory_space<vmem>>[vector<16xi32>, vector<16xi32>], vector<16xf32>,
        tpu.vector_store_idx %arg11[%add3A_909, %add3A_716], %gather3A_911 : memref<64x128xf32, #tpu.memory_space<vmem>>[vector<16xi32>, vector<16xi32>], vector<16xf32>,
      }
      %scan3A_722 = arith.constant 16 : i32
      %get3A_723 = arith.index_cast %add3A_495 : i32 to index
      %get3A_724 = arith.constant 16 : index
      %get3A_725 = tpu.vector_load %arg5[%get3A_723, %get3A_724] {strides = array<i32>} : memref<200x128xi32, #tpu.memory_space<vmem>>, vector<16xi32>,
      %and3A_726 = arith.constant 1 : i32
      %and3A_727 = vector.broadcast %and3A_726 : i32 to vector<16xi32>
      %and3A_728 = arith.andi %get3A_725, %and3A_727 : vector<16xi32>
      %mul3A_729 = arith.constant 64 : i32
      %mul3A_730 = vector.broadcast %mul3A_729 : i32 to vector<16xi32>
      %mul3A_731 = arith.muli %and3A_728, %mul3A_730 : vector<16xi32>
      %add3A_732 = arith.constant 16 : i32
      %add3A_733 = vector.broadcast %add3A_732 : i32 to vector<16xi32>
      %add3A_734 = arith.addi %iota3A_512, %add3A_733 : vector<16xi32>
      %scan3A_735 = arith.constant 0 : i32
      %scan3A_736 = arith.constant 0 : i32
      %scan3A_737 = arith.constant 16 : i32
      %scan3A_738 = arith.addi %scan3A_736, %scan3A_737 : i32
      %scan3A_739 = arith.constant 1 : i32
      scf.for %scan3A_897 = %scan3A_736 to %scan3A_738 step %scan3A_739  : i32 {
        %add3A_898 = vector.broadcast %scan3A_897 : i32 to vector<16xi32>
        %add3A_899 = arith.addi %iota3A_512, %add3A_898 : vector<16xi32>
        %and3A_900 = arith.constant 15 : i32
        %and3A_901 = vector.broadcast %and3A_900 : i32 to vector<16xi32>
        %and3A_902 = arith.andi %add3A_899, %and3A_901 : vector<16xi32>
        %add3A_903 = arith.constant 32 : i32
        %add3A_904 = vector.broadcast %add3A_903 : i32 to vector<16xi32>
        %add3A_905 = arith.addi %and3A_902, %add3A_904 : vector<16xi32>
        %add3A_906 = arith.addi %mul3A_731, %add3A_905 : vector<16xi32>
        %gather3A = tpu.vector_load_idx %arg9[%add3A_734, %add3A_906] : memref<128x128xf32, #tpu.memory_space<vmem>>[vector<16xi32>, vector<16xi32>], vector<16xf32>,
        tpu.vector_store_idx %arg11[%add3A_905, %add3A_734], %gather3A : memref<64x128xf32, #tpu.memory_space<vmem>>[vector<16xi32>, vector<16xi32>], vector<16xf32>,
        %add3A_907 = arith.constant 48 : i32
        %add3A_908 = vector.broadcast %add3A_907 : i32 to vector<16xi32>
        %add3A_909 = arith.addi %and3A_902, %add3A_908 : vector<16xi32>
        %add3A_910 = arith.addi %mul3A_731, %add3A_909 : vector<16xi32>
        %gather3A_911 = tpu.vector_load_idx %arg9[%add3A_734, %add3A_910] : memref<128x128xf32, #tpu.memory_space<vmem>>[vector<16xi32>, vector<16xi32>], vector<16xf32>,
        tpu.vector_store_idx %arg11[%add3A_909, %add3A_734], %gather3A_911 : memref<64x128xf32, #tpu.memory_space<vmem>>[vector<16xi32>, vector<16xi32>], vector<16xf32>,
      }
      %scan3A_740 = arith.constant 16 : i32
      %get3A_741 = arith.index_cast %add3A_495 : i32 to index
      %get3A_742 = arith.constant 32 : index
      %get3A_743 = tpu.vector_load %arg5[%get3A_741, %get3A_742] {strides = array<i32>} : memref<200x128xi32, #tpu.memory_space<vmem>>, vector<16xi32>,
      %and3A_744 = arith.constant 1 : i32
      %and3A_745 = vector.broadcast %and3A_744 : i32 to vector<16xi32>
      %and3A_746 = arith.andi %get3A_743, %and3A_745 : vector<16xi32>
      %mul3A_747 = arith.constant 64 : i32
      %mul3A_748 = vector.broadcast %mul3A_747 : i32 to vector<16xi32>
      %mul3A_749 = arith.muli %and3A_746, %mul3A_748 : vector<16xi32>
      %add3A_750 = arith.constant 32 : i32
      %add3A_751 = vector.broadcast %add3A_750 : i32 to vector<16xi32>
      %add3A_752 = arith.addi %iota3A_512, %add3A_751 : vector<16xi32>
      %scan3A_753 = arith.constant 0 : i32
      %scan3A_754 = arith.constant 0 : i32
      %scan3A_755 = arith.constant 16 : i32
      %scan3A_756 = arith.addi %scan3A_754, %scan3A_755 : i32
      %scan3A_757 = arith.constant 1 : i32
      scf.for %scan3A_897 = %scan3A_754 to %scan3A_756 step %scan3A_757  : i32 {
        %add3A_898 = vector.broadcast %scan3A_897 : i32 to vector<16xi32>
        %add3A_899 = arith.addi %iota3A_512, %add3A_898 : vector<16xi32>
        %and3A_900 = arith.constant 15 : i32
        %and3A_901 = vector.broadcast %and3A_900 : i32 to vector<16xi32>
        %and3A_902 = arith.andi %add3A_899, %and3A_901 : vector<16xi32>
        %add3A_903 = arith.constant 32 : i32
        %add3A_904 = vector.broadcast %add3A_903 : i32 to vector<16xi32>
        %add3A_905 = arith.addi %and3A_902, %add3A_904 : vector<16xi32>
        %add3A_906 = arith.addi %mul3A_749, %add3A_905 : vector<16xi32>
        %gather3A = tpu.vector_load_idx %arg9[%add3A_752, %add3A_906] : memref<128x128xf32, #tpu.memory_space<vmem>>[vector<16xi32>, vector<16xi32>], vector<16xf32>,
        tpu.vector_store_idx %arg11[%add3A_905, %add3A_752], %gather3A : memref<64x128xf32, #tpu.memory_space<vmem>>[vector<16xi32>, vector<16xi32>], vector<16xf32>,
        %add3A_907 = arith.constant 48 : i32
        %add3A_908 = vector.broadcast %add3A_907 : i32 to vector<16xi32>
        %add3A_909 = arith.addi %and3A_902, %add3A_908 : vector<16xi32>
        %add3A_910 = arith.addi %mul3A_749, %add3A_909 : vector<16xi32>
        %gather3A_911 = tpu.vector_load_idx %arg9[%add3A_752, %add3A_910] : memref<128x128xf32, #tpu.memory_space<vmem>>[vector<16xi32>, vector<16xi32>], vector<16xf32>,
        tpu.vector_store_idx %arg11[%add3A_909, %add3A_752], %gather3A_911 : memref<64x128xf32, #tpu.memory_space<vmem>>[vector<16xi32>, vector<16xi32>], vector<16xf32>,
      }
      %scan3A_758 = arith.constant 16 : i32
      %get3A_759 = arith.index_cast %add3A_495 : i32 to index
      %get3A_760 = arith.constant 48 : index
      %get3A_761 = tpu.vector_load %arg5[%get3A_759, %get3A_760] {strides = array<i32>} : memref<200x128xi32, #tpu.memory_space<vmem>>, vector<16xi32>,
      %and3A_762 = arith.constant 1 : i32
      %and3A_763 = vector.broadcast %and3A_762 : i32 to vector<16xi32>
      %and3A_764 = arith.andi %get3A_761, %and3A_763 : vector<16xi32>
      %mul3A_765 = arith.constant 64 : i32
      %mul3A_766 = vector.broadcast %mul3A_765 : i32 to vector<16xi32>
      %mul3A_767 = arith.muli %and3A_764, %mul3A_766 : vector<16xi32>
      %add3A_768 = arith.constant 48 : i32
      %add3A_769 = vector.broadcast %add3A_768 : i32 to vector<16xi32>
      %add3A_770 = arith.addi %iota3A_512, %add3A_769 : vector<16xi32>
      %scan3A_771 = arith.constant 0 : i32
      %scan3A_772 = arith.constant 0 : i32
      %scan3A_773 = arith.constant 16 : i32
      %scan3A_774 = arith.addi %scan3A_772, %scan3A_773 : i32
      %scan3A_775 = arith.constant 1 : i32
      scf.for %scan3A_897 = %scan3A_772 to %scan3A_774 step %scan3A_775  : i32 {
        %add3A_898 = vector.broadcast %scan3A_897 : i32 to vector<16xi32>
        %add3A_899 = arith.addi %iota3A_512, %add3A_898 : vector<16xi32>
        %and3A_900 = arith.constant 15 : i32
        %and3A_901 = vector.broadcast %and3A_900 : i32 to vector<16xi32>
        %and3A_902 = arith.andi %add3A_899, %and3A_901 : vector<16xi32>
        %add3A_903 = arith.constant 32 : i32
        %add3A_904 = vector.broadcast %add3A_903 : i32 to vector<16xi32>
        %add3A_905 = arith.addi %and3A_902, %add3A_904 : vector<16xi32>
        %add3A_906 = arith.addi %mul3A_767, %add3A_905 : vector<16xi32>
        %gather3A = tpu.vector_load_idx %arg9[%add3A_770, %add3A_906] : memref<128x128xf32, #tpu.memory_space<vmem>>[vector<16xi32>, vector<16xi32>], vector<16xf32>,
        tpu.vector_store_idx %arg11[%add3A_905, %add3A_770], %gather3A : memref<64x128xf32, #tpu.memory_space<vmem>>[vector<16xi32>, vector<16xi32>], vector<16xf32>,
        %add3A_907 = arith.constant 48 : i32
        %add3A_908 = vector.broadcast %add3A_907 : i32 to vector<16xi32>
        %add3A_909 = arith.addi %and3A_902, %add3A_908 : vector<16xi32>
        %add3A_910 = arith.addi %mul3A_767, %add3A_909 : vector<16xi32>
        %gather3A_911 = tpu.vector_load_idx %arg9[%add3A_770, %add3A_910] : memref<128x128xf32, #tpu.memory_space<vmem>>[vector<16xi32>, vector<16xi32>], vector<16xf32>,
        tpu.vector_store_idx %arg11[%add3A_909, %add3A_770], %gather3A_911 : memref<64x128xf32, #tpu.memory_space<vmem>>[vector<16xi32>, vector<16xi32>], vector<16xf32>,
      }
      %scan3A_776 = arith.constant 16 : i32
      %get3A_777 = arith.index_cast %add3A_495 : i32 to index
      %get3A_778 = arith.constant 64 : index
      %get3A_779 = tpu.vector_load %arg5[%get3A_777, %get3A_778] {strides = array<i32>} : memref<200x128xi32, #tpu.memory_space<vmem>>, vector<16xi32>,
      %and3A_780 = arith.constant 1 : i32
      %and3A_781 = vector.broadcast %and3A_780 : i32 to vector<16xi32>
      %and3A_782 = arith.andi %get3A_779, %and3A_781 : vector<16xi32>
      %mul3A_783 = arith.constant 64 : i32
      %mul3A_784 = vector.broadcast %mul3A_783 : i32 to vector<16xi32>
      %mul3A_785 = arith.muli %and3A_782, %mul3A_784 : vector<16xi32>
      %add3A_786 = arith.constant 64 : i32
      %add3A_787 = vector.broadcast %add3A_786 : i32 to vector<16xi32>
      %add3A_788 = arith.addi %iota3A_512, %add3A_787 : vector<16xi32>
      %scan3A_789 = arith.constant 0 : i32
      %scan3A_790 = arith.constant 0 : i32
      %scan3A_791 = arith.constant 16 : i32
      %scan3A_792 = arith.addi %scan3A_790, %scan3A_791 : i32
      %scan3A_793 = arith.constant 1 : i32
      scf.for %scan3A_897 = %scan3A_790 to %scan3A_792 step %scan3A_793  : i32 {
        %add3A_898 = vector.broadcast %scan3A_897 : i32 to vector<16xi32>
        %add3A_899 = arith.addi %iota3A_512, %add3A_898 : vector<16xi32>
        %and3A_900 = arith.constant 15 : i32
        %and3A_901 = vector.broadcast %and3A_900 : i32 to vector<16xi32>
        %and3A_902 = arith.andi %add3A_899, %and3A_901 : vector<16xi32>
        %add3A_903 = arith.constant 32 : i32
        %add3A_904 = vector.broadcast %add3A_903 : i32 to vector<16xi32>
        %add3A_905 = arith.addi %and3A_902, %add3A_904 : vector<16xi32>
        %add3A_906 = arith.addi %mul3A_785, %add3A_905 : vector<16xi32>
        %gather3A = tpu.vector_load_idx %arg9[%add3A_788, %add3A_906] : memref<128x128xf32, #tpu.memory_space<vmem>>[vector<16xi32>, vector<16xi32>], vector<16xf32>,
        tpu.vector_store_idx %arg11[%add3A_905, %add3A_788], %gather3A : memref<64x128xf32, #tpu.memory_space<vmem>>[vector<16xi32>, vector<16xi32>], vector<16xf32>,
        %add3A_907 = arith.constant 48 : i32
        %add3A_908 = vector.broadcast %add3A_907 : i32 to vector<16xi32>
        %add3A_909 = arith.addi %and3A_902, %add3A_908 : vector<16xi32>
        %add3A_910 = arith.addi %mul3A_785, %add3A_909 : vector<16xi32>
        %gather3A_911 = tpu.vector_load_idx %arg9[%add3A_788, %add3A_910] : memref<128x128xf32, #tpu.memory_space<vmem>>[vector<16xi32>, vector<16xi32>], vector<16xf32>,
        tpu.vector_store_idx %arg11[%add3A_909, %add3A_788], %gather3A_911 : memref<64x128xf32, #tpu.memory_space<vmem>>[vector<16xi32>, vector<16xi32>], vector<16xf32>,
      }
      %scan3A_794 = arith.constant 16 : i32
      %get3A_795 = arith.index_cast %add3A_495 : i32 to index
      %get3A_796 = arith.constant 80 : index
      %get3A_797 = tpu.vector_load %arg5[%get3A_795, %get3A_796] {strides = array<i32>} : memref<200x128xi32, #tpu.memory_space<vmem>>, vector<16xi32>,
      %and3A_798 = arith.constant 1 : i32
      %and3A_799 = vector.broadcast %and3A_798 : i32 to vector<16xi32>
      %and3A_800 = arith.andi %get3A_797, %and3A_799 : vector<16xi32>
      %mul3A_801 = arith.constant 64 : i32
      %mul3A_802 = vector.broadcast %mul3A_801 : i32 to vector<16xi32>
      %mul3A_803 = arith.muli %and3A_800, %mul3A_802 : vector<16xi32>
      %add3A_804 = arith.constant 80 : i32
      %add3A_805 = vector.broadcast %add3A_804 : i32 to vector<16xi32>
      %add3A_806 = arith.addi %iota3A_512, %add3A_805 : vector<16xi32>
      %scan3A_807 = arith.constant 0 : i32
      %scan3A_808 = arith.constant 0 : i32
      %scan3A_809 = arith.constant 16 : i32
      %scan3A_810 = arith.addi %scan3A_808, %scan3A_809 : i32
      %scan3A_811 = arith.constant 1 : i32
      scf.for %scan3A_897 = %scan3A_808 to %scan3A_810 step %scan3A_811  : i32 {
        %add3A_898 = vector.broadcast %scan3A_897 : i32 to vector<16xi32>
        %add3A_899 = arith.addi %iota3A_512, %add3A_898 : vector<16xi32>
        %and3A_900 = arith.constant 15 : i32
        %and3A_901 = vector.broadcast %and3A_900 : i32 to vector<16xi32>
        %and3A_902 = arith.andi %add3A_899, %and3A_901 : vector<16xi32>
        %add3A_903 = arith.constant 32 : i32
        %add3A_904 = vector.broadcast %add3A_903 : i32 to vector<16xi32>
        %add3A_905 = arith.addi %and3A_902, %add3A_904 : vector<16xi32>
        %add3A_906 = arith.addi %mul3A_803, %add3A_905 : vector<16xi32>
        %gather3A = tpu.vector_load_idx %arg9[%add3A_806, %add3A_906] : memref<128x128xf32, #tpu.memory_space<vmem>>[vector<16xi32>, vector<16xi32>], vector<16xf32>,
        tpu.vector_store_idx %arg11[%add3A_905, %add3A_806], %gather3A : memref<64x128xf32, #tpu.memory_space<vmem>>[vector<16xi32>, vector<16xi32>], vector<16xf32>,
        %add3A_907 = arith.constant 48 : i32
        %add3A_908 = vector.broadcast %add3A_907 : i32 to vector<16xi32>
        %add3A_909 = arith.addi %and3A_902, %add3A_908 : vector<16xi32>
        %add3A_910 = arith.addi %mul3A_803, %add3A_909 : vector<16xi32>
        %gather3A_911 = tpu.vector_load_idx %arg9[%add3A_806, %add3A_910] : memref<128x128xf32, #tpu.memory_space<vmem>>[vector<16xi32>, vector<16xi32>], vector<16xf32>,
        tpu.vector_store_idx %arg11[%add3A_909, %add3A_806], %gather3A_911 : memref<64x128xf32, #tpu.memory_space<vmem>>[vector<16xi32>, vector<16xi32>], vector<16xf32>,
      }
      %scan3A_812 = arith.constant 16 : i32
      %get3A_813 = arith.index_cast %add3A_495 : i32 to index
      %get3A_814 = arith.constant 96 : index
      %get3A_815 = tpu.vector_load %arg5[%get3A_813, %get3A_814] {strides = array<i32>} : memref<200x128xi32, #tpu.memory_space<vmem>>, vector<16xi32>,
      %and3A_816 = arith.constant 1 : i32
      %and3A_817 = vector.broadcast %and3A_816 : i32 to vector<16xi32>
      %and3A_818 = arith.andi %get3A_815, %and3A_817 : vector<16xi32>
      %mul3A_819 = arith.constant 64 : i32
      %mul3A_820 = vector.broadcast %mul3A_819 : i32 to vector<16xi32>
      %mul3A_821 = arith.muli %and3A_818, %mul3A_820 : vector<16xi32>
      %add3A_822 = arith.constant 96 : i32
      %add3A_823 = vector.broadcast %add3A_822 : i32 to vector<16xi32>
      %add3A_824 = arith.addi %iota3A_512, %add3A_823 : vector<16xi32>
      %scan3A_825 = arith.constant 0 : i32
      %scan3A_826 = arith.constant 0 : i32
      %scan3A_827 = arith.constant 16 : i32
      %scan3A_828 = arith.addi %scan3A_826, %scan3A_827 : i32
      %scan3A_829 = arith.constant 1 : i32
      scf.for %scan3A_897 = %scan3A_826 to %scan3A_828 step %scan3A_829  : i32 {
        %add3A_898 = vector.broadcast %scan3A_897 : i32 to vector<16xi32>
        %add3A_899 = arith.addi %iota3A_512, %add3A_898 : vector<16xi32>
        %and3A_900 = arith.constant 15 : i32
        %and3A_901 = vector.broadcast %and3A_900 : i32 to vector<16xi32>
        %and3A_902 = arith.andi %add3A_899, %and3A_901 : vector<16xi32>
        %add3A_903 = arith.constant 32 : i32
        %add3A_904 = vector.broadcast %add3A_903 : i32 to vector<16xi32>
        %add3A_905 = arith.addi %and3A_902, %add3A_904 : vector<16xi32>
        %add3A_906 = arith.addi %mul3A_821, %add3A_905 : vector<16xi32>
        %gather3A = tpu.vector_load_idx %arg9[%add3A_824, %add3A_906] : memref<128x128xf32, #tpu.memory_space<vmem>>[vector<16xi32>, vector<16xi32>], vector<16xf32>,
        tpu.vector_store_idx %arg11[%add3A_905, %add3A_824], %gather3A : memref<64x128xf32, #tpu.memory_space<vmem>>[vector<16xi32>, vector<16xi32>], vector<16xf32>,
        %add3A_907 = arith.constant 48 : i32
        %add3A_908 = vector.broadcast %add3A_907 : i32 to vector<16xi32>
        %add3A_909 = arith.addi %and3A_902, %add3A_908 : vector<16xi32>
        %add3A_910 = arith.addi %mul3A_821, %add3A_909 : vector<16xi32>
        %gather3A_911 = tpu.vector_load_idx %arg9[%add3A_824, %add3A_910] : memref<128x128xf32, #tpu.memory_space<vmem>>[vector<16xi32>, vector<16xi32>], vector<16xf32>,
        tpu.vector_store_idx %arg11[%add3A_909, %add3A_824], %gather3A_911 : memref<64x128xf32, #tpu.memory_space<vmem>>[vector<16xi32>, vector<16xi32>], vector<16xf32>,
      }
      %scan3A_830 = arith.constant 16 : i32
      %get3A_831 = arith.index_cast %add3A_495 : i32 to index
      %get3A_832 = arith.constant 112 : index
      %get3A_833 = tpu.vector_load %arg5[%get3A_831, %get3A_832] {strides = array<i32>} : memref<200x128xi32, #tpu.memory_space<vmem>>, vector<16xi32>,
      %and3A_834 = arith.constant 1 : i32
      %and3A_835 = vector.broadcast %and3A_834 : i32 to vector<16xi32>
      %and3A_836 = arith.andi %get3A_833, %and3A_835 : vector<16xi32>
      %mul3A_837 = arith.constant 64 : i32
      %mul3A_838 = vector.broadcast %mul3A_837 : i32 to vector<16xi32>
      %mul3A_839 = arith.muli %and3A_836, %mul3A_838 : vector<16xi32>
      %add3A_840 = arith.constant 112 : i32
      %add3A_841 = vector.broadcast %add3A_840 : i32 to vector<16xi32>
      %add3A_842 = arith.addi %iota3A_512, %add3A_841 : vector<16xi32>
      %scan3A_843 = arith.constant 0 : i32
      %scan3A_844 = arith.constant 0 : i32
      %scan3A_845 = arith.constant 16 : i32
      %scan3A_846 = arith.addi %scan3A_844, %scan3A_845 : i32
      %scan3A_847 = arith.constant 1 : i32
      scf.for %scan3A_897 = %scan3A_844 to %scan3A_846 step %scan3A_847  : i32 {
        %add3A_898 = vector.broadcast %scan3A_897 : i32 to vector<16xi32>
        %add3A_899 = arith.addi %iota3A_512, %add3A_898 : vector<16xi32>
        %and3A_900 = arith.constant 15 : i32
        %and3A_901 = vector.broadcast %and3A_900 : i32 to vector<16xi32>
        %and3A_902 = arith.andi %add3A_899, %and3A_901 : vector<16xi32>
        %add3A_903 = arith.constant 32 : i32
        %add3A_904 = vector.broadcast %add3A_903 : i32 to vector<16xi32>
        %add3A_905 = arith.addi %and3A_902, %add3A_904 : vector<16xi32>
        %add3A_906 = arith.addi %mul3A_839, %add3A_905 : vector<16xi32>
        %gather3A = tpu.vector_load_idx %arg9[%add3A_842, %add3A_906] : memref<128x128xf32, #tpu.memory_space<vmem>>[vector<16xi32>, vector<16xi32>], vector<16xf32>,
        tpu.vector_store_idx %arg11[%add3A_905, %add3A_842], %gather3A : memref<64x128xf32, #tpu.memory_space<vmem>>[vector<16xi32>, vector<16xi32>], vector<16xf32>,
        %add3A_907 = arith.constant 48 : i32
        %add3A_908 = vector.broadcast %add3A_907 : i32 to vector<16xi32>
        %add3A_909 = arith.addi %and3A_902, %add3A_908 : vector<16xi32>
        %add3A_910 = arith.addi %mul3A_839, %add3A_909 : vector<16xi32>
        %gather3A_911 = tpu.vector_load_idx %arg9[%add3A_842, %add3A_910] : memref<128x128xf32, #tpu.memory_space<vmem>>[vector<16xi32>, vector<16xi32>], vector<16xf32>,
        tpu.vector_store_idx %arg11[%add3A_909, %add3A_842], %gather3A_911 : memref<64x128xf32, #tpu.memory_space<vmem>>[vector<16xi32>, vector<16xi32>], vector<16xf32>,
      }
      %scan3A_848 = arith.constant 16 : i32
      %dma_start3A_849 = arith.constant 32 : i32
      %dma_start3A_850 = arith.constant 0 : i32
      %dma_start3A_851 = tpu.memref_slice %arg11[%dma_start3A_849, %dma_start3A_850] : memref<64x128xf32, #tpu.memory_space<vmem>> -> memref<8x128xf32, #tpu.memory_space<vmem>>
      %dma_start3A_852 = arith.constant 32 : i32
      %dma_start3A_853 = tpu.memref_slice %arg4[%add3A_495, %dma_start3A_852, %multiple_of3A] : memref<200x64x4096xf32, #tpu.memory_space<hbm>> -> memref<1x8x128xf32, #tpu.memory_space<hbm>>
      %dma_start3A_854 = tpu.memref_squeeze %dma_start3A_853 : memref<1x8x128xf32, #tpu.memory_space<hbm>> -> memref<8x128xf32, #tpu.memory_space<hbm>>
      %dma_start3A_855 = arith.constant 32 : i32
      %dma_start3A_856 = tpu.memref_slice %arg4[%add3A_495, %dma_start3A_855, %multiple_of3A] : memref<200x64x4096xf32, #tpu.memory_space<hbm>> -> memref<1x8x128xf32, #tpu.memory_space<hbm>>
      %dma_start3A_857 = tpu.memref_squeeze %dma_start3A_856 : memref<1x8x128xf32, #tpu.memory_space<hbm>> -> memref<8x128xf32, #tpu.memory_space<hbm>>
      %dma_start3A_858 = arith.constant 32 : i32
      %dma_start3A_859 = arith.constant 0 : i32
      %dma_start3A_860 = tpu.memref_slice %arg11[%dma_start3A_858, %dma_start3A_859] : memref<64x128xf32, #tpu.memory_space<vmem>> -> memref<8x128xf32, #tpu.memory_space<vmem>>
      tpu.enqueue_dma source(%dma_start3A_860 : memref<8x128xf32, #tpu.memory_space<vmem>>) target(%dma_start3A_857 : memref<8x128xf32, #tpu.memory_space<hbm>>) target_semaphore(%arg15 : memref<!tpu.dma_semaphore, #tpu.memory_space<semaphore_mem>>)
      %dma_start3A_861 = arith.constant 40 : i32
      %dma_start3A_862 = arith.constant 0 : i32
      %dma_start3A_863 = tpu.memref_slice %arg11[%dma_start3A_861, %dma_start3A_862] : memref<64x128xf32, #tpu.memory_space<vmem>> -> memref<8x128xf32, #tpu.memory_space<vmem>>
      %dma_start3A_864 = arith.constant 40 : i32
      %dma_start3A_865 = tpu.memref_slice %arg4[%add3A_495, %dma_start3A_864, %multiple_of3A] : memref<200x64x4096xf32, #tpu.memory_space<hbm>> -> memref<1x8x128xf32, #tpu.memory_space<hbm>>
      %dma_start3A_866 = tpu.memref_squeeze %dma_start3A_865 : memref<1x8x128xf32, #tpu.memory_space<hbm>> -> memref<8x128xf32, #tpu.memory_space<hbm>>
      %dma_start3A_867 = arith.constant 40 : i32
      %dma_start3A_868 = tpu.memref_slice %arg4[%add3A_495, %dma_start3A_867, %multiple_of3A] : memref<200x64x4096xf32, #tpu.memory_space<hbm>> -> memref<1x8x128xf32, #tpu.memory_space<hbm>>
      %dma_start3A_869 = tpu.memref_squeeze %dma_start3A_868 : memref<1x8x128xf32, #tpu.memory_space<hbm>> -> memref<8x128xf32, #tpu.memory_space<hbm>>
      %dma_start3A_870 = arith.constant 40 : i32
      %dma_start3A_871 = arith.constant 0 : i32
      %dma_start3A_872 = tpu.memref_slice %arg11[%dma_start3A_870, %dma_start3A_871] : memref<64x128xf32, #tpu.memory_space<vmem>> -> memref<8x128xf32, #tpu.memory_space<vmem>>
      tpu.enqueue_dma source(%dma_start3A_872 : memref<8x128xf32, #tpu.memory_space<vmem>>) target(%dma_start3A_869 : memref<8x128xf32, #tpu.memory_space<hbm>>) target_semaphore(%arg15 : memref<!tpu.dma_semaphore, #tpu.memory_space<semaphore_mem>>)
      %dma_start3A_873 = arith.constant 48 : i32
      %dma_start3A_874 = arith.constant 0 : i32
      %dma_start3A_875 = tpu.memref_slice %arg11[%dma_start3A_873, %dma_start3A_874] : memref<64x128xf32, #tpu.memory_space<vmem>> -> memref<8x128xf32, #tpu.memory_space<vmem>>
      %dma_start3A_876 = arith.constant 48 : i32
      %dma_start3A_877 = tpu.memref_slice %arg4[%add3A_495, %dma_start3A_876, %multiple_of3A] : memref<200x64x4096xf32, #tpu.memory_space<hbm>> -> memref<1x8x128xf32, #tpu.memory_space<hbm>>
      %dma_start3A_878 = tpu.memref_squeeze %dma_start3A_877 : memref<1x8x128xf32, #tpu.memory_space<hbm>> -> memref<8x128xf32, #tpu.memory_space<hbm>>
      %dma_start3A_879 = arith.constant 48 : i32
      %dma_start3A_880 = tpu.memref_slice %arg4[%add3A_495, %dma_start3A_879, %multiple_of3A] : memref<200x64x4096xf32, #tpu.memory_space<hbm>> -> memref<1x8x128xf32, #tpu.memory_space<hbm>>
      %dma_start3A_881 = tpu.memref_squeeze %dma_start3A_880 : memref<1x8x128xf32, #tpu.memory_space<hbm>> -> memref<8x128xf32, #tpu.memory_space<hbm>>
      %dma_start3A_882 = arith.constant 48 : i32
      %dma_start3A_883 = arith.constant 0 : i32
      %dma_start3A_884 = tpu.memref_slice %arg11[%dma_start3A_882, %dma_start3A_883] : memref<64x128xf32, #tpu.memory_space<vmem>> -> memref<8x128xf32, #tpu.memory_space<vmem>>
      tpu.enqueue_dma source(%dma_start3A_884 : memref<8x128xf32, #tpu.memory_space<vmem>>) target(%dma_start3A_881 : memref<8x128xf32, #tpu.memory_space<hbm>>) target_semaphore(%arg15 : memref<!tpu.dma_semaphore, #tpu.memory_space<semaphore_mem>>)
      %dma_start3A_885 = arith.constant 56 : i32
      %dma_start3A_886 = arith.constant 0 : i32
      %dma_start3A_887 = tpu.memref_slice %arg11[%dma_start3A_885, %dma_start3A_886] : memref<64x128xf32, #tpu.memory_space<vmem>> -> memref<8x128xf32, #tpu.memory_space<vmem>>
      %dma_start3A_888 = arith.constant 56 : i32
      %dma_start3A_889 = tpu.memref_slice %arg4[%add3A_495, %dma_start3A_888, %multiple_of3A] : memref<200x64x4096xf32, #tpu.memory_space<hbm>> -> memref<1x8x128xf32, #tpu.memory_space<hbm>>
      %dma_start3A_890 = tpu.memref_squeeze %dma_start3A_889 : memref<1x8x128xf32, #tpu.memory_space<hbm>> -> memref<8x128xf32, #tpu.memory_space<hbm>>
      %dma_start3A_891 = arith.constant 56 : i32
      %dma_start3A_892 = tpu.memref_slice %arg4[%add3A_495, %dma_start3A_891, %multiple_of3A] : memref<200x64x4096xf32, #tpu.memory_space<hbm>> -> memref<1x8x128xf32, #tpu.memory_space<hbm>>
      %dma_start3A_893 = tpu.memref_squeeze %dma_start3A_892 : memref<1x8x128xf32, #tpu.memory_space<hbm>> -> memref<8x128xf32, #tpu.memory_space<hbm>>
      %dma_start3A_894 = arith.constant 56 : i32
      %dma_start3A_895 = arith.constant 0 : i32
      %dma_start3A_896 = tpu.memref_slice %arg11[%dma_start3A_894, %dma_start3A_895] : memref<64x128xf32, #tpu.memory_space<vmem>> -> memref<8x128xf32, #tpu.memory_space<vmem>>
      tpu.enqueue_dma source(%dma_start3A_896 : memref<8x128xf32, #tpu.memory_space<vmem>>) target(%dma_start3A_893 : memref<8x128xf32, #tpu.memory_space<hbm>>) target_semaphore(%arg15 : memref<!tpu.dma_semaphore, #tpu.memory_space<semaphore_mem>>)
    }
    %scan3A_78 = arith.constant 100 : i32
    %dma_wait3A = arith.constant 198 : i32
    %dma_wait3A_79 = arith.constant 0 : i32
    %dma_wait3A_80 = tpu.memref_slice %arg4[%dma_wait3A, %dma_wait3A_79, %multiple_of3A] : memref<200x64x4096xf32, #tpu.memory_space<hbm>> -> memref<1x64x128xf32, #tpu.memory_space<hbm>>
    %dma_wait3A_81 = tpu.memref_squeeze %dma_wait3A_80 : memref<1x64x128xf32, #tpu.memory_space<hbm>> -> memref<64x128xf32, #tpu.memory_space<hbm>>
    %dma_wait3A_82 = arith.constant 0 : i32
    %dma_wait3A_83 = tpu.memref_slice %arg4[%dma_wait3A, %dma_wait3A_82, %multiple_of3A] : memref<200x64x4096xf32, #tpu.memory_space<hbm>> -> memref<1x64x128xf32, #tpu.memory_space<hbm>>
    %dma_wait3A_84 = tpu.memref_squeeze %dma_wait3A_83 : memref<1x64x128xf32, #tpu.memory_space<hbm>> -> memref<64x128xf32, #tpu.memory_space<hbm>>
    tpu.wait_dma2 semaphore(%arg14 : memref<!tpu.dma_semaphore, #tpu.memory_space<semaphore_mem>>) src(%arg10 : memref<64x128xf32, #tpu.memory_space<vmem>>) dst(%dma_wait3A_84 : memref<64x128xf32, #tpu.memory_space<hbm>>)
    %dma_wait3A_85 = arith.constant 199 : i32
    %dma_wait3A_86 = arith.constant 0 : i32
    %dma_wait3A_87 = tpu.memref_slice %arg4[%dma_wait3A_85, %dma_wait3A_86, %multiple_of3A] : memref<200x64x4096xf32, #tpu.memory_space<hbm>> -> memref<1x64x128xf32, #tpu.memory_space<hbm>>
    %dma_wait3A_88 = tpu.memref_squeeze %dma_wait3A_87 : memref<1x64x128xf32, #tpu.memory_space<hbm>> -> memref<64x128xf32, #tpu.memory_space<hbm>>
    %dma_wait3A_89 = arith.constant 0 : i32
    %dma_wait3A_90 = tpu.memref_slice %arg4[%dma_wait3A_85, %dma_wait3A_89, %multiple_of3A] : memref<200x64x4096xf32, #tpu.memory_space<hbm>> -> memref<1x64x128xf32, #tpu.memory_space<hbm>>
    %dma_wait3A_91 = tpu.memref_squeeze %dma_wait3A_90 : memref<1x64x128xf32, #tpu.memory_space<hbm>> -> memref<64x128xf32, #tpu.memory_space<hbm>>
    tpu.wait_dma2 semaphore(%arg15 : memref<!tpu.dma_semaphore, #tpu.memory_space<semaphore_mem>>) src(%arg11 : memref<64x128xf32, #tpu.memory_space<vmem>>) dst(%dma_wait3A_91 : memref<64x128xf32, #tpu.memory_space<hbm>>)
    return
  }
}

</mosaic_0001>

<sc_bundles>
// kernel: kernel.3.cloned.1.call-start
scs
__scs_entry_jumppad:
0x0: {  	(pc) =	sbr.rel $0x88, $3  }
0x1: {  	(tag) =	ssettag $0x0;
	lr =	simm.s32 $0x1  }
0x2: {  	[smem:$0x3F9F] =	sst lr;
	_ =	strace $0xD0000000  }
0x3: {  	_ = 	snop  }
0x4: {  	_ = 	snop  }
0x5: {  	_ = 	snop  }
0x6: {  	_ = 	snop  }
0x7: {  	_ = 	snop  }
__scs_overlays_trampoline_lowered:
0x8: {  	[smem:$0x3FAE] =	sst s0  }
0x9: {  	[smem:$0x3FAF] =	sst s1  }
0xa: {  	[smem:$0x3FB0] =	sst s2  }
0xb: {  	[smem:$0x3FB1] =	sst s3  }
0xc: {  	[smem:$0x3FB2] =	sst s4  }
0xd: {  	[smem:$0x3FB3] =	sst s5  }
0xe: {  	[smem:$0x3FB4] =	sst s6  }
0xf: {  	[smem:$0x3FB5] =	sst s7  }
0x10: {  	[smem:$0x3FB6] =	sst s8  }
0x11: {  	[smem:$0x3FB7] =	sst s9;
	s0 =	simm.s32 @!p0 $0x0  }
0x12: {  	s1 =	sld [smem:$0x3F9D];
	s0 =	simm.s32 @p0 $0x1  }
0x13: {  	[smem:$0x3FB8] =	sst s0;
	s0 =	simm.s32 @!p1 $0x0  }
0x14: {  	s2 =	sld [smem:$0x3F9C];
	s0 =	simm.s32 @p1 $0x1  }
0x15: {  	[smem:$0x3FB9] =	sst s0;
	s0 =	simm.s32 @!p2 $0x0  }
0x16: {  	s3 =	sld [smem:$0x3FDB];
	s0 =	simm.s32 @p2 $0x1  }
0x17: {  	s4 =	simm.s32 $0x1BF5;
	[smem:$0x3FBB] =	sst s0  }
0x18: {  	s0 =	sld [smem:$0x3F9E];
	_ =	swait.ge [sflag:s4], $0x0  }
0x19: {  	s7 =	sld [smem:$0x3F9F]  }
0x1a: {  	s8 =	sadd.s32 $0xFFFFE003, lr  }
0x1b: {  	s9 =	sadd.s32 $0xFFFFFEF7, lr;
	s5 =	simm.s32 $0xFFFFFFFF;
	p2 =	slt.u32 s8, $0xFFFFF086  }
0x1c: {  	p1 =	slt.u32 s9, $0xF7A;
	s5 =	simm.s32 @!p2 $0x0  }
0x1d: {  	s5 =	simm.s32 @p1 $0x1;
	p0 =	seq.s32 s7, s2  }
0x1e: {  	s7 =	smul.u32 @!p0 $0xF7A, s2;
	p2 =	seq.s32 @!p0 s5, $0x0  }
0x1f: {  	s9 =	smul.u32 $0xF7A, s1;
	s8 =	simm.s32 @!p0 $0x1BF5;
	p2 =	por !p2, p0  }
0x20: {  	[sflag:s8] =	ssyncset.s32 @!p0 $0xFFFFF086;
	s6 =	sadd.s32 @!p0 s3, s7;
	s7 =	simm.s32 @!p0 $0x108  }
0x21: {  	s3 =	sadd.s32 s3, s9;
	s6 =	sadd.s32 @!p0 $0x88, s6;
	s7 =	simm.s32 @p2 $0x1082  }
0x22: {  	[simem:s7], [sflag:s8] =	dma.local @!p0 [hbm:s6], $0xF7A  }
0x23: {  	s9 =	sor.u32 $0xD0000000, s2;
	s6 =	simm.s32 $0x108;
	_ =	swait.ge @!p0 [sflag:s8], $0x0  }
0x24: {  	s3 =	sadd.s32 $0x88, s3;
	s6 =	simm.s32 @!p1 $0x1082;
	[sflag:s4] =	ssyncset.s32 $0xFFFFF086  }
0x25: {  	[simem:s6], [sflag:s4] =	dma.local [hbm:s3], $0xF7A  }
0x26: {  	[smem:$0x3F9F] =	sst s1;
	(tag) =	ssettag s2;
	_ =	strace s9  }
0x27: {  	s1 =	sld [smem:$0x3FAF]  }
0x28: {  	s2 =	sld [smem:$0x3FB0]  }
0x29: {  	s4 =	sld [smem:$0x3FB2]  }
0x2a: {  	p0 =	seq.s32 s5, $0x0;
	s5 =	sld [smem:$0x3FB3]  }
0x2b: {  	s6 =	sld [smem:$0x3FB4]  }
0x2c: {  	s7 =	sld [smem:$0x3FB5]  }
0x2d: {  	s3 =	simm.s32 $0x108;
	s8 =	sld [smem:$0x3FB6]  }
0x2e: {  	s3 =	simm.s32 @!p0 $0x1082;
	s9 =	sld [smem:$0x3FB7]  }
0x2f: {  	lr =	sadd.s32 s0, s3;
	s0 =	sld [smem:$0x3FAE]  }
0x30: {  	s3 =	sld [smem:$0x3FB1]  }
0x31: {  	[smem:$0x3FBA] =	sst s10  }
0x32: {  	s10 =	sld [smem:$0x3FB8];
	_ =	sdelay $0x3  }
0x33: {  	p0 =	seq.s32 s10, $0x1;
	s10 =	sld [smem:$0x3FBA];
	_ =	sdelay $0x3  }
0x34: {  	[smem:$0x3FBA] =	sst s10  }
0x35: {  	s10 =	sld [smem:$0x3FB9];
	_ =	sdelay $0x3  }
0x36: {  	p1 =	seq.s32 s10, $0x1;
	s10 =	sld [smem:$0x3FBA];
	_ =	sdelay $0x3  }
0x37: {  	[smem:$0x3FBA] =	sst s10  }
0x38: {  	s10 =	sld [smem:$0x3FBB]  }
0x39: {  	_ = 	snop;
	(pc) =	sbr.ind lr, $3  }
0x3a: {  	_ = 	snop  }
0x3b: {  	_ = 	snop  }
0x3c: {  	p2 =	seq.s32 s10, $0x1;
	s10 =	sld [smem:$0x3FBA]  }
0x3d: {  	_ =	shalt  }
0x3e: {  	_ =	shalt  }
0x3f: {  	_ =	shalt  }
0x40: {  	_ =	shalt  }
0x41: {  	_ =	shalt  }
0x42: {  	_ =	shalt  }
0x43: {  	_ =	shalt  }
0x44: {  	_ =	shalt  }
0x45: {  	_ =	shalt  }
0x46: {  	_ =	shalt  }
0x47: {  	_ =	shalt  }
0x48: {  	_ =	shalt  }
0x49: {  	_ =	shalt  }
0x4a: {  	_ =	shalt  }
0x4b: {  	_ =	shalt  }
0x4c: {  	_ =	shalt  }
0x4d: {  	_ =	shalt  }
0x4e: {  	_ =	shalt  }
0x4f: {  	_ =	shalt  }
0x50: {  	_ =	shalt  }
0x51: {  	_ =	shalt  }
0x52: {  	_ =	shalt  }
0x53: {  	_ =	shalt  }
0x54: {  	_ =	shalt  }
0x55: {  	_ =	shalt  }
0x56: {  	_ =	shalt  }
0x57: {  	_ =	shalt  }
0x58: {  	_ =	shalt  }
0x59: {  	_ =	shalt  }
0x5a: {  	_ =	shalt  }
0x5b: {  	_ =	shalt  }
0x5c: {  	_ =	shalt  }
0x5d: {  	_ =	shalt  }
0x5e: {  	_ =	shalt  }
0x5f: {  	_ =	shalt  }
0x60: {  	_ =	shalt  }
0x61: {  	_ =	shalt  }
0x62: {  	_ =	shalt  }
0x63: {  	_ =	shalt  }
0x64: {  	_ =	shalt  }
0x65: {  	_ =	shalt  }
0x66: {  	_ =	shalt  }
0x67: {  	_ =	shalt  }
0x68: {  	_ =	shalt  }
0x69: {  	_ =	shalt  }
0x6a: {  	_ =	shalt  }
0x6b: {  	_ =	shalt  }
0x6c: {  	_ =	shalt  }
0x6d: {  	_ =	shalt  }
0x6e: {  	_ =	shalt  }
0x6f: {  	_ =	shalt  }
0x70: {  	_ =	shalt  }
0x71: {  	_ =	shalt  }
0x72: {  	_ =	shalt  }
0x73: {  	_ =	shalt  }
0x74: {  	_ =	shalt  }
0x75: {  	_ =	shalt  }
0x76: {  	_ =	shalt  }
0x77: {  	_ =	shalt  }
0x78: {  	_ =	shalt  }
0x79: {  	_ =	shalt  }
0x7a: {  	_ =	shalt  }
0x7b: {  	_ =	shalt  }
0x7c: {  	_ =	shalt  }
0x7d: {  	_ =	shalt  }
0x7e: {  	_ =	shalt  }
0x7f: {  	_ =	shalt  }
0x80: {  	_ =	shalt  }
0x81: {  	_ =	shalt  }
0x82: {  	_ =	shalt  }
0x83: {  	_ =	shalt  }
0x84: {  	_ =	shalt  }
0x85: {  	_ =	shalt  }
0x86: {  	_ =	shalt  }
0x87: {  	_ =	shalt  }
.Lfunc_end0:
.L_simem_size_0:
called_computation_lowered:
.L_overlay_start_0:
0x88: {  	s2 =	sld [smem:$0x3FD9]  }
0x89: {  	s3 =	sld [smem:$0x3FFE];
	_ =	sdelay $0x1  }
0x8a: {  	s1 =	srdreg.scid  }
0x8b: {  	s0 =	sand.u32 $0x1, s1  }
0x8c: {  	s17 =	sshll.u32 s0, $0xA;
	s2 =	sadd.s32 s3, s2  }
0x8d: {  	s2 =	sadd.s32 s2, s17  }
0x8e: {  	[smem:$0x3FC6] =	sst s2  }
0x8f: {  	_ = 	snop  }
0x90: {  	s2 =	sld [smem:$0x3FC9]  }
0x91: {  	s18 =	sld [smem:$0x3FD0];
	(tm) =	ssettm $0x1  }
0x92: {  	s4 =	sld [smem:$0x3FFB];
	_ =	sdelay $0x3  }
0x93: {  	_ =	strace s4  }
0x94: {  	s4 =	sld [smem:$0x3FFC];
	_ =	sdelay $0x3  }
0x95: {  	_ =	strace s4  }
0x96: {  	s4 =	sld [smem:$0x3FFD];
	_ =	sdelay $0x3  }
0x97: {  	_ =	strace s4  }
0x98: {  	_ =	strace $0x8FFFFFFF  }
0x99: {  	s19 =	sld [smem:$0x3FDB];
	_ =	sdelay $0x1  }
0x9a: {  	s5 =	simm.s32 $_scs_section_size  }
0x9b: {  	s6 =	simm.s32 $_size__tile_overlayer_lowered;
	s7 =	simm.s32 $_tile_overlayer_lowered  }
0x9c: {  	s22 =	simm.s32 $0x1BFF;
	s21 =	sshll.u32 s7, $0x1;
	s4 =	sadd.s32 s5, s19  }
0x9d: {  	s8 =	simm.s32 $0x0;
	s20 =	sshll.u32 s6, $0x1;
	s6 =	sadd.s32 s21, s4  }
0x9e: {  	[timem:s8], [sflag:s22] =	dma.local [hbm:s6], s20  }
0x9f: {  	_ =	swait.ge [sflag:s22], s20  }
0xa0: {  	s5 =	ssub.s32 $0x0, s20;
	[sflag:s22] =	ssyncset.done $0x0  }
0xa1: {  	[sflag:s22] =	ssyncadd.s32 s5;
	_ =	sdelay $0x1  }
0xa2: {  	s23 =	simm.s32 $0x1B8B  }
0xa3: {  	_ =	swait.ge [sflag:s23], $0x1  }
0xa4: {  	[sflag:s23] =	ssyncset.done $0x0  }
0xa5: {  	s25 =	simm.s32 $0x1B8E;
	s24 =	sld [smem:$0x3FFE];
	[sflag:s23] =	ssyncadd.s32 $0xFFFFFFFF  }
0xa6: {  	s26 =	simm.s32 $execute0_lowered;
	[smem:$0x3FD2] =	sst s25  }
0xa7: {  	s6 =	sshll.u32 s26, $0x1;
	_ =	strace $0x80000046;
	[dreg:$0x1] =	wrdreg $0xFFFFFFFF  }
0xa8: {  	s28 =	simm.s32 $_size_execute0_lowered;
	s4 =	sadd.s32 s4, s6;
	[dreg:$0x0] =	wrdreg $0x0  }
0xa9: {  	s6 =	sshll.u32 s28, $0x1;
	[dreg:$0x2] =	wrdreg s4  }
0xaa: {  	[dreg:$0x3] =	wrdreg s6  }
0xab: {  	[dreg:$0x4] =	wrdreg $0xC0  }
0xac: {  	_ =	task [dreg:s8], $0x5FFFF  }
0xad: {  	[dreg:$0x1] =	wrdreg $0xFFFFFFFF  }
0xae: {  	[dreg:$0x0] =	wrdreg $0x60  }
0xaf: {  	[dreg:$0x2] =	wrdreg s2  }
0xb0: {  	[dreg:$0x3] =	wrdreg s24  }
0xb1: {  	[dreg:$0x4] =	wrdreg s18  }
0xb2: {  	[dreg:$0x5] =	wrdreg $0x9  }
0xb3: {  	_ =	task.clear_ibuf [dreg:s8], $0x6FFFF;
	_ =	strace $0x90000046  }
0xb4: {  	s29 =	simm.s32 $0x9;
	_ =	strace $0x80000048  }
0xb5: {  	_ =	swait.ge [sflag:s29], $0x1  }
0xb6: {  	[sflag:s29] =	ssyncadd.s32 $0xFFFFFFFF  }
0xb7: {  	_ =	strace $0x90000048  }
0xb8: {  	_ =	sfence  }
0xb9: {  	s30 =	sld [smem:$0x0];
	_ =	sdelay $0x2  }
0xba: {  	s31 =	sshll.u32 s1, $0xD;
	s1 =	sshrl.u32 s1, $0x2  }
0xbb: {  	s3 =	sand.u32 $0x4000, s31;
	s1 =	sadd.s32 s1, s30  }
0xbc: {  	s0 =	sor.u32 s3, s0;
	s1 =	sshll.u32 s1, $0x11  }
0xbd: {  	s0 =	sor.u32 s1, s0  }
0xbe: {  	s0 =	sadd.s32 $0x8F2B, s0  }
0xbf: {  	[sflag:s0] =	ssyncadd.remote.s32 $0x1  }
0xc0: {  	_ =	sfence.sel $0xFFFF  }
0xc1: {  	[dreg:$0x0] =	wrdreg $0xFFFFFFFF;
	(pc) =	sbr.abs _section_cstart, $3  }
0xc2: {  	[dreg:$0x1] =	wrdreg $0xFFFFFFFF  }
0xc3: {  	_ =	task.clear_ibuf [dreg:s8], $0x2FFFF;
	_ =	strace $0x9FFFFFFF  }
0xc4: {  	(tm) =	ssettm $0x7FFFFFFF  }
0xc5: {  	_ =	shalt  }
tec
execute0_lowered:
.L_overlay_start_1:
0x0: {  	(tag) =	ssettag $0x1  }
0x1: {  	v0 =	vlaneseq.u32  }
0x2: {  	v1 =	vmul.u32 $0x80, v0;
	v3 =	vor.u32 $0x800, v0  }
0x3: {  	v6 =	vor.u32 $0x10, v0;
	v7 =	vor.u32 $0x810, v0;
	v10 =	vor.u32 $0x20, v0  }
0x4: {  	v11 =	vor.u32 $0x820, v0;
	v14 =	vor.u32 $0x30, v0;
	v15 =	vor.u32 $0x830, v0  }
0x5: {  	v18 =	vor.u32 $0x40, v0;
	v19 =	vor.u32 $0x840, v0;
	v22 =	vor.u32 $0x50, v0  }
0x6: {  	v23 =	vor.u32 $0x850, v0;
	v26 =	vor.u32 $0x60, v0;
	v27 =	vor.u32 $0x860, v0  }
0x7: {  	s0 =	rddreg [dreg:$0x0];
	v30 =	vor.u32 $0x70, v0;
	v31 =	vor.u32 $0x870, v0;
	v34 =	vor.u32 $0x1000, v0  }
0x8: {  	s2 =	rddreg [dreg:$0x1];
	v35 =	vor.u32 $0x1800, v0;
	v38 =	vor.u32 $0x1010, v0;
	v39 =	vor.u32 $0x1810, v0  }
0x9: {  	s1 =	rddreg [dreg:$0x2];
	v42 =	vor.u32 $0x1020, v0;
	v43 =	vor.u32 $0x1820, v0;
	v46 =	vor.u32 $0x1030, v0  }
0xa: {  	s4 =	srdreg.scid;
	s3 =	simm.s32 $0x0;
	s5 =	stileid.u32;
	v47 =	vor.u32 $0x1830, v0;
	v50 =	vor.u32 $0x1040, v0;
	v51 =	vor.u32 $0x1840, v0  }
0xb: {  	s20 =	simm.s32 $0x6500;
	s22 =	simm.s32 $0xA500;
	s24 =	simm.s32 $0xE500;
	v54 =	vor.u32 $0x1050, v0;
	v55 =	vor.u32 $0x1850, v0;
	v58 =	vor.u32 $0x1060, v0  }
0xc: {  	s15 =	simm.s32 $0x10500;
	s19 =	simm.s32 $0x10D00;
	s14 =	simm.s32 $0x11500;
	v59 =	vor.u32 $0x1860, v0;
	v62 =	vor.u32 $0x1070, v0;
	v2 =	vor.u32 $0x10, v1  }
0xd: {  	s17 =	simm.s32 $0x11900;
	s21 =	simm.s32 $0x11D00;
	s25 =	simm.s32 $0x12100;
	v16 =	vor.u32 $0x2000, v1;
	v17 =	vor.u32 $0x2010, v1;
	v20 =	vor.u32 $0x2800, v1  }
0xe: {  	s18 =	simm.s32 $0x80;
	[smem:$0x7FF] =	sst s3;
	s5 =	sshll.u32 s5, $0xB;
	v21 =	vor.u32 $0x2810, v1;
	v24 =	vor.u32 $0x3000, v1;
	[tilespmem:$0x1FF90] =	vst v2;
	v2 =	vor.u32 $0x800, v1  }
0xf: {  	s23 =	simm.s32 $0x1;
	s8 =	sadd.s32 $0x2000, s1;
	s9 =	sadd.s32 $0x3000, s1;
	v25 =	vor.u32 $0x3010, v1;
	v28 =	vor.u32 $0x3800, v1;
	[tilespmem:$0x1FFA0] =	vst v2;
	v2 =	vor.u32 $0x810, v1  }
0x10: {  	s4 =	sand.u32 $0x1, s4;
	s10 =	sadd.s32 $0x4000, s1;
	s11 =	sadd.s32 $0x5000, s1;
	v29 =	vor.u32 $0x3810, v1;
	v32 =	vor.u32 $0x20, v1;
	[tilespmem:$0x1FFB0] =	vst v2;
	v2 =	vor.u32 $0x1000, v1  }
0x11: {  	s26 =	simm.s32 $0x0;
	s12 =	sadd.s32 $0x6000, s1;
	s6 =	sshll.u32 s4, $0xA;
	v33 =	vor.u32 $0x30, v1;
	v36 =	vor.u32 $0x820, v1;
	[tilespmem:$0x1FFC0] =	vst v2;
	v2 =	vor.u32 $0x1010, v1  }
0x12: {  	s13 =	sadd.s32 $0x7000, s1;
	s7 =	ssub.s32 $0x2, s4;
	s4 =	sor.u32 s6, s5;
	v37 =	vor.u32 $0x830, v1;
	v40 =	vor.u32 $0x1020, v1;
	[tilespmem:$0x1FFD0] =	vst v2;
	v2 =	vor.u32 $0x1800, v1  }
0x13: {  	s5 =	sadd.s32 $0xF42800, s2;
	s30 =	sshrl.u32 s7, $0x1;
	v41 =	vor.u32 $0x1030, v1;
	v44 =	vor.u32 $0x1820, v1;
	s6 =	sshrl.u32 s4, $0x3;
	[tilespmem:$0x1FFE0] =	vst v2;
	v2 =	vor.u32 $0x1810, v1  }
0x14: {  	v45 =	vor.u32 $0x1830, v1;
	v48 =	vor.u32 $0x2020, v1;
	v49 =	vor.u32 $0x2030, v1;
	s2 =	ssub.s32 s7, s30;
	s7 =	sadd.s32 $0x1000, s1;
	s0 =	sadd.s32 s0, s6;
	[tilespmem:$0x1FFF0] =	vst v2  }
0x15: {  	v52 =	vor.u32 $0x2820, v1;
	v53 =	vor.u32 $0x2830, v1;
	v56 =	vor.u32 $0x3020, v1;
	s31 =	smax.u32 s2, $0x1;
	_ =	strace $0x80000047;
	[dreg:$0x4] =	wrdreg s0  }
0x16: {  	v57 =	vor.u32 $0x3030, v1;
	v60 =	vor.u32 $0x3820, v1;
	v61 =	vor.u32 $0x3830, v1;
	s2 =	simm.s32 $0x2;
	s6 =	simm.s32 $0x11100;
	[dreg:$0x5] =	wrdreg s31  }
.LBB2_1:
0x17: {  	[dreg:$0x6] =	wrdreg s26  }
0x18: {  	s0 =	rddreg [dreg:$0x4]  }
0x19: {  	s29 =	simm.s32 $0x400;
	s28 =	simm.s32 $0x8000;
	s30 =	simm.s32 $0x5  }
0x1a: {  	[tilespmem:s3], [sflag:$0x5] =	stream.strided.gather [hbm4b:s0+s29], $0x6400, s28, s29, $0x38;
	[tilespmem:$0x12500] =	vst v63  }
0x1b: {  	_ =	swait.ge [sflag:s30], $0x6400  }
0x1c: {  	[sflag:s30] =	ssyncset.done $0x0  }
0x1d: {  	[sflag:s30] =	ssyncadd.s32 $0xFFFF9C00  }
0x1e: {  	v2 =	vld [tilespmem:$0x0]  }
0x1f: {  	v4 =	vld [tilespmem:$0x10]  }
0x20: {  	v5 =	vld [tilespmem:$0x20]  }
0x21: {  	v8 =	vld [tilespmem:$0x30]  }
0x22: {  	v9 =	vld [tilespmem:$0x40]  }
0x23: {  	v63 =	vld [tilespmem:$0x50];
	v2 =	vshrl.u32 v2, $0x1  }
0x24: {  	[tilespmem:$0x6400] =	vst v2;
	v2 =	vshrl.u32 v4, $0x1;
	v4 =	vld [tilespmem:$0x60]  }
0x25: {  	[tilespmem:$0x6410] =	vst v2;
	v2 =	vshrl.u32 v5, $0x1;
	v5 =	vld [tilespmem:$0x70]  }
0x26: {  	[tilespmem:$0x6420] =	vst v2;
	v2 =	vshrl.u32 v8, $0x1  }
0x27: {  	[tilespmem:$0x6430] =	vst v2;
	v2 =	vshrl.u32 v9, $0x1  }
0x28: {  	[tilespmem:$0x6440] =	vst v2;
	v2 =	vshrl.u32 v63, $0x1  }
0x29: {  	[tilespmem:$0x6450] =	vst v2;
	v2 =	vshrl.u32 v4, $0x1  }
0x2a: {  	[tilespmem:$0x6460] =	vst v2;
	v2 =	vshrl.u32 v5, $0x1  }
0x2b: {  	s31 =	simm.s32 $0x6400;
	s26 =	simm.s32 $0x0;
	[tilespmem:$0x6470] =	vst v2  }
0x2c: {  	[tilespmem:s20], [sflag:$0x1] =	stream.indirect.gather [hbm4b:s5+s18], $0x80, s31, s18, $0xb8;
	[tilespmem:$0x12500] =	vst v63  }
.LBB2_2:
0x2d: {  	s28 =	sshll.u32 s26, $0x8  }
0x2e: {  	s28 =	sand.u32 $0x3FFFFF00, s28  }
0x2f: {  	v2 =	vld [tilespmem:s28+$0x80];
	_ =	sdelay $0x4  }
0x30: {  	v2 =	vshrl.u32 v2, $0x1  }
0x31: {  	[tilespmem:$0x6480] =	vst v2  }
0x32: {  	v2 =	vld [tilespmem:s28+$0x90];
	_ =	sdelay $0x4  }
0x33: {  	v2 =	vshrl.u32 v2, $0x1  }
0x34: {  	[tilespmem:$0x6490] =	vst v2  }
0x35: {  	v2 =	vld [tilespmem:s28+$0xA0];
	_ =	sdelay $0x4  }
0x36: {  	v2 =	vshrl.u32 v2, $0x1  }
0x37: {  	[tilespmem:$0x64A0] =	vst v2  }
0x38: {  	v2 =	vld [tilespmem:s28+$0xB0];
	_ =	sdelay $0x4  }
0x39: {  	v2 =	vshrl.u32 v2, $0x1  }
0x3a: {  	[tilespmem:$0x64B0] =	vst v2  }
0x3b: {  	v2 =	vld [tilespmem:s28+$0xC0];
	_ =	sdelay $0x4  }
0x3c: {  	v2 =	vshrl.u32 v2, $0x1  }
0x3d: {  	[tilespmem:$0x64C0] =	vst v2  }
0x3e: {  	v2 =	vld [tilespmem:s28+$0xD0];
	_ =	sdelay $0x4  }
0x3f: {  	v2 =	vshrl.u32 v2, $0x1  }
0x40: {  	[tilespmem:$0x64D0] =	vst v2  }
0x41: {  	v2 =	vld [tilespmem:s28+$0xE0];
	_ =	sdelay $0x4  }
0x42: {  	v2 =	vshrl.u32 v2, $0x1  }
0x43: {  	[tilespmem:$0x64E0] =	vst v2  }
0x44: {  	v2 =	vld [tilespmem:s28+$0xF0];
	_ =	sdelay $0x4  }
0x45: {  	v2 =	vshrl.u32 v2, $0x1  }
0x46: {  	s0 =	simm.s32 $0x6480;
	[tilespmem:$0x64F0] =	vst v2  }
0x47: {  	[tilespmem:s22], [sflag:$0x2] =	stream.indirect.gather [hbm4b:s5+s18], $0x80, s0, s18, $0xb8;
	[tilespmem:$0x12500] =	vst v63  }
0x48: {  	_ =	swait.ge [sflag:s23], $0x4000  }
0x49: {  	p0 =	seq.s32 s26, $0x0;
	[sflag:s23] =	ssyncset.done $0x0  }
0x4a: {  	s29 =	simm.s32 @!p0 $0x3;
	[sflag:s23] =	ssyncadd.s32 $0xFFFFC000  }
0x4b: {  	_ =	swait.ge @!p0 [sflag:s29], $0x2000  }
0x4c: {  	[sflag:s29] =	ssyncset.done @!p0 $0x0  }
0x4d: {  	[sflag:s29] =	ssyncadd.s32 @!p0 $0xFFFFE000  }
0x4e: {  	v2 =	vld [tilespmem:s28+$0x0];
	_ =	sdelay $0x4  }
0x4f: {  	s29 =	simm.s32 $0x0;
	v2 =	vshll.u32 v2, $0x6  }
0x50: {  	v8 =	vadd.s32 s29, v0;
	v4 =	vand.u32 $0x40, v2  }
0x51: {  	v5 =	vand.u32 $0xF, v8;
	v2 =	vor.u32 v1, v4  }
0x52: {  	v12 =	vld [tilespmem:$0x1FF90];
	v9 =	vor.u32 v5, v2;
	_ =	sdelay $0x3  }
0x53: {  	v5 =	vshll.u32 v5, $0x7  }
0x54: {  	v63 =	vor.u32 v12, v4;
	v5 =	vor.u32 v0, v5;
	v4 =	vld.idx.msk [tilespmem:v9+s20+$0x0], $0xffff  }
0x55: {  	v9 =	vor.u32 v63, v8;
	_ =	sdelay $0x3  }
0x56: {  	s30 =	simm.s32 $0x1;
	[tilespmem:v5+s24+$0x0] =	vst.idx.msk $0xffff, v4  }
0x57: {  	s29 =	sshll.u32 s26, $0x1;
	v8 =	vshll.u32 v8, $0x7;
	v4 =	vadd.s32 s30, v0;
	s30 =	simm.s32 $0x2;
	v5 =	vld.idx.msk [tilespmem:v9+s20+$0x0], $0xffff  }
.LBB2_3:
0x58: {  	p1 =	sne.s32 s30, $0xF;
	v9 =	vand.u32 $0xF, v4;
	v8 =	vor.u32 v3, v8  }
0x59: {  	v12 =	vor.u32 v9, v2;
	_ =	sdelay $0x3  }
0x5a: {  	[tilespmem:v8+s24+$0x0] =	vst.idx.msk $0xffff, v5  }
0x5b: {  	v8 =	vshll.u32 v9, $0x7;
	v5 =	vld.idx.msk [tilespmem:v12+s20+$0x0], $0xffff  }
0x5c: {  	v8 =	vor.u32 v0, v8  }
0x5d: {  	v9 =	vor.u32 v63, v4  }
.Ltmp0:
0x5e: {  	(pc) =	sbr.rel @p1 .LBB2_3-.Ltmp0, $3  }
0x5f: {  	_ =	sdelay $0x1  }
0x60: {  	[tilespmem:v8+s24+$0x0] =	vst.idx.msk $0xffff, v5  }
0x61: {  	v8 =	vshll.u32 v4, $0x7;
	v4 =	vadd.s32 s30, v0;
	s30 =	sadd.s32 $0x1, s30;
	v5 =	vld.idx.msk [tilespmem:v9+s20+$0x0], $0xffff  }
0x62: {  	v9 =	vand.u32 $0xF, v4;
	v8 =	vor.u32 v3, v8  }
0x63: {  	v2 =	vor.u32 v9, v2;
	_ =	sdelay $0x3  }
0x64: {  	[tilespmem:v8+s24+$0x0] =	vst.idx.msk $0xffff, v5;
	v5 =	vshll.u32 v9, $0x7  }
0x65: {  	v2 =	vld.idx.msk [tilespmem:v2+s20+$0x0], $0xffff;
	v5 =	vor.u32 v0, v5  }
0x66: {  	v8 =	vor.u32 v63, v4;
	_ =	sdelay $0x3  }
0x67: {  	[tilespmem:v5+s24+$0x0] =	vst.idx.msk $0xffff, v2;
	v2 =	vshll.u32 v4, $0x7  }
0x68: {  	v4 =	vld.idx.msk [tilespmem:v8+s20+$0x0], $0xffff;
	v2 =	vor.u32 v3, v2;
	_ =	sdelay $0x4  }
0x69: {  	[tilespmem:v2+s24+$0x0] =	vst.idx.msk $0xffff, v4  }
0x6a: {  	v2 =	vld [tilespmem:s28+$0x10];
	_ =	sdelay $0x1  }
0x6b: {  	v4 =	vld [tilespmem:$0x1FFA0];
	_ =	sdelay $0x2  }
0x6c: {  	s30 =	simm.s32 $0x0;
	v2 =	vshll.u32 v2, $0x6  }
0x6d: {  	v9 =	vadd.s32 s30, v0;
	v2 =	vand.u32 $0x40, v2  }
0x6e: {  	v5 =	vand.u32 $0xF, v9;
	v4 =	vor.u32 v4, v2  }
0x6f: {  	v12 =	vld [tilespmem:$0x1FFB0];
	v8 =	vor.u32 v5, v4;
	_ =	sdelay $0x3  }
0x70: {  	v5 =	vshll.u32 v5, $0x7  }
0x71: {  	v2 =	vor.u32 v12, v2;
	v5 =	vor.u32 v6, v5;
	v8 =	vld.idx.msk [tilespmem:v8+s20+$0x0], $0xffff  }
0x72: {  	v12 =	vor.u32 v2, v9;
	_ =	sdelay $0x3  }
0x73: {  	s30 =	simm.s32 $0x1;
	[tilespmem:v5+s24+$0x0] =	vst.idx.msk $0xffff, v8  }
0x74: {  	v9 =	vshll.u32 v9, $0x7;
	v5 =	vadd.s32 s30, v0;
	s30 =	simm.s32 $0x2;
	v8 =	vld.idx.msk [tilespmem:v12+s20+$0x0], $0xffff  }
.LBB2_5:
0x75: {  	p1 =	sne.s32 s30, $0xF;
	v12 =	vand.u32 $0xF, v5;
	v9 =	vor.u32 v7, v9  }
0x76: {  	v63 =	vor.u32 v12, v4;
	_ =	sdelay $0x3  }
0x77: {  	[tilespmem:v9+s24+$0x0] =	vst.idx.msk $0xffff, v8  }
0x78: {  	v9 =	vshll.u32 v12, $0x7;
	v8 =	vld.idx.msk [tilespmem:v63+s20+$0x0], $0xffff  }
0x79: {  	v9 =	vor.u32 v6, v9  }
0x7a: {  	v12 =	vor.u32 v2, v5  }
.Ltmp1:
0x7b: {  	(pc) =	sbr.rel @p1 .LBB2_5-.Ltmp1, $3  }
0x7c: {  	_ =	sdelay $0x1  }
0x7d: {  	[tilespmem:v9+s24+$0x0] =	vst.idx.msk $0xffff, v8  }
0x7e: {  	v9 =	vshll.u32 v5, $0x7;
	v5 =	vadd.s32 s30, v0;
	s30 =	sadd.s32 $0x1, s30;
	v8 =	vld.idx.msk [tilespmem:v12+s20+$0x0], $0xffff  }
0x7f: {  	v12 =	vand.u32 $0xF, v5;
	v9 =	vor.u32 v7, v9  }
0x80: {  	v4 =	vor.u32 v12, v4;
	_ =	sdelay $0x3  }
0x81: {  	[tilespmem:v9+s24+$0x0] =	vst.idx.msk $0xffff, v8;
	v8 =	vshll.u32 v12, $0x7  }
0x82: {  	v4 =	vld.idx.msk [tilespmem:v4+s20+$0x0], $0xffff;
	v8 =	vor.u32 v6, v8  }
0x83: {  	v2 =	vor.u32 v2, v5;
	_ =	sdelay $0x3  }
0x84: {  	[tilespmem:v8+s24+$0x0] =	vst.idx.msk $0xffff, v4;
	v4 =	vshll.u32 v5, $0x7  }
0x85: {  	v2 =	vld.idx.msk [tilespmem:v2+s20+$0x0], $0xffff;
	v4 =	vor.u32 v7, v4;
	_ =	sdelay $0x4  }
0x86: {  	[tilespmem:v4+s24+$0x0] =	vst.idx.msk $0xffff, v2  }
0x87: {  	v2 =	vld [tilespmem:s28+$0x20];
	_ =	sdelay $0x1  }
0x88: {  	v4 =	vld [tilespmem:$0x1FFC0];
	_ =	sdelay $0x2  }
0x89: {  	s30 =	simm.s32 $0x0;
	v2 =	vshll.u32 v2, $0x6  }
0x8a: {  	v9 =	vadd.s32 s30, v0;
	v2 =	vand.u32 $0x40, v2  }
0x8b: {  	v5 =	vand.u32 $0xF, v9;
	v4 =	vor.u32 v4, v2  }
0x8c: {  	v12 =	vld [tilespmem:$0x1FFD0];
	v8 =	vor.u32 v5, v4;
	_ =	sdelay $0x3  }
0x8d: {  	v5 =	vshll.u32 v5, $0x7  }
0x8e: {  	v2 =	vor.u32 v12, v2;
	v5 =	vor.u32 v10, v5;
	v8 =	vld.idx.msk [tilespmem:v8+s20+$0x0], $0xffff  }
0x8f: {  	v12 =	vor.u32 v2, v9;
	_ =	sdelay $0x3  }
0x90: {  	s30 =	simm.s32 $0x1;
	[tilespmem:v5+s24+$0x0] =	vst.idx.msk $0xffff, v8  }
0x91: {  	v9 =	vshll.u32 v9, $0x7;
	v5 =	vadd.s32 s30, v0;
	s30 =	simm.s32 $0x2;
	v8 =	vld.idx.msk [tilespmem:v12+s20+$0x0], $0xffff  }
.LBB2_7:
0x92: {  	p1 =	sne.s32 s30, $0xF;
	v12 =	vand.u32 $0xF, v5;
	v9 =	vor.u32 v11, v9  }
0x93: {  	v63 =	vor.u32 v12, v4;
	_ =	sdelay $0x3  }
0x94: {  	[tilespmem:v9+s24+$0x0] =	vst.idx.msk $0xffff, v8  }
0x95: {  	v9 =	vshll.u32 v12, $0x7;
	v8 =	vld.idx.msk [tilespmem:v63+s20+$0x0], $0xffff  }
0x96: {  	v9 =	vor.u32 v10, v9  }
0x97: {  	v12 =	vor.u32 v2, v5  }
.Ltmp2:
0x98: {  	(pc) =	sbr.rel @p1 .LBB2_7-.Ltmp2, $3  }
0x99: {  	_ =	sdelay $0x1  }
0x9a: {  	[tilespmem:v9+s24+$0x0] =	vst.idx.msk $0xffff, v8  }
0x9b: {  	v9 =	vshll.u32 v5, $0x7;
	v5 =	vadd.s32 s30, v0;
	s30 =	sadd.s32 $0x1, s30;
	v8 =	vld.idx.msk [tilespmem:v12+s20+$0x0], $0xffff  }
0x9c: {  	v12 =	vand.u32 $0xF, v5;
	v9 =	vor.u32 v11, v9  }
0x9d: {  	v4 =	vor.u32 v12, v4;
	_ =	sdelay $0x3  }
0x9e: {  	[tilespmem:v9+s24+$0x0] =	vst.idx.msk $0xffff, v8;
	v8 =	vshll.u32 v12, $0x7  }
0x9f: {  	v4 =	vld.idx.msk [tilespmem:v4+s20+$0x0], $0xffff;
	v8 =	vor.u32 v10, v8  }
0xa0: {  	v2 =	vor.u32 v2, v5;
	_ =	sdelay $0x3  }
0xa1: {  	[tilespmem:v8+s24+$0x0] =	vst.idx.msk $0xffff, v4;
	v4 =	vshll.u32 v5, $0x7  }
0xa2: {  	v2 =	vld.idx.msk [tilespmem:v2+s20+$0x0], $0xffff;
	v4 =	vor.u32 v11, v4;
	_ =	sdelay $0x4  }
0xa3: {  	[tilespmem:v4+s24+$0x0] =	vst.idx.msk $0xffff, v2  }
0xa4: {  	v2 =	vld [tilespmem:s28+$0x30];
	_ =	sdelay $0x1  }
0xa5: {  	v4 =	vld [tilespmem:$0x1FFE0];
	_ =	sdelay $0x2  }
0xa6: {  	s30 =	simm.s32 $0x0;
	v2 =	vshll.u32 v2, $0x6  }
0xa7: {  	v9 =	vadd.s32 s30, v0;
	v2 =	vand.u32 $0x40, v2  }
0xa8: {  	v5 =	vand.u32 $0xF, v9;
	v4 =	vor.u32 v4, v2  }
0xa9: {  	v12 =	vld [tilespmem:$0x1FFF0];
	v8 =	vor.u32 v5, v4;
	_ =	sdelay $0x3  }
0xaa: {  	v5 =	vshll.u32 v5, $0x7  }
0xab: {  	v2 =	vor.u32 v12, v2;
	v5 =	vor.u32 v14, v5;
	v8 =	vld.idx.msk [tilespmem:v8+s20+$0x0], $0xffff  }
0xac: {  	v12 =	vor.u32 v2, v9;
	_ =	sdelay $0x3  }
0xad: {  	s30 =	simm.s32 $0x1;
	[tilespmem:v5+s24+$0x0] =	vst.idx.msk $0xffff, v8  }
0xae: {  	v9 =	vshll.u32 v9, $0x7;
	v5 =	vadd.s32 s30, v0;
	s30 =	simm.s32 $0x2;
	v8 =	vld.idx.msk [tilespmem:v12+s20+$0x0], $0xffff  }
.LBB2_9:
0xaf: {  	p1 =	sne.s32 s30, $0xF;
	v12 =	vand.u32 $0xF, v5;
	v9 =	vor.u32 v15, v9  }
0xb0: {  	v63 =	vor.u32 v12, v4;
	_ =	sdelay $0x3  }
0xb1: {  	[tilespmem:v9+s24+$0x0] =	vst.idx.msk $0xffff, v8  }
0xb2: {  	v9 =	vshll.u32 v12, $0x7;
	v8 =	vld.idx.msk [tilespmem:v63+s20+$0x0], $0xffff  }
0xb3: {  	v9 =	vor.u32 v14, v9  }
0xb4: {  	v12 =	vor.u32 v2, v5  }
.Ltmp3:
0xb5: {  	(pc) =	sbr.rel @p1 .LBB2_9-.Ltmp3, $3  }
0xb6: {  	_ =	sdelay $0x1  }
0xb7: {  	[tilespmem:v9+s24+$0x0] =	vst.idx.msk $0xffff, v8  }
0xb8: {  	v9 =	vshll.u32 v5, $0x7;
	v5 =	vadd.s32 s30, v0;
	s30 =	sadd.s32 $0x1, s30;
	v8 =	vld.idx.msk [tilespmem:v12+s20+$0x0], $0xffff  }
0xb9: {  	v12 =	vand.u32 $0xF, v5;
	v9 =	vor.u32 v15, v9  }
0xba: {  	v4 =	vor.u32 v12, v4;
	_ =	sdelay $0x3  }
0xbb: {  	[tilespmem:v9+s24+$0x0] =	vst.idx.msk $0xffff, v8;
	v8 =	vshll.u32 v12, $0x7  }
0xbc: {  	v4 =	vld.idx.msk [tilespmem:v4+s20+$0x0], $0xffff;
	v8 =	vor.u32 v14, v8  }
0xbd: {  	v2 =	vor.u32 v2, v5;
	_ =	sdelay $0x3  }
0xbe: {  	[tilespmem:v8+s24+$0x0] =	vst.idx.msk $0xffff, v4;
	v4 =	vshll.u32 v5, $0x7  }
0xbf: {  	v2 =	vld.idx.msk [tilespmem:v2+s20+$0x0], $0xffff;
	v4 =	vor.u32 v15, v4;
	_ =	sdelay $0x4  }
0xc0: {  	[tilespmem:v4+s24+$0x0] =	vst.idx.msk $0xffff, v2  }
0xc1: {  	v2 =	vld [tilespmem:s28+$0x40];
	_ =	sdelay $0x4  }
0xc2: {  	s30 =	simm.s32 $0x0;
	v2 =	vshll.u32 v2, $0x6  }
0xc3: {  	v9 =	vadd.s32 s30, v0;
	v2 =	vand.u32 $0x40, v2  }
0xc4: {  	v5 =	vand.u32 $0xF, v9;
	v4 =	vor.u32 v16, v2  }
0xc5: {  	v8 =	vor.u32 v5, v4;
	_ =	sdelay $0x3  }
0xc6: {  	v5 =	vshll.u32 v5, $0x7  }
0xc7: {  	v2 =	vor.u32 v17, v2;
	v5 =	vor.u32 v18, v5;
	v8 =	vld.idx.msk [tilespmem:v8+s20+$0x0], $0xffff  }
0xc8: {  	v12 =	vor.u32 v2, v9;
	_ =	sdelay $0x3  }
0xc9: {  	s30 =	simm.s32 $0x1;
	[tilespmem:v5+s24+$0x0] =	vst.idx.msk $0xffff, v8  }
0xca: {  	v9 =	vshll.u32 v9, $0x7;
	v5 =	vadd.s32 s30, v0;
	s30 =	simm.s32 $0x2;
	v8 =	vld.idx.msk [tilespmem:v12+s20+$0x0], $0xffff  }
.LBB2_11:
0xcb: {  	p1 =	sne.s32 s30, $0xF;
	v12 =	vand.u32 $0xF, v5;
	v9 =	vor.u32 v19, v9  }
0xcc: {  	v63 =	vor.u32 v12, v4;
	_ =	sdelay $0x3  }
0xcd: {  	[tilespmem:v9+s24+$0x0] =	vst.idx.msk $0xffff, v8  }
0xce: {  	v9 =	vshll.u32 v12, $0x7;
	v8 =	vld.idx.msk [tilespmem:v63+s20+$0x0], $0xffff  }
0xcf: {  	v9 =	vor.u32 v18, v9  }
0xd0: {  	v12 =	vor.u32 v2, v5  }
.Ltmp4:
0xd1: {  	(pc) =	sbr.rel @p1 .LBB2_11-.Ltmp4, $3  }
0xd2: {  	_ =	sdelay $0x1  }
0xd3: {  	[tilespmem:v9+s24+$0x0] =	vst.idx.msk $0xffff, v8  }
0xd4: {  	v9 =	vshll.u32 v5, $0x7;
	v5 =	vadd.s32 s30, v0;
	s30 =	sadd.s32 $0x1, s30;
	v8 =	vld.idx.msk [tilespmem:v12+s20+$0x0], $0xffff  }
0xd5: {  	v12 =	vand.u32 $0xF, v5;
	v9 =	vor.u32 v19, v9  }
0xd6: {  	v4 =	vor.u32 v12, v4;
	_ =	sdelay $0x3  }
0xd7: {  	[tilespmem:v9+s24+$0x0] =	vst.idx.msk $0xffff, v8;
	v8 =	vshll.u32 v12, $0x7  }
0xd8: {  	v4 =	vld.idx.msk [tilespmem:v4+s20+$0x0], $0xffff;
	v8 =	vor.u32 v18, v8  }
0xd9: {  	v2 =	vor.u32 v2, v5;
	_ =	sdelay $0x3  }
0xda: {  	[tilespmem:v8+s24+$0x0] =	vst.idx.msk $0xffff, v4;
	v4 =	vshll.u32 v5, $0x7  }
0xdb: {  	v2 =	vld.idx.msk [tilespmem:v2+s20+$0x0], $0xffff;
	v4 =	vor.u32 v19, v4;
	_ =	sdelay $0x4  }
0xdc: {  	[tilespmem:v4+s24+$0x0] =	vst.idx.msk $0xffff, v2  }
0xdd: {  	v2 =	vld [tilespmem:s28+$0x50];
	_ =	sdelay $0x4  }
0xde: {  	s30 =	simm.s32 $0x0;
	v2 =	vshll.u32 v2, $0x6  }
0xdf: {  	v9 =	vadd.s32 s30, v0;
	v2 =	vand.u32 $0x40, v2  }
0xe0: {  	v5 =	vand.u32 $0xF, v9;
	v4 =	vor.u32 v20, v2  }
0xe1: {  	v8 =	vor.u32 v5, v4;
	_ =	sdelay $0x3  }
0xe2: {  	v5 =	vshll.u32 v5, $0x7  }
0xe3: {  	v2 =	vor.u32 v21, v2;
	v5 =	vor.u32 v22, v5;
	v8 =	vld.idx.msk [tilespmem:v8+s20+$0x0], $0xffff  }
0xe4: {  	v12 =	vor.u32 v2, v9;
	_ =	sdelay $0x3  }
0xe5: {  	s30 =	simm.s32 $0x1;
	[tilespmem:v5+s24+$0x0] =	vst.idx.msk $0xffff, v8  }
0xe6: {  	v9 =	vshll.u32 v9, $0x7;
	v5 =	vadd.s32 s30, v0;
	s30 =	simm.s32 $0x2;
	v8 =	vld.idx.msk [tilespmem:v12+s20+$0x0], $0xffff  }
.LBB2_13:
0xe7: {  	p1 =	sne.s32 s30, $0xF;
	v12 =	vand.u32 $0xF, v5;
	v9 =	vor.u32 v23, v9  }
0xe8: {  	v63 =	vor.u32 v12, v4;
	_ =	sdelay $0x3  }
0xe9: {  	[tilespmem:v9+s24+$0x0] =	vst.idx.msk $0xffff, v8  }
0xea: {  	v9 =	vshll.u32 v12, $0x7;
	v8 =	vld.idx.msk [tilespmem:v63+s20+$0x0], $0xffff  }
0xeb: {  	v9 =	vor.u32 v22, v9  }
0xec: {  	v12 =	vor.u32 v2, v5  }
.Ltmp5:
0xed: {  	(pc) =	sbr.rel @p1 .LBB2_13-.Ltmp5, $3  }
0xee: {  	_ =	sdelay $0x1  }
0xef: {  	[tilespmem:v9+s24+$0x0] =	vst.idx.msk $0xffff, v8  }
0xf0: {  	v9 =	vshll.u32 v5, $0x7;
	v5 =	vadd.s32 s30, v0;
	s30 =	sadd.s32 $0x1, s30;
	v8 =	vld.idx.msk [tilespmem:v12+s20+$0x0], $0xffff  }
0xf1: {  	v12 =	vand.u32 $0xF, v5;
	v9 =	vor.u32 v23, v9  }
0xf2: {  	v4 =	vor.u32 v12, v4;
	_ =	sdelay $0x3  }
0xf3: {  	[tilespmem:v9+s24+$0x0] =	vst.idx.msk $0xffff, v8;
	v8 =	vshll.u32 v12, $0x7  }
0xf4: {  	v4 =	vld.idx.msk [tilespmem:v4+s20+$0x0], $0xffff;
	v8 =	vor.u32 v22, v8  }
0xf5: {  	v2 =	vor.u32 v2, v5;
	_ =	sdelay $0x3  }
0xf6: {  	[tilespmem:v8+s24+$0x0] =	vst.idx.msk $0xffff, v4;
	v4 =	vshll.u32 v5, $0x7  }
0xf7: {  	v2 =	vld.idx.msk [tilespmem:v2+s20+$0x0], $0xffff;
	v4 =	vor.u32 v23, v4;
	_ =	sdelay $0x4  }
0xf8: {  	[tilespmem:v4+s24+$0x0] =	vst.idx.msk $0xffff, v2  }
0xf9: {  	v2 =	vld [tilespmem:s28+$0x60];
	_ =	sdelay $0x4  }
0xfa: {  	s30 =	simm.s32 $0x0;
	v2 =	vshll.u32 v2, $0x6  }
0xfb: {  	v9 =	vadd.s32 s30, v0;
	v2 =	vand.u32 $0x40, v2  }
0xfc: {  	v5 =	vand.u32 $0xF, v9;
	v4 =	vor.u32 v24, v2  }
0xfd: {  	v8 =	vor.u32 v5, v4;
	_ =	sdelay $0x3  }
0xfe: {  	v5 =	vshll.u32 v5, $0x7  }
0xff: {  	v2 =	vor.u32 v25, v2;
	v5 =	vor.u32 v26, v5;
	v8 =	vld.idx.msk [tilespmem:v8+s20+$0x0], $0xffff  }
0x100: {  	v12 =	vor.u32 v2, v9;
	_ =	sdelay $0x3  }
0x101: {  	s30 =	simm.s32 $0x1;
	[tilespmem:v5+s24+$0x0] =	vst.idx.msk $0xffff, v8  }
0x102: {  	v9 =	vshll.u32 v9, $0x7;
	v5 =	vadd.s32 s30, v0;
	s30 =	simm.s32 $0x2;
	v8 =	vld.idx.msk [tilespmem:v12+s20+$0x0], $0xffff  }
.LBB2_15:
0x103: {  	p1 =	sne.s32 s30, $0xF;
	v12 =	vand.u32 $0xF, v5;
	v9 =	vor.u32 v27, v9  }
0x104: {  	v63 =	vor.u32 v12, v4;
	_ =	sdelay $0x3  }
0x105: {  	[tilespmem:v9+s24+$0x0] =	vst.idx.msk $0xffff, v8  }
0x106: {  	v9 =	vshll.u32 v12, $0x7;
	v8 =	vld.idx.msk [tilespmem:v63+s20+$0x0], $0xffff  }
0x107: {  	v9 =	vor.u32 v26, v9  }
0x108: {  	v12 =	vor.u32 v2, v5  }
.Ltmp6:
0x109: {  	(pc) =	sbr.rel @p1 .LBB2_15-.Ltmp6, $3  }
0x10a: {  	_ =	sdelay $0x1  }
0x10b: {  	[tilespmem:v9+s24+$0x0] =	vst.idx.msk $0xffff, v8  }
0x10c: {  	v9 =	vshll.u32 v5, $0x7;
	v5 =	vadd.s32 s30, v0;
	s30 =	sadd.s32 $0x1, s30;
	v8 =	vld.idx.msk [tilespmem:v12+s20+$0x0], $0xffff  }
0x10d: {  	v12 =	vand.u32 $0xF, v5;
	v9 =	vor.u32 v27, v9  }
0x10e: {  	v4 =	vor.u32 v12, v4;
	_ =	sdelay $0x3  }
0x10f: {  	[tilespmem:v9+s24+$0x0] =	vst.idx.msk $0xffff, v8;
	v8 =	vshll.u32 v12, $0x7  }
0x110: {  	v4 =	vld.idx.msk [tilespmem:v4+s20+$0x0], $0xffff;
	v8 =	vor.u32 v26, v8  }
0x111: {  	v2 =	vor.u32 v2, v5;
	_ =	sdelay $0x3  }
0x112: {  	[tilespmem:v8+s24+$0x0] =	vst.idx.msk $0xffff, v4;
	v4 =	vshll.u32 v5, $0x7  }
0x113: {  	v2 =	vld.idx.msk [tilespmem:v2+s20+$0x0], $0xffff;
	v4 =	vor.u32 v27, v4;
	_ =	sdelay $0x4  }
0x114: {  	[tilespmem:v4+s24+$0x0] =	vst.idx.msk $0xffff, v2  }
0x115: {  	v2 =	vld [tilespmem:s28+$0x70];
	_ =	sdelay $0x4  }
0x116: {  	s30 =	simm.s32 $0x0;
	v2 =	vshll.u32 v2, $0x6  }
0x117: {  	v9 =	vadd.s32 s30, v0;
	v2 =	vand.u32 $0x40, v2  }
0x118: {  	v5 =	vand.u32 $0xF, v9;
	v4 =	vor.u32 v28, v2  }
0x119: {  	v8 =	vor.u32 v5, v4;
	_ =	sdelay $0x3  }
0x11a: {  	v5 =	vshll.u32 v5, $0x7  }
0x11b: {  	v2 =	vor.u32 v29, v2;
	v5 =	vor.u32 v30, v5;
	v8 =	vld.idx.msk [tilespmem:v8+s20+$0x0], $0xffff  }
0x11c: {  	v12 =	vor.u32 v2, v9;
	_ =	sdelay $0x3  }
0x11d: {  	s30 =	simm.s32 $0x1;
	[tilespmem:v5+s24+$0x0] =	vst.idx.msk $0xffff, v8  }
0x11e: {  	v9 =	vshll.u32 v9, $0x7;
	v5 =	vadd.s32 s30, v0;
	s30 =	simm.s32 $0x2;
	v8 =	vld.idx.msk [tilespmem:v12+s20+$0x0], $0xffff  }
.LBB2_17:
0x11f: {  	p1 =	sne.s32 s30, $0xF;
	v12 =	vand.u32 $0xF, v5;
	v9 =	vor.u32 v31, v9  }
0x120: {  	v63 =	vor.u32 v12, v4;
	_ =	sdelay $0x3  }
0x121: {  	[tilespmem:v9+s24+$0x0] =	vst.idx.msk $0xffff, v8  }
0x122: {  	v9 =	vshll.u32 v12, $0x7;
	v8 =	vld.idx.msk [tilespmem:v63+s20+$0x0], $0xffff  }
0x123: {  	v9 =	vor.u32 v30, v9  }
0x124: {  	v12 =	vor.u32 v2, v5  }
.Ltmp7:
0x125: {  	(pc) =	sbr.rel @p1 .LBB2_17-.Ltmp7, $3  }
0x126: {  	_ =	sdelay $0x1  }
0x127: {  	[tilespmem:v9+s24+$0x0] =	vst.idx.msk $0xffff, v8  }
0x128: {  	v9 =	vshll.u32 v5, $0x7;
	v5 =	vadd.s32 s30, v0;
	s30 =	sadd.s32 $0x1, s30;
	v8 =	vld.idx.msk [tilespmem:v12+s20+$0x0], $0xffff  }
0x129: {  	v12 =	vand.u32 $0xF, v5;
	v9 =	vor.u32 v31, v9  }
0x12a: {  	v4 =	vor.u32 v12, v4;
	_ =	sdelay $0x3  }
0x12b: {  	[tilespmem:v9+s24+$0x0] =	vst.idx.msk $0xffff, v8;
	v8 =	vshll.u32 v12, $0x7  }
0x12c: {  	v4 =	vld.idx.msk [tilespmem:v4+s20+$0x0], $0xffff;
	v8 =	vor.u32 v30, v8  }
0x12d: {  	v2 =	vor.u32 v2, v5;
	_ =	sdelay $0x3  }
0x12e: {  	[tilespmem:v8+s24+$0x0] =	vst.idx.msk $0xffff, v4;
	v4 =	vshll.u32 v5, $0x7  }
0x12f: {  	v2 =	vld.idx.msk [tilespmem:v2+s20+$0x0], $0xffff;
	v4 =	vor.u32 v31, v4;
	_ =	sdelay $0x1  }
0x130: {  	s30 =	sshll.u32 s26, $0x13  }
0x131: {  	s30 =	sor.u32 s4, s30  }
0x132: {  	s30 =	sshrl.u32 s30, $0x3  }
0x133: {  	s0 =	simm.s32 $0x0;
	s31 =	sadd.s32 s1, s30;
	[tilespmem:v4+s24+$0x0] =	vst.idx.msk $0xffff, v2  }
0x134: {  	[hbm4b:s31+s0] =	stream.linear.scatter [tilespmem:s24], [sflag:$0x3], $0x400, $0x38;
	[tilespmem:$0x12500] =	vst v63  }
0x135: {  	s16 =	simm.s32 $0xE900;
	s31 =	sadd.s32 s30, s7  }
0x136: {  	[hbm4b:s31+s0] =	stream.linear.scatter [tilespmem:s16], [sflag:$0x3], $0x400, $0x38;
	[tilespmem:$0x12500] =	vst v63  }
0x137: {  	s31 =	sadd.s32 s30, s8;
	s16 =	simm.s32 $0xED00  }
0x138: {  	[hbm4b:s31+s0] =	stream.linear.scatter [tilespmem:s16], [sflag:$0x3], $0x400, $0x38;
	[tilespmem:$0x12500] =	vst v63  }
0x139: {  	s31 =	sadd.s32 s30, s9;
	s16 =	simm.s32 $0xF100  }
0x13a: {  	[hbm4b:s31+s0] =	stream.linear.scatter [tilespmem:s16], [sflag:$0x3], $0x400, $0x38;
	[tilespmem:$0x12500] =	vst v63  }
0x13b: {  	v2 =	vld [tilespmem:s28+$0x0];
	_ =	sdelay $0x4  }
0x13c: {  	v2 =	vshll.u32 v2, $0x6  }
0x13d: {  	v9 =	vadd.s32 s0, v0;
	v2 =	vand.u32 $0x40, v2  }
0x13e: {  	v5 =	vand.u32 $0xF, v9;
	v4 =	vor.u32 v32, v2  }
0x13f: {  	v8 =	vor.u32 v4, v5;
	_ =	sdelay $0x3  }
0x140: {  	v5 =	vshll.u32 v5, $0x7  }
0x141: {  	v2 =	vor.u32 v33, v2;
	v5 =	vor.u32 v34, v5;
	v8 =	vld.idx.msk [tilespmem:v8+s20+$0x0], $0xffff  }
0x142: {  	v12 =	vor.u32 v2, v9;
	_ =	sdelay $0x3  }
0x143: {  	s16 =	simm.s32 $0x1;
	[tilespmem:v5+s24+$0x0] =	vst.idx.msk $0xffff, v8  }
0x144: {  	s31 =	simm.s32 $0x2;
	v9 =	vshll.u32 v9, $0x7;
	v5 =	vadd.s32 s16, v0;
	v8 =	vld.idx.msk [tilespmem:v12+s20+$0x0], $0xffff  }
.LBB2_19:
0x145: {  	p1 =	sne.s32 s31, $0xF;
	v12 =	vand.u32 $0xF, v5;
	v9 =	vor.u32 v35, v9  }
0x146: {  	v63 =	vor.u32 v4, v12;
	_ =	sdelay $0x3  }
0x147: {  	[tilespmem:v9+s24+$0x0] =	vst.idx.msk $0xffff, v8  }
0x148: {  	v9 =	vshll.u32 v12, $0x7;
	v8 =	vld.idx.msk [tilespmem:v63+s20+$0x0], $0xffff  }
0x149: {  	v9 =	vor.u32 v34, v9  }
0x14a: {  	v12 =	vor.u32 v2, v5  }
.Ltmp8:
0x14b: {  	(pc) =	sbr.rel @p1 .LBB2_19-.Ltmp8, $3  }
0x14c: {  	_ =	sdelay $0x1  }
0x14d: {  	[tilespmem:v9+s24+$0x0] =	vst.idx.msk $0xffff, v8  }
0x14e: {  	v9 =	vshll.u32 v5, $0x7;
	v5 =	vadd.s32 s31, v0;
	s31 =	sadd.s32 $0x1, s31;
	v8 =	vld.idx.msk [tilespmem:v12+s20+$0x0], $0xffff  }
0x14f: {  	v12 =	vand.u32 $0xF, v5;
	v9 =	vor.u32 v35, v9  }
0x150: {  	v4 =	vor.u32 v4, v12;
	_ =	sdelay $0x3  }
0x151: {  	[tilespmem:v9+s24+$0x0] =	vst.idx.msk $0xffff, v8;
	v8 =	vshll.u32 v12, $0x7  }
0x152: {  	v4 =	vld.idx.msk [tilespmem:v4+s20+$0x0], $0xffff;
	v8 =	vor.u32 v34, v8  }
0x153: {  	v2 =	vor.u32 v2, v5;
	_ =	sdelay $0x3  }
0x154: {  	[tilespmem:v8+s24+$0x0] =	vst.idx.msk $0xffff, v4;
	v4 =	vshll.u32 v5, $0x7  }
0x155: {  	v2 =	vld.idx.msk [tilespmem:v2+s20+$0x0], $0xffff;
	v4 =	vor.u32 v35, v4;
	_ =	sdelay $0x4  }
0x156: {  	[tilespmem:v4+s24+$0x0] =	vst.idx.msk $0xffff, v2  }
0x157: {  	v2 =	vld [tilespmem:s28+$0x10];
	_ =	sdelay $0x4  }
0x158: {  	s0 =	simm.s32 $0x0;
	v2 =	vshll.u32 v2, $0x6  }
0x159: {  	v9 =	vadd.s32 s0, v0;
	v2 =	vand.u32 $0x40, v2  }
0x15a: {  	v5 =	vand.u32 $0xF, v9;
	v4 =	vor.u32 v36, v2  }
0x15b: {  	v8 =	vor.u32 v4, v5;
	_ =	sdelay $0x3  }
0x15c: {  	v5 =	vshll.u32 v5, $0x7  }
0x15d: {  	v2 =	vor.u32 v37, v2;
	v5 =	vor.u32 v38, v5;
	v8 =	vld.idx.msk [tilespmem:v8+s20+$0x0], $0xffff  }
0x15e: {  	v12 =	vor.u32 v2, v9;
	_ =	sdelay $0x3  }
0x15f: {  	s16 =	simm.s32 $0x1;
	[tilespmem:v5+s24+$0x0] =	vst.idx.msk $0xffff, v8  }
0x160: {  	s31 =	simm.s32 $0x2;
	v9 =	vshll.u32 v9, $0x7;
	v5 =	vadd.s32 s16, v0;
	v8 =	vld.idx.msk [tilespmem:v12+s20+$0x0], $0xffff  }
.LBB2_21:
0x161: {  	p1 =	sne.s32 s31, $0xF;
	v12 =	vand.u32 $0xF, v5;
	v9 =	vor.u32 v39, v9  }
0x162: {  	v63 =	vor.u32 v4, v12;
	_ =	sdelay $0x3  }
0x163: {  	[tilespmem:v9+s24+$0x0] =	vst.idx.msk $0xffff, v8  }
0x164: {  	v9 =	vshll.u32 v12, $0x7;
	v8 =	vld.idx.msk [tilespmem:v63+s20+$0x0], $0xffff  }
0x165: {  	v9 =	vor.u32 v38, v9  }
0x166: {  	v12 =	vor.u32 v2, v5  }
.Ltmp9:
0x167: {  	(pc) =	sbr.rel @p1 .LBB2_21-.Ltmp9, $3  }
0x168: {  	_ =	sdelay $0x1  }
0x169: {  	[tilespmem:v9+s24+$0x0] =	vst.idx.msk $0xffff, v8  }
0x16a: {  	v9 =	vshll.u32 v5, $0x7;
	v5 =	vadd.s32 s31, v0;
	s31 =	sadd.s32 $0x1, s31;
	v8 =	vld.idx.msk [tilespmem:v12+s20+$0x0], $0xffff  }
0x16b: {  	v12 =	vand.u32 $0xF, v5;
	v9 =	vor.u32 v39, v9  }
0x16c: {  	v4 =	vor.u32 v4, v12;
	_ =	sdelay $0x3  }
0x16d: {  	[tilespmem:v9+s24+$0x0] =	vst.idx.msk $0xffff, v8;
	v8 =	vshll.u32 v12, $0x7  }
0x16e: {  	v4 =	vld.idx.msk [tilespmem:v4+s20+$0x0], $0xffff;
	v8 =	vor.u32 v38, v8  }
0x16f: {  	v2 =	vor.u32 v2, v5;
	_ =	sdelay $0x3  }
0x170: {  	[tilespmem:v8+s24+$0x0] =	vst.idx.msk $0xffff, v4;
	v4 =	vshll.u32 v5, $0x7  }
0x171: {  	v2 =	vld.idx.msk [tilespmem:v2+s20+$0x0], $0xffff;
	v4 =	vor.u32 v39, v4;
	_ =	sdelay $0x4  }
0x172: {  	[tilespmem:v4+s24+$0x0] =	vst.idx.msk $0xffff, v2  }
0x173: {  	v2 =	vld [tilespmem:s28+$0x20];
	_ =	sdelay $0x4  }
0x174: {  	s0 =	simm.s32 $0x0;
	v2 =	vshll.u32 v2, $0x6  }
0x175: {  	v9 =	vadd.s32 s0, v0;
	v2 =	vand.u32 $0x40, v2  }
0x176: {  	v5 =	vand.u32 $0xF, v9;
	v4 =	vor.u32 v40, v2  }
0x177: {  	v8 =	vor.u32 v4, v5;
	_ =	sdelay $0x3  }
0x178: {  	v5 =	vshll.u32 v5, $0x7  }
0x179: {  	v2 =	vor.u32 v41, v2;
	v5 =	vor.u32 v42, v5;
	v8 =	vld.idx.msk [tilespmem:v8+s20+$0x0], $0xffff  }
0x17a: {  	v12 =	vor.u32 v2, v9;
	_ =	sdelay $0x3  }
0x17b: {  	s16 =	simm.s32 $0x1;
	[tilespmem:v5+s24+$0x0] =	vst.idx.msk $0xffff, v8  }
0x17c: {  	s31 =	simm.s32 $0x2;
	v9 =	vshll.u32 v9, $0x7;
	v5 =	vadd.s32 s16, v0;
	v8 =	vld.idx.msk [tilespmem:v12+s20+$0x0], $0xffff  }
.LBB2_23:
0x17d: {  	p1 =	sne.s32 s31, $0xF;
	v12 =	vand.u32 $0xF, v5;
	v9 =	vor.u32 v43, v9  }
0x17e: {  	v63 =	vor.u32 v4, v12;
	_ =	sdelay $0x3  }
0x17f: {  	[tilespmem:v9+s24+$0x0] =	vst.idx.msk $0xffff, v8  }
0x180: {  	v9 =	vshll.u32 v12, $0x7;
	v8 =	vld.idx.msk [tilespmem:v63+s20+$0x0], $0xffff  }
0x181: {  	v9 =	vor.u32 v42, v9  }
0x182: {  	v12 =	vor.u32 v2, v5  }
.Ltmp10:
0x183: {  	(pc) =	sbr.rel @p1 .LBB2_23-.Ltmp10, $3  }
0x184: {  	_ =	sdelay $0x1  }
0x185: {  	[tilespmem:v9+s24+$0x0] =	vst.idx.msk $0xffff, v8  }
0x186: {  	v9 =	vshll.u32 v5, $0x7;
	v5 =	vadd.s32 s31, v0;
	s31 =	sadd.s32 $0x1, s31;
	v8 =	vld.idx.msk [tilespmem:v12+s20+$0x0], $0xffff  }
0x187: {  	v12 =	vand.u32 $0xF, v5;
	v9 =	vor.u32 v43, v9  }
0x188: {  	v4 =	vor.u32 v4, v12;
	_ =	sdelay $0x3  }
0x189: {  	[tilespmem:v9+s24+$0x0] =	vst.idx.msk $0xffff, v8;
	v8 =	vshll.u32 v12, $0x7  }
0x18a: {  	v4 =	vld.idx.msk [tilespmem:v4+s20+$0x0], $0xffff;
	v8 =	vor.u32 v42, v8  }
0x18b: {  	v2 =	vor.u32 v2, v5;
	_ =	sdelay $0x3  }
0x18c: {  	[tilespmem:v8+s24+$0x0] =	vst.idx.msk $0xffff, v4;
	v4 =	vshll.u32 v5, $0x7  }
0x18d: {  	v2 =	vld.idx.msk [tilespmem:v2+s20+$0x0], $0xffff;
	v4 =	vor.u32 v43, v4;
	_ =	sdelay $0x4  }
0x18e: {  	[tilespmem:v4+s24+$0x0] =	vst.idx.msk $0xffff, v2  }
0x18f: {  	v2 =	vld [tilespmem:s28+$0x30];
	_ =	sdelay $0x4  }
0x190: {  	s0 =	simm.s32 $0x0;
	v2 =	vshll.u32 v2, $0x6  }
0x191: {  	v9 =	vadd.s32 s0, v0;
	v2 =	vand.u32 $0x40, v2  }
0x192: {  	v5 =	vand.u32 $0xF, v9;
	v4 =	vor.u32 v44, v2  }
0x193: {  	v8 =	vor.u32 v4, v5;
	_ =	sdelay $0x3  }
0x194: {  	v5 =	vshll.u32 v5, $0x7  }
0x195: {  	v2 =	vor.u32 v45, v2;
	v5 =	vor.u32 v46, v5;
	v8 =	vld.idx.msk [tilespmem:v8+s20+$0x0], $0xffff  }
0x196: {  	v12 =	vor.u32 v2, v9;
	_ =	sdelay $0x3  }
0x197: {  	s16 =	simm.s32 $0x1;
	[tilespmem:v5+s24+$0x0] =	vst.idx.msk $0xffff, v8  }
0x198: {  	s31 =	simm.s32 $0x2;
	v9 =	vshll.u32 v9, $0x7;
	v5 =	vadd.s32 s16, v0;
	v8 =	vld.idx.msk [tilespmem:v12+s20+$0x0], $0xffff  }
.LBB2_25:
0x199: {  	p1 =	sne.s32 s31, $0xF;
	v12 =	vand.u32 $0xF, v5;
	v9 =	vor.u32 v47, v9  }
0x19a: {  	v63 =	vor.u32 v4, v12;
	_ =	sdelay $0x3  }
0x19b: {  	[tilespmem:v9+s24+$0x0] =	vst.idx.msk $0xffff, v8  }
0x19c: {  	v9 =	vshll.u32 v12, $0x7;
	v8 =	vld.idx.msk [tilespmem:v63+s20+$0x0], $0xffff  }
0x19d: {  	v9 =	vor.u32 v46, v9  }
0x19e: {  	v12 =	vor.u32 v2, v5  }
.Ltmp11:
0x19f: {  	(pc) =	sbr.rel @p1 .LBB2_25-.Ltmp11, $3  }
0x1a0: {  	_ =	sdelay $0x1  }
0x1a1: {  	[tilespmem:v9+s24+$0x0] =	vst.idx.msk $0xffff, v8  }
0x1a2: {  	v9 =	vshll.u32 v5, $0x7;
	v5 =	vadd.s32 s31, v0;
	s31 =	sadd.s32 $0x1, s31;
	v8 =	vld.idx.msk [tilespmem:v12+s20+$0x0], $0xffff  }
0x1a3: {  	v12 =	vand.u32 $0xF, v5;
	v9 =	vor.u32 v47, v9  }
0x1a4: {  	v4 =	vor.u32 v4, v12;
	_ =	sdelay $0x3  }
0x1a5: {  	[tilespmem:v9+s24+$0x0] =	vst.idx.msk $0xffff, v8;
	v8 =	vshll.u32 v12, $0x7  }
0x1a6: {  	v4 =	vld.idx.msk [tilespmem:v4+s20+$0x0], $0xffff;
	v8 =	vor.u32 v46, v8  }
0x1a7: {  	v2 =	vor.u32 v2, v5;
	_ =	sdelay $0x3  }
0x1a8: {  	[tilespmem:v8+s24+$0x0] =	vst.idx.msk $0xffff, v4;
	v4 =	vshll.u32 v5, $0x7  }
0x1a9: {  	v2 =	vld.idx.msk [tilespmem:v2+s20+$0x0], $0xffff;
	v4 =	vor.u32 v47, v4;
	_ =	sdelay $0x4  }
0x1aa: {  	[tilespmem:v4+s24+$0x0] =	vst.idx.msk $0xffff, v2  }
0x1ab: {  	v2 =	vld [tilespmem:s28+$0x40];
	_ =	sdelay $0x4  }
0x1ac: {  	s0 =	simm.s32 $0x0;
	v2 =	vshll.u32 v2, $0x6  }
0x1ad: {  	v9 =	vadd.s32 s0, v0;
	v2 =	vand.u32 $0x40, v2  }
0x1ae: {  	v5 =	vand.u32 $0xF, v9;
	v4 =	vor.u32 v48, v2  }
0x1af: {  	v8 =	vor.u32 v4, v5;
	_ =	sdelay $0x3  }
0x1b0: {  	v5 =	vshll.u32 v5, $0x7  }
0x1b1: {  	v2 =	vor.u32 v49, v2;
	v5 =	vor.u32 v50, v5;
	v8 =	vld.idx.msk [tilespmem:v8+s20+$0x0], $0xffff  }
0x1b2: {  	v12 =	vor.u32 v2, v9;
	_ =	sdelay $0x3  }
0x1b3: {  	s16 =	simm.s32 $0x1;
	[tilespmem:v5+s24+$0x0] =	vst.idx.msk $0xffff, v8  }
0x1b4: {  	s31 =	simm.s32 $0x2;
	v9 =	vshll.u32 v9, $0x7;
	v5 =	vadd.s32 s16, v0;
	v8 =	vld.idx.msk [tilespmem:v12+s20+$0x0], $0xffff  }
.LBB2_27:
0x1b5: {  	p1 =	sne.s32 s31, $0xF;
	v12 =	vand.u32 $0xF, v5;
	v9 =	vor.u32 v51, v9  }
0x1b6: {  	v63 =	vor.u32 v4, v12;
	_ =	sdelay $0x3  }
0x1b7: {  	[tilespmem:v9+s24+$0x0] =	vst.idx.msk $0xffff, v8  }
0x1b8: {  	v9 =	vshll.u32 v12, $0x7;
	v8 =	vld.idx.msk [tilespmem:v63+s20+$0x0], $0xffff  }
0x1b9: {  	v9 =	vor.u32 v50, v9  }
0x1ba: {  	v12 =	vor.u32 v2, v5  }
.Ltmp12:
0x1bb: {  	(pc) =	sbr.rel @p1 .LBB2_27-.Ltmp12, $3  }
0x1bc: {  	_ =	sdelay $0x1  }
0x1bd: {  	[tilespmem:v9+s24+$0x0] =	vst.idx.msk $0xffff, v8  }
0x1be: {  	v9 =	vshll.u32 v5, $0x7;
	v5 =	vadd.s32 s31, v0;
	s31 =	sadd.s32 $0x1, s31;
	v8 =	vld.idx.msk [tilespmem:v12+s20+$0x0], $0xffff  }
0x1bf: {  	v12 =	vand.u32 $0xF, v5;
	v9 =	vor.u32 v51, v9  }
0x1c0: {  	v4 =	vor.u32 v4, v12;
	_ =	sdelay $0x3  }
0x1c1: {  	[tilespmem:v9+s24+$0x0] =	vst.idx.msk $0xffff, v8;
	v8 =	vshll.u32 v12, $0x7  }
0x1c2: {  	v4 =	vld.idx.msk [tilespmem:v4+s20+$0x0], $0xffff;
	v8 =	vor.u32 v50, v8  }
0x1c3: {  	v2 =	vor.u32 v2, v5;
	_ =	sdelay $0x3  }
0x1c4: {  	[tilespmem:v8+s24+$0x0] =	vst.idx.msk $0xffff, v4;
	v4 =	vshll.u32 v5, $0x7  }
0x1c5: {  	v2 =	vld.idx.msk [tilespmem:v2+s20+$0x0], $0xffff;
	v4 =	vor.u32 v51, v4;
	_ =	sdelay $0x4  }
0x1c6: {  	[tilespmem:v4+s24+$0x0] =	vst.idx.msk $0xffff, v2  }
0x1c7: {  	v2 =	vld [tilespmem:s28+$0x50];
	_ =	sdelay $0x4  }
0x1c8: {  	s0 =	simm.s32 $0x0;
	v2 =	vshll.u32 v2, $0x6  }
0x1c9: {  	v9 =	vadd.s32 s0, v0;
	v2 =	vand.u32 $0x40, v2  }
0x1ca: {  	v5 =	vand.u32 $0xF, v9;
	v4 =	vor.u32 v52, v2  }
0x1cb: {  	v8 =	vor.u32 v4, v5;
	_ =	sdelay $0x3  }
0x1cc: {  	v5 =	vshll.u32 v5, $0x7  }
0x1cd: {  	v2 =	vor.u32 v53, v2;
	v5 =	vor.u32 v54, v5;
	v8 =	vld.idx.msk [tilespmem:v8+s20+$0x0], $0xffff  }
0x1ce: {  	v12 =	vor.u32 v2, v9;
	_ =	sdelay $0x3  }
0x1cf: {  	s16 =	simm.s32 $0x1;
	[tilespmem:v5+s24+$0x0] =	vst.idx.msk $0xffff, v8  }
0x1d0: {  	s31 =	simm.s32 $0x2;
	v9 =	vshll.u32 v9, $0x7;
	v5 =	vadd.s32 s16, v0;
	v8 =	vld.idx.msk [tilespmem:v12+s20+$0x0], $0xffff  }
.LBB2_29:
0x1d1: {  	p1 =	sne.s32 s31, $0xF;
	v12 =	vand.u32 $0xF, v5;
	v9 =	vor.u32 v55, v9  }
0x1d2: {  	v63 =	vor.u32 v4, v12;
	_ =	sdelay $0x3  }
0x1d3: {  	[tilespmem:v9+s24+$0x0] =	vst.idx.msk $0xffff, v8  }
0x1d4: {  	v9 =	vshll.u32 v12, $0x7;
	v8 =	vld.idx.msk [tilespmem:v63+s20+$0x0], $0xffff  }
0x1d5: {  	v9 =	vor.u32 v54, v9  }
0x1d6: {  	v12 =	vor.u32 v2, v5  }
.Ltmp13:
0x1d7: {  	(pc) =	sbr.rel @p1 .LBB2_29-.Ltmp13, $3  }
0x1d8: {  	_ =	sdelay $0x1  }
0x1d9: {  	[tilespmem:v9+s24+$0x0] =	vst.idx.msk $0xffff, v8  }
0x1da: {  	v9 =	vshll.u32 v5, $0x7;
	v5 =	vadd.s32 s31, v0;
	s31 =	sadd.s32 $0x1, s31;
	v8 =	vld.idx.msk [tilespmem:v12+s20+$0x0], $0xffff  }
0x1db: {  	v12 =	vand.u32 $0xF, v5;
	v9 =	vor.u32 v55, v9  }
0x1dc: {  	v4 =	vor.u32 v4, v12;
	_ =	sdelay $0x3  }
0x1dd: {  	[tilespmem:v9+s24+$0x0] =	vst.idx.msk $0xffff, v8;
	v8 =	vshll.u32 v12, $0x7  }
0x1de: {  	v4 =	vld.idx.msk [tilespmem:v4+s20+$0x0], $0xffff;
	v8 =	vor.u32 v54, v8  }
0x1df: {  	v2 =	vor.u32 v2, v5;
	_ =	sdelay $0x3  }
0x1e0: {  	[tilespmem:v8+s24+$0x0] =	vst.idx.msk $0xffff, v4;
	v4 =	vshll.u32 v5, $0x7  }
0x1e1: {  	v2 =	vld.idx.msk [tilespmem:v2+s20+$0x0], $0xffff;
	v4 =	vor.u32 v55, v4;
	_ =	sdelay $0x4  }
0x1e2: {  	[tilespmem:v4+s24+$0x0] =	vst.idx.msk $0xffff, v2  }
0x1e3: {  	v2 =	vld [tilespmem:s28+$0x60];
	_ =	sdelay $0x4  }
0x1e4: {  	s0 =	simm.s32 $0x0;
	v2 =	vshll.u32 v2, $0x6  }
0x1e5: {  	v9 =	vadd.s32 s0, v0;
	v2 =	vand.u32 $0x40, v2  }
0x1e6: {  	v5 =	vand.u32 $0xF, v9;
	v4 =	vor.u32 v56, v2  }
0x1e7: {  	v8 =	vor.u32 v4, v5;
	_ =	sdelay $0x3  }
0x1e8: {  	v5 =	vshll.u32 v5, $0x7  }
0x1e9: {  	v2 =	vor.u32 v57, v2;
	v5 =	vor.u32 v58, v5;
	v8 =	vld.idx.msk [tilespmem:v8+s20+$0x0], $0xffff  }
0x1ea: {  	v12 =	vor.u32 v2, v9;
	_ =	sdelay $0x3  }
0x1eb: {  	s16 =	simm.s32 $0x1;
	[tilespmem:v5+s24+$0x0] =	vst.idx.msk $0xffff, v8  }
0x1ec: {  	s31 =	simm.s32 $0x2;
	v9 =	vshll.u32 v9, $0x7;
	v5 =	vadd.s32 s16, v0;
	v8 =	vld.idx.msk [tilespmem:v12+s20+$0x0], $0xffff  }
.LBB2_31:
0x1ed: {  	p1 =	sne.s32 s31, $0xF;
	v12 =	vand.u32 $0xF, v5;
	v9 =	vor.u32 v59, v9  }
0x1ee: {  	v63 =	vor.u32 v4, v12;
	_ =	sdelay $0x3  }
0x1ef: {  	[tilespmem:v9+s24+$0x0] =	vst.idx.msk $0xffff, v8  }
0x1f0: {  	v9 =	vshll.u32 v12, $0x7;
	v8 =	vld.idx.msk [tilespmem:v63+s20+$0x0], $0xffff  }
0x1f1: {  	v9 =	vor.u32 v58, v9  }
0x1f2: {  	v12 =	vor.u32 v2, v5  }
.Ltmp14:
0x1f3: {  	(pc) =	sbr.rel @p1 .LBB2_31-.Ltmp14, $3  }
0x1f4: {  	_ =	sdelay $0x1  }
0x1f5: {  	[tilespmem:v9+s24+$0x0] =	vst.idx.msk $0xffff, v8  }
0x1f6: {  	v9 =	vshll.u32 v5, $0x7;
	v5 =	vadd.s32 s31, v0;
	s31 =	sadd.s32 $0x1, s31;
	v8 =	vld.idx.msk [tilespmem:v12+s20+$0x0], $0xffff  }
0x1f7: {  	v12 =	vand.u32 $0xF, v5;
	v9 =	vor.u32 v59, v9  }
0x1f8: {  	v4 =	vor.u32 v4, v12;
	_ =	sdelay $0x3  }
0x1f9: {  	[tilespmem:v9+s24+$0x0] =	vst.idx.msk $0xffff, v8;
	v8 =	vshll.u32 v12, $0x7  }
0x1fa: {  	v4 =	vld.idx.msk [tilespmem:v4+s20+$0x0], $0xffff;
	v8 =	vor.u32 v58, v8  }
0x1fb: {  	v2 =	vor.u32 v2, v5;
	_ =	sdelay $0x3  }
0x1fc: {  	[tilespmem:v8+s24+$0x0] =	vst.idx.msk $0xffff, v4;
	v4 =	vshll.u32 v5, $0x7  }
0x1fd: {  	v2 =	vld.idx.msk [tilespmem:v2+s20+$0x0], $0xffff;
	v4 =	vor.u32 v59, v4;
	_ =	sdelay $0x4  }
0x1fe: {  	[tilespmem:v4+s24+$0x0] =	vst.idx.msk $0xffff, v2  }
0x1ff: {  	v2 =	vld [tilespmem:s28+$0x70];
	_ =	sdelay $0x4  }
0x200: {  	s0 =	simm.s32 $0x0;
	v2 =	vshll.u32 v2, $0x6  }
0x201: {  	v9 =	vadd.s32 s0, v0;
	v2 =	vand.u32 $0x40, v2  }
0x202: {  	v5 =	vand.u32 $0xF, v9;
	v4 =	vor.u32 v60, v2  }
0x203: {  	v8 =	vor.u32 v4, v5;
	_ =	sdelay $0x3  }
0x204: {  	v5 =	vshll.u32 v5, $0x7  }
0x205: {  	v2 =	vor.u32 v61, v2;
	v5 =	vor.u32 v62, v5;
	v8 =	vld.idx.msk [tilespmem:v8+s20+$0x0], $0xffff  }
0x206: {  	v12 =	vor.u32 v2, v9;
	_ =	sdelay $0x3  }
0x207: {  	s16 =	simm.s32 $0x1;
	[tilespmem:v5+s24+$0x0] =	vst.idx.msk $0xffff, v8  }
0x208: {  	s31 =	simm.s32 $0x2;
	v63 =	vor.u32 $0x1870, v0;
	v9 =	vshll.u32 v9, $0x7;
	v5 =	vadd.s32 s16, v0;
	v8 =	vld.idx.msk [tilespmem:v12+s20+$0x0], $0xffff  }
.LBB2_33:
0x209: {  	p1 =	sne.s32 s31, $0xF;
	v12 =	vand.u32 $0xF, v5;
	v9 =	vor.u32 v63, v9  }
0x20a: {  	v13 =	vor.u32 v4, v12;
	_ =	sdelay $0x3  }
0x20b: {  	[tilespmem:v9+s24+$0x0] =	vst.idx.msk $0xffff, v8  }
0x20c: {  	v9 =	vshll.u32 v12, $0x7;
	v8 =	vld.idx.msk [tilespmem:v13+s20+$0x0], $0xffff  }
0x20d: {  	v9 =	vor.u32 v62, v9  }
0x20e: {  	v12 =	vor.u32 v2, v5  }
.Ltmp15:
0x20f: {  	(pc) =	sbr.rel @p1 .LBB2_33-.Ltmp15, $3  }
0x210: {  	_ =	sdelay $0x1  }
0x211: {  	[tilespmem:v9+s24+$0x0] =	vst.idx.msk $0xffff, v8  }
0x212: {  	v9 =	vshll.u32 v5, $0x7;
	v5 =	vadd.s32 s31, v0;
	s31 =	sadd.s32 $0x1, s31;
	v8 =	vld.idx.msk [tilespmem:v12+s20+$0x0], $0xffff  }
0x213: {  	v12 =	vand.u32 $0xF, v5;
	v9 =	vor.u32 v63, v9  }
0x214: {  	v4 =	vor.u32 v4, v12;
	_ =	sdelay $0x3  }
0x215: {  	[tilespmem:v9+s24+$0x0] =	vst.idx.msk $0xffff, v8;
	v8 =	vshll.u32 v12, $0x7  }
0x216: {  	v4 =	vld.idx.msk [tilespmem:v4+s20+$0x0], $0xffff;
	v8 =	vor.u32 v62, v8  }
0x217: {  	v2 =	vor.u32 v2, v5;
	_ =	sdelay $0x3  }
0x218: {  	[tilespmem:v8+s24+$0x0] =	vst.idx.msk $0xffff, v4;
	v4 =	vshll.u32 v5, $0x7  }
0x219: {  	v2 =	vld.idx.msk [tilespmem:v2+s20+$0x0], $0xffff;
	v4 =	vor.u32 v63, v4;
	_ =	sdelay $0x4  }
0x21a: {  	s0 =	sadd.s32 s30, s10;
	s16 =	simm.s32 $0xF500;
	[tilespmem:v4+s24+$0x0] =	vst.idx.msk $0xffff, v2  }
0x21b: {  	[hbm4b:s0+s3] =	stream.linear.scatter [tilespmem:s16], [sflag:$0x3], $0x400, $0x38;
	[tilespmem:$0x12500] =	vst v63  }
0x21c: {  	s31 =	simm.s32 $0xF900;
	s16 =	sadd.s32 s30, s11  }
0x21d: {  	[hbm4b:s16+s3] =	stream.linear.scatter [tilespmem:s31], [sflag:$0x3], $0x400, $0x38;
	[tilespmem:$0x12500] =	vst v63  }
0x21e: {  	s29 =	sor.u32 $0x1, s29;
	s16 =	sadd.s32 s30, s12;
	s31 =	simm.s32 $0xFD00  }
0x21f: {  	[hbm4b:s16+s3] =	stream.linear.scatter [tilespmem:s31], [sflag:$0x3], $0x400, $0x38;
	[tilespmem:$0x12500] =	vst v63  }
0x220: {  	p1 =	sgt.u32 s29, $0xC6;
	s16 =	sadd.s32 s30, s13;
	s31 =	simm.s32 $0x10100  }
0x221: {  	[hbm4b:s16+s3] =	stream.linear.scatter [tilespmem:s31], [sflag:$0x3], $0x400, $0x38;
	[tilespmem:$0x12500] =	vst v63  }
0x222: {  	v2 =	vld @!p1 [tilespmem:s28+$0x100];
	_ =	sdelay $0x4  }
0x223: {  	v2 =	vshrl.u32 @!p1 v2, $0x1  }
0x224: {  	[tilespmem:$0x6400] =	vst @!p1 v2  }
0x225: {  	v2 =	vld @!p1 [tilespmem:s28+$0x110];
	_ =	sdelay $0x4  }
0x226: {  	v2 =	vshrl.u32 @!p1 v2, $0x1  }
0x227: {  	[tilespmem:$0x6410] =	vst @!p1 v2  }
0x228: {  	v2 =	vld @!p1 [tilespmem:s28+$0x120];
	_ =	sdelay $0x4  }
0x229: {  	v2 =	vshrl.u32 @!p1 v2, $0x1  }
0x22a: {  	[tilespmem:$0x6420] =	vst @!p1 v2  }
0x22b: {  	v2 =	vld @!p1 [tilespmem:s28+$0x130];
	_ =	sdelay $0x4  }
0x22c: {  	v2 =	vshrl.u32 @!p1 v2, $0x1  }
0x22d: {  	[tilespmem:$0x6430] =	vst @!p1 v2  }
0x22e: {  	v2 =	vld @!p1 [tilespmem:s28+$0x140];
	_ =	sdelay $0x4  }
0x22f: {  	v2 =	vshrl.u32 @!p1 v2, $0x1  }
0x230: {  	[tilespmem:$0x6440] =	vst @!p1 v2  }
0x231: {  	v2 =	vld @!p1 [tilespmem:s28+$0x150];
	_ =	sdelay $0x4  }
0x232: {  	v2 =	vshrl.u32 @!p1 v2, $0x1  }
0x233: {  	[tilespmem:$0x6450] =	vst @!p1 v2  }
0x234: {  	v2 =	vld @!p1 [tilespmem:s28+$0x160];
	_ =	sdelay $0x4  }
0x235: {  	v2 =	vshrl.u32 @!p1 v2, $0x1  }
0x236: {  	[tilespmem:$0x6460] =	vst @!p1 v2  }
0x237: {  	v2 =	vld @!p1 [tilespmem:s28+$0x170];
	_ =	sdelay $0x4  }
0x238: {  	v2 =	vshrl.u32 @!p1 v2, $0x1  }
0x239: {  	s0 =	simm.s32 @!p1 $0x80;
	s30 =	simm.s32 @!p1 $0x6500;
	s28 =	simm.s32 @!p1 $0x6400;
	[tilespmem:$0x6470] =	vst @!p1 v2  }
0x23a: {  	[tilespmem:s30], [sflag:$0x1] =	stream.indirect.gather @!p1 [hbm4b:s5+s0], $0x80, s28, s0, $0xb8;
	[tilespmem:$0x12500] =	vst v63  }
0x23b: {  	_ =	swait.ge [sflag:s2], $0x4000  }
0x23c: {  	[sflag:s2] =	ssyncset.done $0x0  }
0x23d: {  	s0 =	simm.s32 @!p0 $0x4;
	[sflag:s2] =	ssyncadd.s32 $0xFFFFC000  }
0x23e: {  	_ =	swait.ge @!p0 [sflag:s0], $0x2000  }
0x23f: {  	s28 =	sshll.u32 s29, $0x7;
	[sflag:s0] =	ssyncset.done @!p0 $0x0  }
0x240: {  	s28 =	sand.u32 $0x3FFFFF80, s28;
	[sflag:s0] =	ssyncadd.s32 @!p0 $0xFFFFE000  }
0x241: {  	v2 =	vld [tilespmem:s28+$0x0];
	_ =	sdelay $0x4  }
0x242: {  	s16 =	simm.s32 $0x0;
	v2 =	vshll.u32 v2, $0x6  }
0x243: {  	v9 =	vadd.s32 s16, v0;
	v2 =	vand.u32 $0x40, v2  }
0x244: {  	v5 =	vand.u32 $0xF, v9;
	v4 =	vor.u32 v1, v2  }
0x245: {  	v12 =	vld [tilespmem:$0x1FF90];
	v8 =	vor.u32 v5, v4;
	_ =	sdelay $0x3  }
0x246: {  	v5 =	vshll.u32 v5, $0x7  }
0x247: {  	v2 =	vor.u32 v12, v2;
	v5 =	vor.u32 v0, v5;
	v8 =	vld.idx.msk [tilespmem:v8+s22+$0x0], $0xffff  }
0x248: {  	v12 =	vor.u32 v2, v9;
	_ =	sdelay $0x3  }
0x249: {  	s31 =	simm.s32 $0x1;
	[tilespmem:v5+s15+$0x0] =	vst.idx.msk $0xffff, v8  }
0x24a: {  	s30 =	simm.s32 $0x2;
	v9 =	vshll.u32 v9, $0x7;
	v5 =	vadd.s32 s31, v0;
	v8 =	vld.idx.msk [tilespmem:v12+s22+$0x0], $0xffff  }
.LBB2_35:
0x24b: {  	p0 =	sne.s32 s30, $0xF;
	v12 =	vand.u32 $0xF, v5;
	v9 =	vor.u32 v3, v9  }
0x24c: {  	v13 =	vor.u32 v12, v4;
	_ =	sdelay $0x3  }
0x24d: {  	[tilespmem:v9+s15+$0x0] =	vst.idx.msk $0xffff, v8  }
0x24e: {  	v9 =	vshll.u32 v12, $0x7;
	v8 =	vld.idx.msk [tilespmem:v13+s22+$0x0], $0xffff  }
0x24f: {  	v9 =	vor.u32 v0, v9  }
0x250: {  	v12 =	vor.u32 v2, v5  }
.Ltmp16:
0x251: {  	(pc) =	sbr.rel @p0 .LBB2_35-.Ltmp16, $3  }
0x252: {  	_ =	sdelay $0x1  }
0x253: {  	[tilespmem:v9+s15+$0x0] =	vst.idx.msk $0xffff, v8  }
0x254: {  	v9 =	vshll.u32 v5, $0x7;
	v5 =	vadd.s32 s30, v0;
	s30 =	sadd.s32 $0x1, s30;
	v8 =	vld.idx.msk [tilespmem:v12+s22+$0x0], $0xffff  }
0x255: {  	v12 =	vand.u32 $0xF, v5;
	v9 =	vor.u32 v3, v9  }
0x256: {  	v4 =	vor.u32 v12, v4;
	_ =	sdelay $0x3  }
0x257: {  	[tilespmem:v9+s15+$0x0] =	vst.idx.msk $0xffff, v8;
	v8 =	vshll.u32 v12, $0x7  }
0x258: {  	v4 =	vld.idx.msk [tilespmem:v4+s22+$0x0], $0xffff;
	v8 =	vor.u32 v0, v8  }
0x259: {  	v2 =	vor.u32 v2, v5;
	_ =	sdelay $0x3  }
0x25a: {  	[tilespmem:v8+s15+$0x0] =	vst.idx.msk $0xffff, v4;
	v4 =	vshll.u32 v5, $0x7  }
0x25b: {  	v2 =	vld.idx.msk [tilespmem:v2+s22+$0x0], $0xffff;
	v4 =	vor.u32 v3, v4;
	_ =	sdelay $0x4  }
0x25c: {  	[tilespmem:v4+s15+$0x0] =	vst.idx.msk $0xffff, v2  }
0x25d: {  	v2 =	vld [tilespmem:s28+$0x10];
	_ =	sdelay $0x1  }
0x25e: {  	v4 =	vld [tilespmem:$0x1FFA0];
	_ =	sdelay $0x2  }
0x25f: {  	s0 =	simm.s32 $0x0;
	v2 =	vshll.u32 v2, $0x6  }
0x260: {  	v9 =	vadd.s32 s0, v0;
	v2 =	vand.u32 $0x40, v2  }
0x261: {  	v5 =	vand.u32 $0xF, v9;
	v4 =	vor.u32 v4, v2  }
0x262: {  	v12 =	vld [tilespmem:$0x1FFB0];
	v8 =	vor.u32 v5, v4;
	_ =	sdelay $0x3  }
0x263: {  	v5 =	vshll.u32 v5, $0x7  }
0x264: {  	v2 =	vor.u32 v12, v2;
	v5 =	vor.u32 v6, v5;
	v8 =	vld.idx.msk [tilespmem:v8+s22+$0x0], $0xffff  }
0x265: {  	v12 =	vor.u32 v2, v9;
	_ =	sdelay $0x3  }
0x266: {  	s31 =	simm.s32 $0x1;
	[tilespmem:v5+s15+$0x0] =	vst.idx.msk $0xffff, v8  }
0x267: {  	s30 =	simm.s32 $0x2;
	v9 =	vshll.u32 v9, $0x7;
	v5 =	vadd.s32 s31, v0;
	v8 =	vld.idx.msk [tilespmem:v12+s22+$0x0], $0xffff  }
.LBB2_37:
0x268: {  	p0 =	sne.s32 s30, $0xF;
	v12 =	vand.u32 $0xF, v5;
	v9 =	vor.u32 v7, v9  }
0x269: {  	v13 =	vor.u32 v12, v4;
	_ =	sdelay $0x3  }
0x26a: {  	[tilespmem:v9+s15+$0x0] =	vst.idx.msk $0xffff, v8  }
0x26b: {  	v9 =	vshll.u32 v12, $0x7;
	v8 =	vld.idx.msk [tilespmem:v13+s22+$0x0], $0xffff  }
0x26c: {  	v9 =	vor.u32 v6, v9  }
0x26d: {  	v12 =	vor.u32 v2, v5  }
.Ltmp17:
0x26e: {  	(pc) =	sbr.rel @p0 .LBB2_37-.Ltmp17, $3  }
0x26f: {  	_ =	sdelay $0x1  }
0x270: {  	[tilespmem:v9+s15+$0x0] =	vst.idx.msk $0xffff, v8  }
0x271: {  	v9 =	vshll.u32 v5, $0x7;
	v5 =	vadd.s32 s30, v0;
	s30 =	sadd.s32 $0x1, s30;
	v8 =	vld.idx.msk [tilespmem:v12+s22+$0x0], $0xffff  }
0x272: {  	v12 =	vand.u32 $0xF, v5;
	v9 =	vor.u32 v7, v9  }
0x273: {  	v4 =	vor.u32 v12, v4;
	_ =	sdelay $0x3  }
0x274: {  	[tilespmem:v9+s15+$0x0] =	vst.idx.msk $0xffff, v8;
	v8 =	vshll.u32 v12, $0x7  }
0x275: {  	v4 =	vld.idx.msk [tilespmem:v4+s22+$0x0], $0xffff;
	v8 =	vor.u32 v6, v8  }
0x276: {  	v2 =	vor.u32 v2, v5;
	_ =	sdelay $0x3  }
0x277: {  	[tilespmem:v8+s15+$0x0] =	vst.idx.msk $0xffff, v4;
	v4 =	vshll.u32 v5, $0x7  }
0x278: {  	v2 =	vld.idx.msk [tilespmem:v2+s22+$0x0], $0xffff;
	v4 =	vor.u32 v7, v4;
	_ =	sdelay $0x4  }
0x279: {  	[tilespmem:v4+s15+$0x0] =	vst.idx.msk $0xffff, v2  }
0x27a: {  	v2 =	vld [tilespmem:s28+$0x20];
	_ =	sdelay $0x1  }
0x27b: {  	v4 =	vld [tilespmem:$0x1FFC0];
	_ =	sdelay $0x2  }
0x27c: {  	s0 =	simm.s32 $0x0;
	v2 =	vshll.u32 v2, $0x6  }
0x27d: {  	v9 =	vadd.s32 s0, v0;
	v2 =	vand.u32 $0x40, v2  }
0x27e: {  	v5 =	vand.u32 $0xF, v9;
	v4 =	vor.u32 v4, v2  }
0x27f: {  	v12 =	vld [tilespmem:$0x1FFD0];
	v8 =	vor.u32 v5, v4;
	_ =	sdelay $0x3  }
0x280: {  	v5 =	vshll.u32 v5, $0x7  }
0x281: {  	v2 =	vor.u32 v12, v2;
	v5 =	vor.u32 v10, v5;
	v8 =	vld.idx.msk [tilespmem:v8+s22+$0x0], $0xffff  }
0x282: {  	v12 =	vor.u32 v2, v9;
	_ =	sdelay $0x3  }
0x283: {  	s31 =	simm.s32 $0x1;
	[tilespmem:v5+s15+$0x0] =	vst.idx.msk $0xffff, v8  }
0x284: {  	s30 =	simm.s32 $0x2;
	v9 =	vshll.u32 v9, $0x7;
	v5 =	vadd.s32 s31, v0;
	v8 =	vld.idx.msk [tilespmem:v12+s22+$0x0], $0xffff  }
.LBB2_39:
0x285: {  	p0 =	sne.s32 s30, $0xF;
	v12 =	vand.u32 $0xF, v5;
	v9 =	vor.u32 v11, v9  }
0x286: {  	v13 =	vor.u32 v12, v4;
	_ =	sdelay $0x3  }
0x287: {  	[tilespmem:v9+s15+$0x0] =	vst.idx.msk $0xffff, v8  }
0x288: {  	v9 =	vshll.u32 v12, $0x7;
	v8 =	vld.idx.msk [tilespmem:v13+s22+$0x0], $0xffff  }
0x289: {  	v9 =	vor.u32 v10, v9  }
0x28a: {  	v12 =	vor.u32 v2, v5  }
.Ltmp18:
0x28b: {  	(pc) =	sbr.rel @p0 .LBB2_39-.Ltmp18, $3  }
0x28c: {  	_ =	sdelay $0x1  }
0x28d: {  	[tilespmem:v9+s15+$0x0] =	vst.idx.msk $0xffff, v8  }
0x28e: {  	v9 =	vshll.u32 v5, $0x7;
	v5 =	vadd.s32 s30, v0;
	s30 =	sadd.s32 $0x1, s30;
	v8 =	vld.idx.msk [tilespmem:v12+s22+$0x0], $0xffff  }
0x28f: {  	v12 =	vand.u32 $0xF, v5;
	v9 =	vor.u32 v11, v9  }
0x290: {  	v4 =	vor.u32 v12, v4;
	_ =	sdelay $0x3  }
0x291: {  	[tilespmem:v9+s15+$0x0] =	vst.idx.msk $0xffff, v8;
	v8 =	vshll.u32 v12, $0x7  }
0x292: {  	v4 =	vld.idx.msk [tilespmem:v4+s22+$0x0], $0xffff;
	v8 =	vor.u32 v10, v8  }
0x293: {  	v2 =	vor.u32 v2, v5;
	_ =	sdelay $0x3  }
0x294: {  	[tilespmem:v8+s15+$0x0] =	vst.idx.msk $0xffff, v4;
	v4 =	vshll.u32 v5, $0x7  }
0x295: {  	v2 =	vld.idx.msk [tilespmem:v2+s22+$0x0], $0xffff;
	v4 =	vor.u32 v11, v4;
	_ =	sdelay $0x4  }
0x296: {  	[tilespmem:v4+s15+$0x0] =	vst.idx.msk $0xffff, v2  }
0x297: {  	v2 =	vld [tilespmem:s28+$0x30];
	_ =	sdelay $0x1  }
0x298: {  	v4 =	vld [tilespmem:$0x1FFE0];
	_ =	sdelay $0x2  }
0x299: {  	s0 =	simm.s32 $0x0;
	v2 =	vshll.u32 v2, $0x6  }
0x29a: {  	v9 =	vadd.s32 s0, v0;
	v2 =	vand.u32 $0x40, v2  }
0x29b: {  	v5 =	vand.u32 $0xF, v9;
	v4 =	vor.u32 v4, v2  }
0x29c: {  	v12 =	vld [tilespmem:$0x1FFF0];
	v8 =	vor.u32 v5, v4;
	_ =	sdelay $0x3  }
0x29d: {  	v5 =	vshll.u32 v5, $0x7  }
0x29e: {  	v2 =	vor.u32 v12, v2;
	v5 =	vor.u32 v14, v5;
	v8 =	vld.idx.msk [tilespmem:v8+s22+$0x0], $0xffff  }
0x29f: {  	v12 =	vor.u32 v2, v9;
	_ =	sdelay $0x3  }
0x2a0: {  	s31 =	simm.s32 $0x1;
	[tilespmem:v5+s15+$0x0] =	vst.idx.msk $0xffff, v8  }
0x2a1: {  	s30 =	simm.s32 $0x2;
	v9 =	vshll.u32 v9, $0x7;
	v5 =	vadd.s32 s31, v0;
	v8 =	vld.idx.msk [tilespmem:v12+s22+$0x0], $0xffff  }
.LBB2_41:
0x2a2: {  	p0 =	sne.s32 s30, $0xF;
	v12 =	vand.u32 $0xF, v5;
	v9 =	vor.u32 v15, v9  }
0x2a3: {  	v13 =	vor.u32 v12, v4;
	_ =	sdelay $0x3  }
0x2a4: {  	[tilespmem:v9+s15+$0x0] =	vst.idx.msk $0xffff, v8  }
0x2a5: {  	v9 =	vshll.u32 v12, $0x7;
	v8 =	vld.idx.msk [tilespmem:v13+s22+$0x0], $0xffff  }
0x2a6: {  	v9 =	vor.u32 v14, v9  }
0x2a7: {  	v12 =	vor.u32 v2, v5  }
.Ltmp19:
0x2a8: {  	(pc) =	sbr.rel @p0 .LBB2_41-.Ltmp19, $3  }
0x2a9: {  	_ =	sdelay $0x1  }
0x2aa: {  	[tilespmem:v9+s15+$0x0] =	vst.idx.msk $0xffff, v8  }
0x2ab: {  	v9 =	vshll.u32 v5, $0x7;
	v5 =	vadd.s32 s30, v0;
	s30 =	sadd.s32 $0x1, s30;
	v8 =	vld.idx.msk [tilespmem:v12+s22+$0x0], $0xffff  }
0x2ac: {  	v12 =	vand.u32 $0xF, v5;
	v9 =	vor.u32 v15, v9  }
0x2ad: {  	v4 =	vor.u32 v12, v4;
	_ =	sdelay $0x3  }
0x2ae: {  	[tilespmem:v9+s15+$0x0] =	vst.idx.msk $0xffff, v8;
	v8 =	vshll.u32 v12, $0x7  }
0x2af: {  	v4 =	vld.idx.msk [tilespmem:v4+s22+$0x0], $0xffff;
	v8 =	vor.u32 v14, v8  }
0x2b0: {  	v2 =	vor.u32 v2, v5;
	_ =	sdelay $0x3  }
0x2b1: {  	[tilespmem:v8+s15+$0x0] =	vst.idx.msk $0xffff, v4;
	v4 =	vshll.u32 v5, $0x7  }
0x2b2: {  	v2 =	vld.idx.msk [tilespmem:v2+s22+$0x0], $0xffff;
	v4 =	vor.u32 v15, v4;
	_ =	sdelay $0x4  }
0x2b3: {  	[tilespmem:v4+s15+$0x0] =	vst.idx.msk $0xffff, v2  }
0x2b4: {  	v2 =	vld [tilespmem:s28+$0x40];
	_ =	sdelay $0x4  }
0x2b5: {  	s0 =	simm.s32 $0x0;
	v2 =	vshll.u32 v2, $0x6  }
0x2b6: {  	v9 =	vadd.s32 s0, v0;
	v2 =	vand.u32 $0x40, v2  }
0x2b7: {  	v5 =	vand.u32 $0xF, v9;
	v4 =	vor.u32 v16, v2  }
0x2b8: {  	v8 =	vor.u32 v5, v4;
	_ =	sdelay $0x3  }
0x2b9: {  	v5 =	vshll.u32 v5, $0x7  }
0x2ba: {  	v2 =	vor.u32 v17, v2;
	v5 =	vor.u32 v18, v5;
	v8 =	vld.idx.msk [tilespmem:v8+s22+$0x0], $0xffff  }
0x2bb: {  	v12 =	vor.u32 v2, v9;
	_ =	sdelay $0x3  }
0x2bc: {  	s31 =	simm.s32 $0x1;
	[tilespmem:v5+s15+$0x0] =	vst.idx.msk $0xffff, v8  }
0x2bd: {  	s30 =	simm.s32 $0x2;
	v9 =	vshll.u32 v9, $0x7;
	v5 =	vadd.s32 s31, v0;
	v8 =	vld.idx.msk [tilespmem:v12+s22+$0x0], $0xffff  }
.LBB2_43:
0x2be: {  	p0 =	sne.s32 s30, $0xF;
	v12 =	vand.u32 $0xF, v5;
	v9 =	vor.u32 v19, v9  }
0x2bf: {  	v13 =	vor.u32 v12, v4;
	_ =	sdelay $0x3  }
0x2c0: {  	[tilespmem:v9+s15+$0x0] =	vst.idx.msk $0xffff, v8  }
0x2c1: {  	v9 =	vshll.u32 v12, $0x7;
	v8 =	vld.idx.msk [tilespmem:v13+s22+$0x0], $0xffff  }
0x2c2: {  	v9 =	vor.u32 v18, v9  }
0x2c3: {  	v12 =	vor.u32 v2, v5  }
.Ltmp20:
0x2c4: {  	(pc) =	sbr.rel @p0 .LBB2_43-.Ltmp20, $3  }
0x2c5: {  	_ =	sdelay $0x1  }
0x2c6: {  	[tilespmem:v9+s15+$0x0] =	vst.idx.msk $0xffff, v8  }
0x2c7: {  	v9 =	vshll.u32 v5, $0x7;
	v5 =	vadd.s32 s30, v0;
	s30 =	sadd.s32 $0x1, s30;
	v8 =	vld.idx.msk [tilespmem:v12+s22+$0x0], $0xffff  }
0x2c8: {  	v12 =	vand.u32 $0xF, v5;
	v9 =	vor.u32 v19, v9  }
0x2c9: {  	v4 =	vor.u32 v12, v4;
	_ =	sdelay $0x3  }
0x2ca: {  	[tilespmem:v9+s15+$0x0] =	vst.idx.msk $0xffff, v8;
	v8 =	vshll.u32 v12, $0x7  }
0x2cb: {  	v4 =	vld.idx.msk [tilespmem:v4+s22+$0x0], $0xffff;
	v8 =	vor.u32 v18, v8  }
0x2cc: {  	v2 =	vor.u32 v2, v5;
	_ =	sdelay $0x3  }
0x2cd: {  	[tilespmem:v8+s15+$0x0] =	vst.idx.msk $0xffff, v4;
	v4 =	vshll.u32 v5, $0x7  }
0x2ce: {  	v2 =	vld.idx.msk [tilespmem:v2+s22+$0x0], $0xffff;
	v4 =	vor.u32 v19, v4;
	_ =	sdelay $0x4  }
0x2cf: {  	[tilespmem:v4+s15+$0x0] =	vst.idx.msk $0xffff, v2  }
0x2d0: {  	v2 =	vld [tilespmem:s28+$0x50];
	_ =	sdelay $0x4  }
0x2d1: {  	s0 =	simm.s32 $0x0;
	v2 =	vshll.u32 v2, $0x6  }
0x2d2: {  	v9 =	vadd.s32 s0, v0;
	v2 =	vand.u32 $0x40, v2  }
0x2d3: {  	v5 =	vand.u32 $0xF, v9;
	v4 =	vor.u32 v20, v2  }
0x2d4: {  	v8 =	vor.u32 v5, v4;
	_ =	sdelay $0x3  }
0x2d5: {  	v5 =	vshll.u32 v5, $0x7  }
0x2d6: {  	v2 =	vor.u32 v21, v2;
	v5 =	vor.u32 v22, v5;
	v8 =	vld.idx.msk [tilespmem:v8+s22+$0x0], $0xffff  }
0x2d7: {  	v12 =	vor.u32 v2, v9;
	_ =	sdelay $0x3  }
0x2d8: {  	s31 =	simm.s32 $0x1;
	[tilespmem:v5+s15+$0x0] =	vst.idx.msk $0xffff, v8  }
0x2d9: {  	s30 =	simm.s32 $0x2;
	v9 =	vshll.u32 v9, $0x7;
	v5 =	vadd.s32 s31, v0;
	v8 =	vld.idx.msk [tilespmem:v12+s22+$0x0], $0xffff  }
.LBB2_45:
0x2da: {  	p0 =	sne.s32 s30, $0xF;
	v12 =	vand.u32 $0xF, v5;
	v9 =	vor.u32 v23, v9  }
0x2db: {  	v13 =	vor.u32 v12, v4;
	_ =	sdelay $0x3  }
0x2dc: {  	[tilespmem:v9+s15+$0x0] =	vst.idx.msk $0xffff, v8  }
0x2dd: {  	v9 =	vshll.u32 v12, $0x7;
	v8 =	vld.idx.msk [tilespmem:v13+s22+$0x0], $0xffff  }
0x2de: {  	v9 =	vor.u32 v22, v9  }
0x2df: {  	v12 =	vor.u32 v2, v5  }
.Ltmp21:
0x2e0: {  	(pc) =	sbr.rel @p0 .LBB2_45-.Ltmp21, $3  }
0x2e1: {  	_ =	sdelay $0x1  }
0x2e2: {  	[tilespmem:v9+s15+$0x0] =	vst.idx.msk $0xffff, v8  }
0x2e3: {  	v9 =	vshll.u32 v5, $0x7;
	v5 =	vadd.s32 s30, v0;
	s30 =	sadd.s32 $0x1, s30;
	v8 =	vld.idx.msk [tilespmem:v12+s22+$0x0], $0xffff  }
0x2e4: {  	v12 =	vand.u32 $0xF, v5;
	v9 =	vor.u32 v23, v9  }
0x2e5: {  	v4 =	vor.u32 v12, v4;
	_ =	sdelay $0x3  }
0x2e6: {  	[tilespmem:v9+s15+$0x0] =	vst.idx.msk $0xffff, v8;
	v8 =	vshll.u32 v12, $0x7  }
0x2e7: {  	v4 =	vld.idx.msk [tilespmem:v4+s22+$0x0], $0xffff;
	v8 =	vor.u32 v22, v8  }
0x2e8: {  	v2 =	vor.u32 v2, v5;
	_ =	sdelay $0x3  }
0x2e9: {  	[tilespmem:v8+s15+$0x0] =	vst.idx.msk $0xffff, v4;
	v4 =	vshll.u32 v5, $0x7  }
0x2ea: {  	v2 =	vld.idx.msk [tilespmem:v2+s22+$0x0], $0xffff;
	v4 =	vor.u32 v23, v4;
	_ =	sdelay $0x4  }
0x2eb: {  	[tilespmem:v4+s15+$0x0] =	vst.idx.msk $0xffff, v2  }
0x2ec: {  	v2 =	vld [tilespmem:s28+$0x60];
	_ =	sdelay $0x4  }
0x2ed: {  	s0 =	simm.s32 $0x0;
	v2 =	vshll.u32 v2, $0x6  }
0x2ee: {  	v9 =	vadd.s32 s0, v0;
	v2 =	vand.u32 $0x40, v2  }
0x2ef: {  	v5 =	vand.u32 $0xF, v9;
	v4 =	vor.u32 v24, v2  }
0x2f0: {  	v8 =	vor.u32 v5, v4;
	_ =	sdelay $0x3  }
0x2f1: {  	v5 =	vshll.u32 v5, $0x7  }
0x2f2: {  	v2 =	vor.u32 v25, v2;
	v5 =	vor.u32 v26, v5;
	v8 =	vld.idx.msk [tilespmem:v8+s22+$0x0], $0xffff  }
0x2f3: {  	v12 =	vor.u32 v2, v9;
	_ =	sdelay $0x3  }
0x2f4: {  	s31 =	simm.s32 $0x1;
	[tilespmem:v5+s15+$0x0] =	vst.idx.msk $0xffff, v8  }
0x2f5: {  	s30 =	simm.s32 $0x2;
	v9 =	vshll.u32 v9, $0x7;
	v5 =	vadd.s32 s31, v0;
	v8 =	vld.idx.msk [tilespmem:v12+s22+$0x0], $0xffff  }
.LBB2_47:
0x2f6: {  	p0 =	sne.s32 s30, $0xF;
	v12 =	vand.u32 $0xF, v5;
	v9 =	vor.u32 v27, v9  }
0x2f7: {  	v13 =	vor.u32 v12, v4;
	_ =	sdelay $0x3  }
0x2f8: {  	[tilespmem:v9+s15+$0x0] =	vst.idx.msk $0xffff, v8  }
0x2f9: {  	v9 =	vshll.u32 v12, $0x7;
	v8 =	vld.idx.msk [tilespmem:v13+s22+$0x0], $0xffff  }
0x2fa: {  	v9 =	vor.u32 v26, v9  }
0x2fb: {  	v12 =	vor.u32 v2, v5  }
.Ltmp22:
0x2fc: {  	(pc) =	sbr.rel @p0 .LBB2_47-.Ltmp22, $3  }
0x2fd: {  	_ =	sdelay $0x1  }
0x2fe: {  	[tilespmem:v9+s15+$0x0] =	vst.idx.msk $0xffff, v8  }
0x2ff: {  	v9 =	vshll.u32 v5, $0x7;
	v5 =	vadd.s32 s30, v0;
	s30 =	sadd.s32 $0x1, s30;
	v8 =	vld.idx.msk [tilespmem:v12+s22+$0x0], $0xffff  }
0x300: {  	v12 =	vand.u32 $0xF, v5;
	v9 =	vor.u32 v27, v9  }
0x301: {  	v4 =	vor.u32 v12, v4;
	_ =	sdelay $0x3  }
0x302: {  	[tilespmem:v9+s15+$0x0] =	vst.idx.msk $0xffff, v8;
	v8 =	vshll.u32 v12, $0x7  }
0x303: {  	v4 =	vld.idx.msk [tilespmem:v4+s22+$0x0], $0xffff;
	v8 =	vor.u32 v26, v8  }
0x304: {  	v2 =	vor.u32 v2, v5;
	_ =	sdelay $0x3  }
0x305: {  	[tilespmem:v8+s15+$0x0] =	vst.idx.msk $0xffff, v4;
	v4 =	vshll.u32 v5, $0x7  }
0x306: {  	v2 =	vld.idx.msk [tilespmem:v2+s22+$0x0], $0xffff;
	v4 =	vor.u32 v27, v4;
	_ =	sdelay $0x4  }
0x307: {  	[tilespmem:v4+s15+$0x0] =	vst.idx.msk $0xffff, v2  }
0x308: {  	v2 =	vld [tilespmem:s28+$0x70];
	_ =	sdelay $0x4  }
0x309: {  	s0 =	simm.s32 $0x0;
	v2 =	vshll.u32 v2, $0x6  }
0x30a: {  	v9 =	vadd.s32 s0, v0;
	v2 =	vand.u32 $0x40, v2  }
0x30b: {  	v5 =	vand.u32 $0xF, v9;
	v4 =	vor.u32 v28, v2  }
0x30c: {  	v8 =	vor.u32 v5, v4;
	_ =	sdelay $0x3  }
0x30d: {  	v5 =	vshll.u32 v5, $0x7  }
0x30e: {  	v2 =	vor.u32 v29, v2;
	v5 =	vor.u32 v30, v5;
	v8 =	vld.idx.msk [tilespmem:v8+s22+$0x0], $0xffff  }
0x30f: {  	v12 =	vor.u32 v2, v9;
	_ =	sdelay $0x3  }
0x310: {  	s31 =	simm.s32 $0x1;
	[tilespmem:v5+s15+$0x0] =	vst.idx.msk $0xffff, v8  }
0x311: {  	s30 =	simm.s32 $0x2;
	v9 =	vshll.u32 v9, $0x7;
	v5 =	vadd.s32 s31, v0;
	v8 =	vld.idx.msk [tilespmem:v12+s22+$0x0], $0xffff  }
.LBB2_49:
0x312: {  	p0 =	sne.s32 s30, $0xF;
	v12 =	vand.u32 $0xF, v5;
	v9 =	vor.u32 v31, v9  }
0x313: {  	v13 =	vor.u32 v12, v4;
	_ =	sdelay $0x3  }
0x314: {  	[tilespmem:v9+s15+$0x0] =	vst.idx.msk $0xffff, v8  }
0x315: {  	v9 =	vshll.u32 v12, $0x7;
	v8 =	vld.idx.msk [tilespmem:v13+s22+$0x0], $0xffff  }
0x316: {  	v9 =	vor.u32 v30, v9  }
0x317: {  	v12 =	vor.u32 v2, v5  }
.Ltmp23:
0x318: {  	(pc) =	sbr.rel @p0 .LBB2_49-.Ltmp23, $3  }
0x319: {  	_ =	sdelay $0x1  }
0x31a: {  	[tilespmem:v9+s15+$0x0] =	vst.idx.msk $0xffff, v8  }
0x31b: {  	v9 =	vshll.u32 v5, $0x7;
	v5 =	vadd.s32 s30, v0;
	s30 =	sadd.s32 $0x1, s30;
	v8 =	vld.idx.msk [tilespmem:v12+s22+$0x0], $0xffff  }
0x31c: {  	v12 =	vand.u32 $0xF, v5;
	v9 =	vor.u32 v31, v9  }
0x31d: {  	v4 =	vor.u32 v12, v4;
	_ =	sdelay $0x3  }
0x31e: {  	[tilespmem:v9+s15+$0x0] =	vst.idx.msk $0xffff, v8;
	v8 =	vshll.u32 v12, $0x7  }
0x31f: {  	v4 =	vld.idx.msk [tilespmem:v4+s22+$0x0], $0xffff;
	v8 =	vor.u32 v30, v8  }
0x320: {  	v2 =	vor.u32 v2, v5;
	_ =	sdelay $0x3  }
0x321: {  	[tilespmem:v8+s15+$0x0] =	vst.idx.msk $0xffff, v4;
	v4 =	vshll.u32 v5, $0x7  }
0x322: {  	v2 =	vld.idx.msk [tilespmem:v2+s22+$0x0], $0xffff;
	v4 =	vor.u32 v31, v4;
	_ =	sdelay $0x1  }
0x323: {  	s0 =	sshll.u32 s29, $0x12  }
0x324: {  	s0 =	sor.u32 s4, s0  }
0x325: {  	s29 =	sshrl.u32 s0, $0x3  }
0x326: {  	s30 =	simm.s32 $0x0;
	s0 =	sadd.s32 s1, s29;
	[tilespmem:v4+s15+$0x0] =	vst.idx.msk $0xffff, v2  }
0x327: {  	[hbm4b:s0+s30] =	stream.linear.scatter [tilespmem:s15], [sflag:$0x4], $0x400, $0x38;
	[tilespmem:$0x12500] =	vst v63  }
0x328: {  	s16 =	simm.s32 $0x10900;
	s31 =	sadd.s32 s29, s7  }
0x329: {  	[hbm4b:s31+s30] =	stream.linear.scatter [tilespmem:s16], [sflag:$0x4], $0x400, $0x38;
	[tilespmem:$0x12500] =	vst v63  }
0x32a: {  	s31 =	sadd.s32 s29, s8  }
0x32b: {  	[hbm4b:s31+s30] =	stream.linear.scatter [tilespmem:s19], [sflag:$0x4], $0x400, $0x38;
	[tilespmem:$0x12500] =	vst v63  }
0x32c: {  	s16 =	sadd.s32 s29, s9  }
0x32d: {  	[hbm4b:s16+s30] =	stream.linear.scatter [tilespmem:s6], [sflag:$0x4], $0x400, $0x38;
	[tilespmem:$0x12500] =	vst v63  }
0x32e: {  	v2 =	vld [tilespmem:s28+$0x0];
	_ =	sdelay $0x4  }
0x32f: {  	v2 =	vshll.u32 v2, $0x6  }
0x330: {  	v9 =	vadd.s32 s30, v0;
	v2 =	vand.u32 $0x40, v2  }
0x331: {  	v5 =	vand.u32 $0xF, v9;
	v4 =	vor.u32 v32, v2  }
0x332: {  	v8 =	vor.u32 v4, v5;
	_ =	sdelay $0x3  }
0x333: {  	v5 =	vshll.u32 v5, $0x7  }
0x334: {  	v2 =	vor.u32 v33, v2;
	v5 =	vor.u32 v34, v5;
	v8 =	vld.idx.msk [tilespmem:v8+s22+$0x0], $0xffff  }
0x335: {  	v12 =	vor.u32 v2, v9;
	_ =	sdelay $0x3  }
0x336: {  	s31 =	simm.s32 $0x1;
	[tilespmem:v5+s15+$0x0] =	vst.idx.msk $0xffff, v8  }
0x337: {  	s30 =	simm.s32 $0x2;
	v9 =	vshll.u32 v9, $0x7;
	v5 =	vadd.s32 s31, v0;
	v8 =	vld.idx.msk [tilespmem:v12+s22+$0x0], $0xffff  }
.LBB2_51:
0x338: {  	p0 =	sne.s32 s30, $0xF;
	v12 =	vand.u32 $0xF, v5;
	v9 =	vor.u32 v35, v9  }
0x339: {  	v13 =	vor.u32 v4, v12;
	_ =	sdelay $0x3  }
0x33a: {  	[tilespmem:v9+s15+$0x0] =	vst.idx.msk $0xffff, v8  }
0x33b: {  	v9 =	vshll.u32 v12, $0x7;
	v8 =	vld.idx.msk [tilespmem:v13+s22+$0x0], $0xffff  }
0x33c: {  	v9 =	vor.u32 v34, v9  }
0x33d: {  	v12 =	vor.u32 v2, v5  }
.Ltmp24:
0x33e: {  	(pc) =	sbr.rel @p0 .LBB2_51-.Ltmp24, $3  }
0x33f: {  	_ =	sdelay $0x1  }
0x340: {  	[tilespmem:v9+s15+$0x0] =	vst.idx.msk $0xffff, v8  }
0x341: {  	v9 =	vshll.u32 v5, $0x7;
	v5 =	vadd.s32 s30, v0;
	s30 =	sadd.s32 $0x1, s30;
	v8 =	vld.idx.msk [tilespmem:v12+s22+$0x0], $0xffff  }
0x342: {  	v12 =	vand.u32 $0xF, v5;
	v9 =	vor.u32 v35, v9  }
0x343: {  	v4 =	vor.u32 v4, v12;
	_ =	sdelay $0x3  }
0x344: {  	[tilespmem:v9+s15+$0x0] =	vst.idx.msk $0xffff, v8;
	v8 =	vshll.u32 v12, $0x7  }
0x345: {  	v4 =	vld.idx.msk [tilespmem:v4+s22+$0x0], $0xffff;
	v8 =	vor.u32 v34, v8  }
0x346: {  	v2 =	vor.u32 v2, v5;
	_ =	sdelay $0x3  }
0x347: {  	[tilespmem:v8+s15+$0x0] =	vst.idx.msk $0xffff, v4;
	v4 =	vshll.u32 v5, $0x7  }
0x348: {  	v2 =	vld.idx.msk [tilespmem:v2+s22+$0x0], $0xffff;
	v4 =	vor.u32 v35, v4;
	_ =	sdelay $0x4  }
0x349: {  	[tilespmem:v4+s15+$0x0] =	vst.idx.msk $0xffff, v2  }
0x34a: {  	v2 =	vld [tilespmem:s28+$0x10];
	_ =	sdelay $0x4  }
0x34b: {  	s0 =	simm.s32 $0x0;
	v2 =	vshll.u32 v2, $0x6  }
0x34c: {  	v9 =	vadd.s32 s0, v0;
	v2 =	vand.u32 $0x40, v2  }
0x34d: {  	v5 =	vand.u32 $0xF, v9;
	v4 =	vor.u32 v36, v2  }
0x34e: {  	v8 =	vor.u32 v4, v5;
	_ =	sdelay $0x3  }
0x34f: {  	v5 =	vshll.u32 v5, $0x7  }
0x350: {  	v2 =	vor.u32 v37, v2;
	v5 =	vor.u32 v38, v5;
	v8 =	vld.idx.msk [tilespmem:v8+s22+$0x0], $0xffff  }
0x351: {  	v12 =	vor.u32 v2, v9;
	_ =	sdelay $0x3  }
0x352: {  	s31 =	simm.s32 $0x1;
	[tilespmem:v5+s15+$0x0] =	vst.idx.msk $0xffff, v8  }
0x353: {  	s30 =	simm.s32 $0x2;
	v9 =	vshll.u32 v9, $0x7;
	v5 =	vadd.s32 s31, v0;
	v8 =	vld.idx.msk [tilespmem:v12+s22+$0x0], $0xffff  }
.LBB2_53:
0x354: {  	p0 =	sne.s32 s30, $0xF;
	v12 =	vand.u32 $0xF, v5;
	v9 =	vor.u32 v39, v9  }
0x355: {  	v13 =	vor.u32 v4, v12;
	_ =	sdelay $0x3  }
0x356: {  	[tilespmem:v9+s15+$0x0] =	vst.idx.msk $0xffff, v8  }
0x357: {  	v9 =	vshll.u32 v12, $0x7;
	v8 =	vld.idx.msk [tilespmem:v13+s22+$0x0], $0xffff  }
0x358: {  	v9 =	vor.u32 v38, v9  }
0x359: {  	v12 =	vor.u32 v2, v5  }
.Ltmp25:
0x35a: {  	(pc) =	sbr.rel @p0 .LBB2_53-.Ltmp25, $3  }
0x35b: {  	_ =	sdelay $0x1  }
0x35c: {  	[tilespmem:v9+s15+$0x0] =	vst.idx.msk $0xffff, v8  }
0x35d: {  	v9 =	vshll.u32 v5, $0x7;
	v5 =	vadd.s32 s30, v0;
	s30 =	sadd.s32 $0x1, s30;
	v8 =	vld.idx.msk [tilespmem:v12+s22+$0x0], $0xffff  }
0x35e: {  	v12 =	vand.u32 $0xF, v5;
	v9 =	vor.u32 v39, v9  }
0x35f: {  	v4 =	vor.u32 v4, v12;
	_ =	sdelay $0x3  }
0x360: {  	[tilespmem:v9+s15+$0x0] =	vst.idx.msk $0xffff, v8;
	v8 =	vshll.u32 v12, $0x7  }
0x361: {  	v4 =	vld.idx.msk [tilespmem:v4+s22+$0x0], $0xffff;
	v8 =	vor.u32 v38, v8  }
0x362: {  	v2 =	vor.u32 v2, v5;
	_ =	sdelay $0x3  }
0x363: {  	[tilespmem:v8+s15+$0x0] =	vst.idx.msk $0xffff, v4;
	v4 =	vshll.u32 v5, $0x7  }
0x364: {  	v2 =	vld.idx.msk [tilespmem:v2+s22+$0x0], $0xffff;
	v4 =	vor.u32 v39, v4;
	_ =	sdelay $0x4  }
0x365: {  	[tilespmem:v4+s15+$0x0] =	vst.idx.msk $0xffff, v2  }
0x366: {  	v2 =	vld [tilespmem:s28+$0x20];
	_ =	sdelay $0x4  }
0x367: {  	s0 =	simm.s32 $0x0;
	v2 =	vshll.u32 v2, $0x6  }
0x368: {  	v9 =	vadd.s32 s0, v0;
	v2 =	vand.u32 $0x40, v2  }
0x369: {  	v5 =	vand.u32 $0xF, v9;
	v4 =	vor.u32 v40, v2  }
0x36a: {  	v8 =	vor.u32 v4, v5;
	_ =	sdelay $0x3  }
0x36b: {  	v5 =	vshll.u32 v5, $0x7  }
0x36c: {  	v2 =	vor.u32 v41, v2;
	v5 =	vor.u32 v42, v5;
	v8 =	vld.idx.msk [tilespmem:v8+s22+$0x0], $0xffff  }
0x36d: {  	v12 =	vor.u32 v2, v9;
	_ =	sdelay $0x3  }
0x36e: {  	s31 =	simm.s32 $0x1;
	[tilespmem:v5+s15+$0x0] =	vst.idx.msk $0xffff, v8  }
0x36f: {  	s30 =	simm.s32 $0x2;
	v9 =	vshll.u32 v9, $0x7;
	v5 =	vadd.s32 s31, v0;
	v8 =	vld.idx.msk [tilespmem:v12+s22+$0x0], $0xffff  }
.LBB2_55:
0x370: {  	p0 =	sne.s32 s30, $0xF;
	v12 =	vand.u32 $0xF, v5;
	v9 =	vor.u32 v43, v9  }
0x371: {  	v13 =	vor.u32 v4, v12;
	_ =	sdelay $0x3  }
0x372: {  	[tilespmem:v9+s15+$0x0] =	vst.idx.msk $0xffff, v8  }
0x373: {  	v9 =	vshll.u32 v12, $0x7;
	v8 =	vld.idx.msk [tilespmem:v13+s22+$0x0], $0xffff  }
0x374: {  	v9 =	vor.u32 v42, v9  }
0x375: {  	v12 =	vor.u32 v2, v5  }
.Ltmp26:
0x376: {  	(pc) =	sbr.rel @p0 .LBB2_55-.Ltmp26, $3  }
0x377: {  	_ =	sdelay $0x1  }
0x378: {  	[tilespmem:v9+s15+$0x0] =	vst.idx.msk $0xffff, v8  }
0x379: {  	v9 =	vshll.u32 v5, $0x7;
	v5 =	vadd.s32 s30, v0;
	s30 =	sadd.s32 $0x1, s30;
	v8 =	vld.idx.msk [tilespmem:v12+s22+$0x0], $0xffff  }
0x37a: {  	v12 =	vand.u32 $0xF, v5;
	v9 =	vor.u32 v43, v9  }
0x37b: {  	v4 =	vor.u32 v4, v12;
	_ =	sdelay $0x3  }
0x37c: {  	[tilespmem:v9+s15+$0x0] =	vst.idx.msk $0xffff, v8;
	v8 =	vshll.u32 v12, $0x7  }
0x37d: {  	v4 =	vld.idx.msk [tilespmem:v4+s22+$0x0], $0xffff;
	v8 =	vor.u32 v42, v8  }
0x37e: {  	v2 =	vor.u32 v2, v5;
	_ =	sdelay $0x3  }
0x37f: {  	[tilespmem:v8+s15+$0x0] =	vst.idx.msk $0xffff, v4;
	v4 =	vshll.u32 v5, $0x7  }
0x380: {  	v2 =	vld.idx.msk [tilespmem:v2+s22+$0x0], $0xffff;
	v4 =	vor.u32 v43, v4;
	_ =	sdelay $0x4  }
0x381: {  	[tilespmem:v4+s15+$0x0] =	vst.idx.msk $0xffff, v2  }
0x382: {  	v2 =	vld [tilespmem:s28+$0x30];
	_ =	sdelay $0x4  }
0x383: {  	s0 =	simm.s32 $0x0;
	v2 =	vshll.u32 v2, $0x6  }
0x384: {  	v9 =	vadd.s32 s0, v0;
	v2 =	vand.u32 $0x40, v2  }
0x385: {  	v5 =	vand.u32 $0xF, v9;
	v4 =	vor.u32 v44, v2  }
0x386: {  	v8 =	vor.u32 v4, v5;
	_ =	sdelay $0x3  }
0x387: {  	v5 =	vshll.u32 v5, $0x7  }
0x388: {  	v2 =	vor.u32 v45, v2;
	v5 =	vor.u32 v46, v5;
	v8 =	vld.idx.msk [tilespmem:v8+s22+$0x0], $0xffff  }
0x389: {  	v12 =	vor.u32 v2, v9;
	_ =	sdelay $0x3  }
0x38a: {  	s31 =	simm.s32 $0x1;
	[tilespmem:v5+s15+$0x0] =	vst.idx.msk $0xffff, v8  }
0x38b: {  	s30 =	simm.s32 $0x2;
	v9 =	vshll.u32 v9, $0x7;
	v5 =	vadd.s32 s31, v0;
	v8 =	vld.idx.msk [tilespmem:v12+s22+$0x0], $0xffff  }
.LBB2_57:
0x38c: {  	p0 =	sne.s32 s30, $0xF;
	v12 =	vand.u32 $0xF, v5;
	v9 =	vor.u32 v47, v9  }
0x38d: {  	v13 =	vor.u32 v4, v12;
	_ =	sdelay $0x3  }
0x38e: {  	[tilespmem:v9+s15+$0x0] =	vst.idx.msk $0xffff, v8  }
0x38f: {  	v9 =	vshll.u32 v12, $0x7;
	v8 =	vld.idx.msk [tilespmem:v13+s22+$0x0], $0xffff  }
0x390: {  	v9 =	vor.u32 v46, v9  }
0x391: {  	v12 =	vor.u32 v2, v5  }
.Ltmp27:
0x392: {  	(pc) =	sbr.rel @p0 .LBB2_57-.Ltmp27, $3  }
0x393: {  	_ =	sdelay $0x1  }
0x394: {  	[tilespmem:v9+s15+$0x0] =	vst.idx.msk $0xffff, v8  }
0x395: {  	v9 =	vshll.u32 v5, $0x7;
	v5 =	vadd.s32 s30, v0;
	s30 =	sadd.s32 $0x1, s30;
	v8 =	vld.idx.msk [tilespmem:v12+s22+$0x0], $0xffff  }
0x396: {  	v12 =	vand.u32 $0xF, v5;
	v9 =	vor.u32 v47, v9  }
0x397: {  	v4 =	vor.u32 v4, v12;
	_ =	sdelay $0x3  }
0x398: {  	[tilespmem:v9+s15+$0x0] =	vst.idx.msk $0xffff, v8;
	v8 =	vshll.u32 v12, $0x7  }
0x399: {  	v4 =	vld.idx.msk [tilespmem:v4+s22+$0x0], $0xffff;
	v8 =	vor.u32 v46, v8  }
0x39a: {  	v2 =	vor.u32 v2, v5;
	_ =	sdelay $0x3  }
0x39b: {  	[tilespmem:v8+s15+$0x0] =	vst.idx.msk $0xffff, v4;
	v4 =	vshll.u32 v5, $0x7  }
0x39c: {  	v2 =	vld.idx.msk [tilespmem:v2+s22+$0x0], $0xffff;
	v4 =	vor.u32 v47, v4;
	_ =	sdelay $0x4  }
0x39d: {  	[tilespmem:v4+s15+$0x0] =	vst.idx.msk $0xffff, v2  }
0x39e: {  	v2 =	vld [tilespmem:s28+$0x40];
	_ =	sdelay $0x4  }
0x39f: {  	s0 =	simm.s32 $0x0;
	v2 =	vshll.u32 v2, $0x6  }
0x3a0: {  	v9 =	vadd.s32 s0, v0;
	v2 =	vand.u32 $0x40, v2  }
0x3a1: {  	v5 =	vand.u32 $0xF, v9;
	v4 =	vor.u32 v48, v2  }
0x3a2: {  	v8 =	vor.u32 v4, v5;
	_ =	sdelay $0x3  }
0x3a3: {  	v5 =	vshll.u32 v5, $0x7  }
0x3a4: {  	v2 =	vor.u32 v49, v2;
	v5 =	vor.u32 v50, v5;
	v8 =	vld.idx.msk [tilespmem:v8+s22+$0x0], $0xffff  }
0x3a5: {  	v12 =	vor.u32 v2, v9;
	_ =	sdelay $0x3  }
0x3a6: {  	s31 =	simm.s32 $0x1;
	[tilespmem:v5+s15+$0x0] =	vst.idx.msk $0xffff, v8  }
0x3a7: {  	s30 =	simm.s32 $0x2;
	v9 =	vshll.u32 v9, $0x7;
	v5 =	vadd.s32 s31, v0;
	v8 =	vld.idx.msk [tilespmem:v12+s22+$0x0], $0xffff  }
.LBB2_59:
0x3a8: {  	p0 =	sne.s32 s30, $0xF;
	v12 =	vand.u32 $0xF, v5;
	v9 =	vor.u32 v51, v9  }
0x3a9: {  	v13 =	vor.u32 v4, v12;
	_ =	sdelay $0x3  }
0x3aa: {  	[tilespmem:v9+s15+$0x0] =	vst.idx.msk $0xffff, v8  }
0x3ab: {  	v9 =	vshll.u32 v12, $0x7;
	v8 =	vld.idx.msk [tilespmem:v13+s22+$0x0], $0xffff  }
0x3ac: {  	v9 =	vor.u32 v50, v9  }
0x3ad: {  	v12 =	vor.u32 v2, v5  }
.Ltmp28:
0x3ae: {  	(pc) =	sbr.rel @p0 .LBB2_59-.Ltmp28, $3  }
0x3af: {  	_ =	sdelay $0x1  }
0x3b0: {  	[tilespmem:v9+s15+$0x0] =	vst.idx.msk $0xffff, v8  }
0x3b1: {  	v9 =	vshll.u32 v5, $0x7;
	v5 =	vadd.s32 s30, v0;
	s30 =	sadd.s32 $0x1, s30;
	v8 =	vld.idx.msk [tilespmem:v12+s22+$0x0], $0xffff  }
0x3b2: {  	v12 =	vand.u32 $0xF, v5;
	v9 =	vor.u32 v51, v9  }
0x3b3: {  	v4 =	vor.u32 v4, v12;
	_ =	sdelay $0x3  }
0x3b4: {  	[tilespmem:v9+s15+$0x0] =	vst.idx.msk $0xffff, v8;
	v8 =	vshll.u32 v12, $0x7  }
0x3b5: {  	v4 =	vld.idx.msk [tilespmem:v4+s22+$0x0], $0xffff;
	v8 =	vor.u32 v50, v8  }
0x3b6: {  	v2 =	vor.u32 v2, v5;
	_ =	sdelay $0x3  }
0x3b7: {  	[tilespmem:v8+s15+$0x0] =	vst.idx.msk $0xffff, v4;
	v4 =	vshll.u32 v5, $0x7  }
0x3b8: {  	v2 =	vld.idx.msk [tilespmem:v2+s22+$0x0], $0xffff;
	v4 =	vor.u32 v51, v4;
	_ =	sdelay $0x4  }
0x3b9: {  	[tilespmem:v4+s15+$0x0] =	vst.idx.msk $0xffff, v2  }
0x3ba: {  	v2 =	vld [tilespmem:s28+$0x50];
	_ =	sdelay $0x4  }
0x3bb: {  	s0 =	simm.s32 $0x0;
	v2 =	vshll.u32 v2, $0x6  }
0x3bc: {  	v9 =	vadd.s32 s0, v0;
	v2 =	vand.u32 $0x40, v2  }
0x3bd: {  	v5 =	vand.u32 $0xF, v9;
	v4 =	vor.u32 v52, v2  }
0x3be: {  	v8 =	vor.u32 v4, v5;
	_ =	sdelay $0x3  }
0x3bf: {  	v5 =	vshll.u32 v5, $0x7  }
0x3c0: {  	v2 =	vor.u32 v53, v2;
	v5 =	vor.u32 v54, v5;
	v8 =	vld.idx.msk [tilespmem:v8+s22+$0x0], $0xffff  }
0x3c1: {  	v12 =	vor.u32 v2, v9;
	_ =	sdelay $0x3  }
0x3c2: {  	s31 =	simm.s32 $0x1;
	[tilespmem:v5+s15+$0x0] =	vst.idx.msk $0xffff, v8  }
0x3c3: {  	s30 =	simm.s32 $0x2;
	v9 =	vshll.u32 v9, $0x7;
	v5 =	vadd.s32 s31, v0;
	v8 =	vld.idx.msk [tilespmem:v12+s22+$0x0], $0xffff  }
.LBB2_61:
0x3c4: {  	p0 =	sne.s32 s30, $0xF;
	v12 =	vand.u32 $0xF, v5;
	v9 =	vor.u32 v55, v9  }
0x3c5: {  	v13 =	vor.u32 v4, v12;
	_ =	sdelay $0x3  }
0x3c6: {  	[tilespmem:v9+s15+$0x0] =	vst.idx.msk $0xffff, v8  }
0x3c7: {  	v9 =	vshll.u32 v12, $0x7;
	v8 =	vld.idx.msk [tilespmem:v13+s22+$0x0], $0xffff  }
0x3c8: {  	v9 =	vor.u32 v54, v9  }
0x3c9: {  	v12 =	vor.u32 v2, v5  }
.Ltmp29:
0x3ca: {  	(pc) =	sbr.rel @p0 .LBB2_61-.Ltmp29, $3  }
0x3cb: {  	_ =	sdelay $0x1  }
0x3cc: {  	[tilespmem:v9+s15+$0x0] =	vst.idx.msk $0xffff, v8  }
0x3cd: {  	v9 =	vshll.u32 v5, $0x7;
	v5 =	vadd.s32 s30, v0;
	s30 =	sadd.s32 $0x1, s30;
	v8 =	vld.idx.msk [tilespmem:v12+s22+$0x0], $0xffff  }
0x3ce: {  	v12 =	vand.u32 $0xF, v5;
	v9 =	vor.u32 v55, v9  }
0x3cf: {  	v4 =	vor.u32 v4, v12;
	_ =	sdelay $0x3  }
0x3d0: {  	[tilespmem:v9+s15+$0x0] =	vst.idx.msk $0xffff, v8;
	v8 =	vshll.u32 v12, $0x7  }
0x3d1: {  	v4 =	vld.idx.msk [tilespmem:v4+s22+$0x0], $0xffff;
	v8 =	vor.u32 v54, v8  }
0x3d2: {  	v2 =	vor.u32 v2, v5;
	_ =	sdelay $0x3  }
0x3d3: {  	[tilespmem:v8+s15+$0x0] =	vst.idx.msk $0xffff, v4;
	v4 =	vshll.u32 v5, $0x7  }
0x3d4: {  	v2 =	vld.idx.msk [tilespmem:v2+s22+$0x0], $0xffff;
	v4 =	vor.u32 v55, v4;
	_ =	sdelay $0x4  }
0x3d5: {  	[tilespmem:v4+s15+$0x0] =	vst.idx.msk $0xffff, v2  }
0x3d6: {  	v2 =	vld [tilespmem:s28+$0x60];
	_ =	sdelay $0x4  }
0x3d7: {  	s0 =	simm.s32 $0x0;
	v2 =	vshll.u32 v2, $0x6  }
0x3d8: {  	v9 =	vadd.s32 s0, v0;
	v2 =	vand.u32 $0x40, v2  }
0x3d9: {  	v5 =	vand.u32 $0xF, v9;
	v4 =	vor.u32 v56, v2  }
0x3da: {  	v8 =	vor.u32 v4, v5;
	_ =	sdelay $0x3  }
0x3db: {  	v5 =	vshll.u32 v5, $0x7  }
0x3dc: {  	v2 =	vor.u32 v57, v2;
	v5 =	vor.u32 v58, v5;
	v8 =	vld.idx.msk [tilespmem:v8+s22+$0x0], $0xffff  }
0x3dd: {  	v12 =	vor.u32 v2, v9;
	_ =	sdelay $0x3  }
0x3de: {  	s31 =	simm.s32 $0x1;
	[tilespmem:v5+s15+$0x0] =	vst.idx.msk $0xffff, v8  }
0x3df: {  	s30 =	simm.s32 $0x2;
	v9 =	vshll.u32 v9, $0x7;
	v5 =	vadd.s32 s31, v0;
	v8 =	vld.idx.msk [tilespmem:v12+s22+$0x0], $0xffff  }
.LBB2_63:
0x3e0: {  	p0 =	sne.s32 s30, $0xF;
	v12 =	vand.u32 $0xF, v5;
	v9 =	vor.u32 v59, v9  }
0x3e1: {  	v13 =	vor.u32 v4, v12;
	_ =	sdelay $0x3  }
0x3e2: {  	[tilespmem:v9+s15+$0x0] =	vst.idx.msk $0xffff, v8  }
0x3e3: {  	v9 =	vshll.u32 v12, $0x7;
	v8 =	vld.idx.msk [tilespmem:v13+s22+$0x0], $0xffff  }
0x3e4: {  	v9 =	vor.u32 v58, v9  }
0x3e5: {  	v12 =	vor.u32 v2, v5  }
.Ltmp30:
0x3e6: {  	(pc) =	sbr.rel @p0 .LBB2_63-.Ltmp30, $3  }
0x3e7: {  	_ =	sdelay $0x1  }
0x3e8: {  	[tilespmem:v9+s15+$0x0] =	vst.idx.msk $0xffff, v8  }
0x3e9: {  	v9 =	vshll.u32 v5, $0x7;
	v5 =	vadd.s32 s30, v0;
	s30 =	sadd.s32 $0x1, s30;
	v8 =	vld.idx.msk [tilespmem:v12+s22+$0x0], $0xffff  }
0x3ea: {  	v12 =	vand.u32 $0xF, v5;
	v9 =	vor.u32 v59, v9  }
0x3eb: {  	v4 =	vor.u32 v4, v12;
	_ =	sdelay $0x3  }
0x3ec: {  	[tilespmem:v9+s15+$0x0] =	vst.idx.msk $0xffff, v8;
	v8 =	vshll.u32 v12, $0x7  }
0x3ed: {  	v4 =	vld.idx.msk [tilespmem:v4+s22+$0x0], $0xffff;
	v8 =	vor.u32 v58, v8  }
0x3ee: {  	v2 =	vor.u32 v2, v5;
	_ =	sdelay $0x3  }
0x3ef: {  	[tilespmem:v8+s15+$0x0] =	vst.idx.msk $0xffff, v4;
	v4 =	vshll.u32 v5, $0x7  }
0x3f0: {  	v2 =	vld.idx.msk [tilespmem:v2+s22+$0x0], $0xffff;
	v4 =	vor.u32 v59, v4;
	_ =	sdelay $0x4  }
0x3f1: {  	[tilespmem:v4+s15+$0x0] =	vst.idx.msk $0xffff, v2  }
0x3f2: {  	v2 =	vld [tilespmem:s28+$0x70];
	_ =	sdelay $0x4  }
0x3f3: {  	s0 =	simm.s32 $0x0;
	v2 =	vshll.u32 v2, $0x6  }
0x3f4: {  	v9 =	vadd.s32 s0, v0;
	v2 =	vand.u32 $0x40, v2  }
0x3f5: {  	v5 =	vand.u32 $0xF, v9;
	v4 =	vor.u32 v60, v2  }
0x3f6: {  	v8 =	vor.u32 v4, v5;
	_ =	sdelay $0x3  }
0x3f7: {  	v5 =	vshll.u32 v5, $0x7  }
0x3f8: {  	v2 =	vor.u32 v61, v2;
	v5 =	vor.u32 v62, v5;
	v8 =	vld.idx.msk [tilespmem:v8+s22+$0x0], $0xffff  }
0x3f9: {  	v12 =	vor.u32 v2, v9;
	_ =	sdelay $0x3  }
0x3fa: {  	s31 =	simm.s32 $0x1;
	[tilespmem:v5+s15+$0x0] =	vst.idx.msk $0xffff, v8  }
0x3fb: {  	s28 =	simm.s32 $0x2;
	v9 =	vshll.u32 v9, $0x7;
	v5 =	vadd.s32 s31, v0;
	v8 =	vld.idx.msk [tilespmem:v12+s22+$0x0], $0xffff  }
.LBB2_65:
0x3fc: {  	p0 =	sne.s32 s28, $0xF;
	v12 =	vand.u32 $0xF, v5;
	v9 =	vor.u32 v63, v9  }
0x3fd: {  	v13 =	vor.u32 v4, v12;
	_ =	sdelay $0x3  }
0x3fe: {  	[tilespmem:v9+s15+$0x0] =	vst.idx.msk $0xffff, v8  }
0x3ff: {  	v9 =	vshll.u32 v12, $0x7;
	v8 =	vld.idx.msk [tilespmem:v13+s22+$0x0], $0xffff  }
0x400: {  	v9 =	vor.u32 v62, v9  }
0x401: {  	v12 =	vor.u32 v2, v5  }
.Ltmp31:
0x402: {  	(pc) =	sbr.rel @p0 .LBB2_65-.Ltmp31, $3  }
0x403: {  	_ =	sdelay $0x1  }
0x404: {  	[tilespmem:v9+s15+$0x0] =	vst.idx.msk $0xffff, v8  }
0x405: {  	v9 =	vshll.u32 v5, $0x7;
	v5 =	vadd.s32 s28, v0;
	s28 =	sadd.s32 $0x1, s28;
	v8 =	vld.idx.msk [tilespmem:v12+s22+$0x0], $0xffff  }
0x406: {  	v12 =	vand.u32 $0xF, v5;
	v9 =	vor.u32 v63, v9  }
0x407: {  	v4 =	vor.u32 v4, v12;
	_ =	sdelay $0x3  }
0x408: {  	[tilespmem:v9+s15+$0x0] =	vst.idx.msk $0xffff, v8;
	v8 =	vshll.u32 v12, $0x7  }
0x409: {  	v4 =	vld.idx.msk [tilespmem:v4+s22+$0x0], $0xffff;
	v8 =	vor.u32 v62, v8  }
0x40a: {  	v2 =	vor.u32 v2, v5;
	_ =	sdelay $0x3  }
0x40b: {  	[tilespmem:v8+s15+$0x0] =	vst.idx.msk $0xffff, v4;
	v4 =	vshll.u32 v5, $0x7  }
0x40c: {  	v2 =	vld.idx.msk [tilespmem:v2+s22+$0x0], $0xffff;
	v4 =	vor.u32 v63, v4;
	_ =	sdelay $0x4  }
0x40d: {  	s0 =	sadd.s32 s29, s10;
	s26 =	sadd.s32 $0x1, s26;
	[tilespmem:v4+s15+$0x0] =	vst.idx.msk $0xffff, v2  }
0x40e: {  	[hbm4b:s0+s3] =	stream.linear.scatter [tilespmem:s14], [sflag:$0x4], $0x400, $0x38;
	[tilespmem:$0x12500] =	vst v63  }
0x40f: {  	s28 =	sadd.s32 s29, s11;
	p0 =	sne.s32 s26, $0x64  }
0x410: {  	[hbm4b:s28+s3] =	stream.linear.scatter [tilespmem:s17], [sflag:$0x4], $0x400, $0x38;
	[tilespmem:$0x12500] =	vst v63  }
.Ltmp32:
0x411: {  	_ = 	snop;
	(pc) =	sbr.rel @p0 .LBB2_2-.Ltmp32, $4  }
0x412: {  	s30 =	sadd.s32 s29, s12  }
0x413: {  	[hbm4b:s30+s3] =	stream.linear.scatter [tilespmem:s21], [sflag:$0x4], $0x400, $0x38;
	[tilespmem:$0x12500] =	vst v63  }
0x414: {  	s31 =	sadd.s32 s29, s13  }
0x415: {  	[hbm4b:s31+s3] =	stream.linear.scatter [tilespmem:s25], [sflag:$0x4], $0x400, $0x38;
	[tilespmem:$0x12500] =	vst v63  }
0x416: {  	s0 =	simm.s32 $0x3  }
0x417: {  	_ =	swait.ge [sflag:s0], $0x2000  }
0x418: {  	[sflag:s0] =	ssyncset.done $0x0  }
0x419: {  	s16 =	simm.s32 $0x4;
	[sflag:s0] =	ssyncadd.s32 $0xFFFFE000  }
0x41a: {  	_ =	swait.ge [sflag:s16], $0x2000  }
0x41b: {  	s26 =	rddreg [dreg:$0x6]  }
0x41c: {  	s31 =	rddreg [dreg:$0x5];
	s26 =	sadd.s32 $0x1, s26  }
0x41d: {  	p0 =	sne.s32 s26, s31  }
.Ltmp33:
0x41e: {  	_ = 	snop;
	(pc) =	sbr.rel @p0 .LBB2_1-.Ltmp33, $3  }
0x41f: {  	_ =	sdelay $0x1  }
0x420: {  	[sflag:s16] =	ssyncset.done $0x0  }
0x421: {  	[sflag:s16] =	ssyncadd.s32 $0xFFFFE000  }
0x422: {  	_ =	sfence.sel $0x180000  }
0x423: {  	[bflag:$0x0] =	sbarrier.arrive $0xFFFF  }
0x424: {  	_ =	strace $0x90000047  }
0x425: {  	s0 =	stileid.u32;
	[bflag:$0x2] =	sbarrier.arrive $0xFFFF  }
0x426: {  	p0 =	sne.s32 s0, $0x0;
	s0 =	rddreg [dreg:$0x3]  }
0x427: {  	s0 =	sadd.s32 @!p0 $0x100000, s0  }
0x428: {  	[sflag:s0] =	ssyncadd.tile.s32 @!p0 $0x1;
	_ =	shalt  }
.Lfunc_end2:
_tile_overlayer_lowered:
.L_overlay_start_2:
0x429: {  	(tag) =	ssettag $0x2  }
0x42a: {  	s0 =	rddreg [dreg:$0x0];
	s2 =	stileid.u32  }
0x42b: {  	s1 =	rddreg [dreg:$0x1];
	p0 =	sne.s32 s2, $0x0  }
0x42c: {  	s3 =	rddreg [dreg:$0x2];
	[bflag:$0x3] =	sbarrier.arrive $0xFFFF;
	s2 =	simm.s32 @!p0 $0x1C05  }
0x42d: {  	[timem:s3], [sflag:s2] =	dma.local @!p0 [hbm:s0], s1  }
0x42e: {  	s0 =	simm.s32 @!p0 $0x5  }
0x42f: {  	_ =	swait.ge @!p0 [sflag:s0], s1  }
0x430: {  	s1 =	ssub.s32 @!p0 $0x0, s1;
	[sflag:s0] =	ssyncset.done @!p0 $0x0  }
0x431: {  	[sflag:s0] =	ssyncadd.s32 @!p0 s1  }
0x432: {  	[bflag:$0x3] =	sbarrier.arrive $0xFFFF  }
0x433: {  	_ =	shalt  }

</sc_bundles>
